<compile_context>
chip_gen: v7x
topology: tpu7x:2x2x1
jax: 0.10.2.dev20260603
libtpu: 0.0.44.dev20260713+nightly
codegen_flags: <defaults>
</compile_context>

<pallas_src>
import functools

import jax
import jax.numpy as jnp
from jax import lax
from jax.experimental import pallas as pl
from jax.experimental.pallas import tpu as pltpu
from jax.experimental.pallas import tpu_sc as plsc

Q = 4096
N = 16384
DIM = 128
KTOP = 16
G = 128
NG = N // G
QB = 256
KB = 4096
QBLK = Q // QB
KBLK = N // KB
GPB = KB // G

SC_NC = 2
SC_NS = 16
SC_NW = SC_NC * SC_NS
IDX_ROWS = (Q * KTOP) // 128
ROWS_PER_W = IDX_ROWS // SC_NW
SC_PASS = 4


def _tc1_body(q_ref, k_ref, t_ref, m_ref):
    j = pl.program_id(0)
    i = pl.program_id(1)
    q = q_ref[...]
    kv = k_ref[...]
    qs = jnp.sum(q * q, axis=1, keepdims=True)
    ks = jnp.sum(kv * kv, axis=1)[None, :]
    cross = lax.dot_general(q, kv, (((1,), (1,)), ((), ())),
                            preferred_element_type=jnp.float32)
    d = qs - 2.0 * cross + ks
    for c in range(GPB):
        t_ref[c] = d[:, c * G:(c + 1) * G]
    lane = lax.broadcasted_iota(jnp.int32, (QB, NG), 1)
    placed = jnp.full((QB, NG), jnp.inf, jnp.float32)
    for g in range(GPB):
        mg = jnp.min(d[:, g * G:(g + 1) * G], axis=1, keepdims=True)
        placed = jnp.where(lane == j * GPB + g, mg, placed)
    slab = m_ref[pl.ds(i * QB, QB), :]
    prev = jnp.where(j == 0, jnp.float32(jnp.inf), slab)
    m_ref[pl.ds(i * QB, QB), :] = jnp.minimum(prev, placed)


def _tc1(queries, keys):
    return pl.pallas_call(
        _tc1_body,
        grid=(KBLK, QBLK),
        in_specs=[
            pl.BlockSpec((QB, DIM), lambda j, i: (i, 0)),
            pl.BlockSpec((KB, DIM), lambda j, i: (j, 0)),
        ],
        out_specs=[
            pl.BlockSpec((GPB, QB, G), lambda j, i: (j, i, 0)),
            pl.BlockSpec((Q, NG), lambda j, i: (0, 0)),
        ],
        out_shape=[
            jax.ShapeDtypeStruct((NG, Q, G), jnp.float32),
            jax.ShapeDtypeStruct((Q, NG), jnp.float32),
        ],
    )(queries, keys)


def _tc1b_body(m_ref, g_ref, r_ref):
    i = pl.program_id(0)
    m = m_ref[...]
    git = lax.broadcasted_iota(jnp.int32, (QB, NG), 1)
    cols = []
    for _ in range(KTOP):
        mn = jnp.min(m, axis=1, keepdims=True)
        eq = m == mn
        si = jnp.min(jnp.where(eq, git, 1 << 30), axis=1, keepdims=True)
        cols.append(si)
        m = jnp.where(git == si, jnp.float32(jnp.inf), m)
    gid = jnp.concatenate(cols, axis=1)
    g_ref[...] = gid
    qg = lax.broadcasted_iota(jnp.int32, (QB, KTOP), 0) + i * QB
    r_ref[...] = gid * Q + qg


def _tc1b(m):
    return pl.pallas_call(
        _tc1b_body,
        grid=(QBLK,),
        in_specs=[pl.BlockSpec((QB, NG), lambda i: (i, 0))],
        out_specs=[
            pl.BlockSpec((QB, KTOP), lambda i: (i, 0)),
            pl.BlockSpec((QB, KTOP), lambda i: (i, 0)),
        ],
        out_shape=[
            jax.ShapeDtypeStruct((Q, KTOP), jnp.int32),
            jax.ShapeDtypeStruct((Q, KTOP), jnp.int32),
        ],
    )(m)


def _gather_candidates(table, idx2):
    mesh = plsc.VectorSubcoreMesh(core_axis_name="c", subcore_axis_name="s")

    @functools.partial(
        pl.kernel,
        out_type=jax.ShapeDtypeStruct((IDX_ROWS, 128, G), jnp.float32),
        mesh=mesh,
        scratch_types=[
            pltpu.VMEM((ROWS_PER_W, 128), jnp.int32),
            pltpu.VMEM((SC_PASS, 128, G), jnp.float32),
            pltpu.SemaphoreType.DMA,
        ],
    )
    def sc_gather(table_hbm, idx_hbm, out_hbm, idx_v, rows_v, sem):
        wid = lax.axis_index("s") * SC_NC + lax.axis_index("c")
        base = wid * ROWS_PER_W
        pltpu.sync_copy(idx_hbm.at[pl.ds(base, ROWS_PER_W)], idx_v)
        for p in range(ROWS_PER_W // SC_PASS):
            handles = [
                pltpu.async_copy(table_hbm.at[idx_v.at[p * SC_PASS + c]],
                                 rows_v.at[c], sem)
                for c in range(SC_PASS)
            ]
            for h in handles:
                h.wait()
            pltpu.sync_copy(
                rows_v, out_hbm.at[pl.ds(base + p * SC_PASS, SC_PASS)])

    return sc_gather(table, idx2)


def _tc3_body(c_ref, g_ref, d_ref, i_ref):
    vals = c_ref[...]
    gid = g_ref[...]
    off = lax.broadcasted_iota(jnp.int32, (QB, G), 1)
    iparts = [gid[:, s:s + 1] * G + off for s in range(KTOP)]
    cidx = jnp.concatenate(iparts, axis=1)
    dl, il = [], []
    for _ in range(KTOP):
        m = jnp.min(vals, axis=1, keepdims=True)
        eq = vals == m
        si = jnp.min(jnp.where(eq, cidx, 1 << 30), axis=1, keepdims=True)
        dl.append(m)
        il.append(si)
        vals = jnp.where(cidx == si, jnp.float32(jnp.inf), vals)
    d_ref[...] = jnp.concatenate(dl, axis=1)
    i_ref[...] = jnp.concatenate(il, axis=1)


def _tc3(cand, gid):
    return pl.pallas_call(
        _tc3_body,
        grid=(QBLK,),
        in_specs=[
            pl.BlockSpec((QB, KTOP * G), lambda i: (i, 0)),
            pl.BlockSpec((QB, KTOP), lambda i: (i, 0)),
        ],
        out_specs=[
            pl.BlockSpec((QB, KTOP), lambda i: (i, 0)),
            pl.BlockSpec((QB, KTOP), lambda i: (i, 0)),
        ],
        out_shape=[
            jax.ShapeDtypeStruct((Q, KTOP), jnp.float32),
            jax.ShapeDtypeStruct((Q, KTOP), jnp.int32),
        ],
    )(cand, gid)


def kernel(queries, keys, k):
    table, m = _tc1(queries, keys)
    gid, rowid = _tc1b(m)
    cand3 = _gather_candidates(
        table.reshape(NG * Q, G), rowid.reshape(IDX_ROWS, 128))
    dists, idx = _tc3(cand3.reshape(Q, KTOP * G), gid)
    shift = (jnp.asarray(k) - KTOP).astype(jnp.float32)
    return (dists + shift, idx)

# --- scband reference (transcript-rebuilt; emitter-appended) ---
"""Pipeline reference for scband-pose-transformer-v3-58059367907491 (READ-ONLY COPY).

The authoritative reference and input builder live on the scoring server;
editing this copy changes nothing except your own understanding.
"""

import jax, jax.numpy as jnp
import numpy as np


def setup_inputs(seed: int = 0) -> dict:
    key = jax.random.key(seed)
    kq, kk = jax.random.split(key)
    queries = jax.random.normal(kq, (4096, 128), dtype=jnp.float32)
    keys = jax.random.normal(kk, (16384, 128), dtype=jnp.float32)
    return {"queries": queries, "keys": keys, "k": 16}


def reference(queries, keys, k):
    # Faithful kNN retrieval as used by PoseTransformerV3.predict_coarse/predict_fine:
    #   knn(query_coord, base_coord, k) -> (knn_indexes, knn_dists)
    # Squared-euclidean distance matrix via the expanded form (compute-heavy matmul),
    # then top-k smallest distances per query.
    k_static = 16
    q_sq = jnp.sum(queries * queries, axis=1, keepdims=True)          # [Q, 1]
    k_sq = jnp.sum(keys * keys, axis=1)[None, :]                      # [1, K]
    cross = queries @ keys.T                                          # [Q, K] (dominant compute)
    dists = q_sq - 2.0 * cross + k_sq                                 # [Q, K]
    dists = dists + (jnp.asarray(k) - k_static).astype(dists.dtype)
    neg_vals, idx = jax.lax.top_k(-dists, k_static)                   # k nearest
    knn_dists = -neg_vals                                             # [Q, k]
    return (knn_dists, idx)

if __name__ == "__main__":
    import jax
    _d = setup_inputs()
    print(jax.jit(kernel)(*tuple(_d.values())))

</pallas_src>

<mosaic_0001>
#map = affine_map<(d0, d1) -> (0, 0)>
#map1 = affine_map<(d0, d1) -> (0, 0, 0)>
module attributes {stable_mosaic.version = 14 : i64} {
  func.func @sc_gather(%arg0: i32, %arg1: i32, %arg2: memref<524288x128xf32, #tpu.memory_space<hbm>>, %arg3: memref<512x128xi32, #tpu.memory_space<hbm>>, %arg4: memref<512x128x128xf32, #tpu.memory_space<hbm>>, %arg5: memref<16x128xi32, #tpu.memory_space<vmem>>, %arg6: memref<4x128x128xf32, #tpu.memory_space<vmem>>, %arg7: memref<!tpu.dma_semaphore, #tpu.memory_space<semaphore_mem>>) attributes {dimension_semantics = [#tpu.dimension_semantics<core_parallel>, #tpu.dimension_semantics<subcore_parallel>], iteration_bounds = array<i64: 2, 16>, scalar_prefetch = 0 : i64, scratch_operands = 3 : i64, tpu.core_type = #tpu.core_type<sc_vector_subcore>, window_params = [{transform_indices = #map}, {transform_indices = #map}, {transform_indices = #map1}]} {
    %mul3A = arith.constant 2 : i32
    %mul3A_0 = arith.muli %arg1, %mul3A : i32
    %add3A = arith.addi %mul3A_0, %arg0 : i32
    %mul3A_1 = arith.constant 16 : i32
    %mul3A_2 = arith.muli %add3A, %mul3A_1 : i32
    "tpu.region"() ({
      %run_scoped3A = tpu.sem_alloc : memref<!tpu.dma_semaphore, #tpu.memory_space<semaphore_mem>>
      %dma_start3A_393 = arith.constant 0 : i32
      %dma_start3A_394 = tpu.memref_slice %arg3[%mul3A_2, %dma_start3A_393] : memref<512x128xi32, #tpu.memory_space<hbm>> -> memref<16x128xi32, #tpu.memory_space<hbm>>
      %dma_start3A_395 = arith.constant 0 : i32
      %dma_start3A_396 = tpu.memref_slice %arg3[%mul3A_2, %dma_start3A_395] : memref<512x128xi32, #tpu.memory_space<hbm>> -> memref<16x128xi32, #tpu.memory_space<hbm>>
      tpu.enqueue_dma source(%dma_start3A_396 : memref<16x128xi32, #tpu.memory_space<hbm>>) target(%arg5 : memref<16x128xi32, #tpu.memory_space<vmem>>) target_semaphore(%run_scoped3A : memref<!tpu.dma_semaphore, #tpu.memory_space<semaphore_mem>>)
      %dma_wait3A_397 = arith.constant 0 : i32
      %dma_wait3A_398 = tpu.memref_slice %arg3[%mul3A_2, %dma_wait3A_397] : memref<512x128xi32, #tpu.memory_space<hbm>> -> memref<16x128xi32, #tpu.memory_space<hbm>>
      %dma_wait3A_399 = arith.constant 0 : i32
      %dma_wait3A_400 = tpu.memref_slice %arg3[%mul3A_2, %dma_wait3A_399] : memref<512x128xi32, #tpu.memory_space<hbm>> -> memref<16x128xi32, #tpu.memory_space<hbm>>
      tpu.wait_dma2 semaphore(%run_scoped3A : memref<!tpu.dma_semaphore, #tpu.memory_space<semaphore_mem>>) src(%dma_wait3A_400 : memref<16x128xi32, #tpu.memory_space<hbm>>) dst(%arg5 : memref<16x128xi32, #tpu.memory_space<vmem>>)
      tpu.yield
    }) : () -> ()
    %dma_start3A = arith.constant 0 : i32
    %dma_start3A_3 = arith.constant 0 : i32
    %dma_start3A_4 = arith.constant 0 : i32
    %dma_start3A_5 = arith.constant 0 : i32
    %dma_start3A_6 = tpu.memref_slice %arg6[%dma_start3A_3, %dma_start3A_4, %dma_start3A_5] : memref<4x128x128xf32, #tpu.memory_space<vmem>> -> memref<1x128x128xf32, #tpu.memory_space<vmem>>
    %dma_start3A_7 = tpu.memref_squeeze %dma_start3A_6 : memref<1x128x128xf32, #tpu.memory_space<vmem>> -> memref<128x128xf32, #tpu.memory_space<vmem>>
    %dma_start3A_8 = arith.constant 0 : i32
    %dma_start3A_9 = tpu.memref_slice %arg5[%dma_start3A, %dma_start3A_8] : memref<16x128xi32, #tpu.memory_space<vmem>> -> memref<1x128xi32, #tpu.memory_space<vmem>>
    %dma_start3A_10 = tpu.memref_squeeze %dma_start3A_9 : memref<1x128xi32, #tpu.memory_space<vmem>> -> memref<128xi32, #tpu.memory_space<vmem>>
    %dma_start3A_11 = arith.constant 0 : i32
    %dma_start3A_12 = arith.constant 0 : i32
    %dma_start3A_13 = tpu.memref_slice %arg2[%dma_start3A_11, %dma_start3A_12] : memref<524288x128xf32, #tpu.memory_space<hbm>> -> memref<524288x128xf32, #tpu.memory_space<hbm>>
    tpu.enqueue_indirect_dma source(%dma_start3A_13 : memref<524288x128xf32, #tpu.memory_space<hbm>>) target(%dma_start3A_7 : memref<128x128xf32, #tpu.memory_space<vmem>>) offsets(%dma_start3A_10 : memref<128xi32, #tpu.memory_space<vmem>>) semaphore(%arg7 : memref<!tpu.dma_semaphore, #tpu.memory_space<semaphore_mem>>)
    %dma_start3A_14 = arith.constant 1 : i32
    %dma_start3A_15 = arith.constant 1 : i32
    %dma_start3A_16 = arith.constant 0 : i32
    %dma_start3A_17 = arith.constant 0 : i32
    %dma_start3A_18 = tpu.memref_slice %arg6[%dma_start3A_15, %dma_start3A_16, %dma_start3A_17] : memref<4x128x128xf32, #tpu.memory_space<vmem>> -> memref<1x128x128xf32, #tpu.memory_space<vmem>>
    %dma_start3A_19 = tpu.memref_squeeze %dma_start3A_18 : memref<1x128x128xf32, #tpu.memory_space<vmem>> -> memref<128x128xf32, #tpu.memory_space<vmem>>
    %dma_start3A_20 = arith.constant 0 : i32
    %dma_start3A_21 = tpu.memref_slice %arg5[%dma_start3A_14, %dma_start3A_20] : memref<16x128xi32, #tpu.memory_space<vmem>> -> memref<1x128xi32, #tpu.memory_space<vmem>>
    %dma_start3A_22 = tpu.memref_squeeze %dma_start3A_21 : memref<1x128xi32, #tpu.memory_space<vmem>> -> memref<128xi32, #tpu.memory_space<vmem>>
    %dma_start3A_23 = arith.constant 0 : i32
    %dma_start3A_24 = arith.constant 0 : i32
    %dma_start3A_25 = tpu.memref_slice %arg2[%dma_start3A_23, %dma_start3A_24] : memref<524288x128xf32, #tpu.memory_space<hbm>> -> memref<524288x128xf32, #tpu.memory_space<hbm>>
    tpu.enqueue_indirect_dma source(%dma_start3A_25 : memref<524288x128xf32, #tpu.memory_space<hbm>>) target(%dma_start3A_19 : memref<128x128xf32, #tpu.memory_space<vmem>>) offsets(%dma_start3A_22 : memref<128xi32, #tpu.memory_space<vmem>>) semaphore(%arg7 : memref<!tpu.dma_semaphore, #tpu.memory_space<semaphore_mem>>)
    %dma_start3A_26 = arith.constant 2 : i32
    %dma_start3A_27 = arith.constant 2 : i32
    %dma_start3A_28 = arith.constant 0 : i32
    %dma_start3A_29 = arith.constant 0 : i32
    %dma_start3A_30 = tpu.memref_slice %arg6[%dma_start3A_27, %dma_start3A_28, %dma_start3A_29] : memref<4x128x128xf32, #tpu.memory_space<vmem>> -> memref<1x128x128xf32, #tpu.memory_space<vmem>>
    %dma_start3A_31 = tpu.memref_squeeze %dma_start3A_30 : memref<1x128x128xf32, #tpu.memory_space<vmem>> -> memref<128x128xf32, #tpu.memory_space<vmem>>
    %dma_start3A_32 = arith.constant 0 : i32
    %dma_start3A_33 = tpu.memref_slice %arg5[%dma_start3A_26, %dma_start3A_32] : memref<16x128xi32, #tpu.memory_space<vmem>> -> memref<1x128xi32, #tpu.memory_space<vmem>>
    %dma_start3A_34 = tpu.memref_squeeze %dma_start3A_33 : memref<1x128xi32, #tpu.memory_space<vmem>> -> memref<128xi32, #tpu.memory_space<vmem>>
    %dma_start3A_35 = arith.constant 0 : i32
    %dma_start3A_36 = arith.constant 0 : i32
    %dma_start3A_37 = tpu.memref_slice %arg2[%dma_start3A_35, %dma_start3A_36] : memref<524288x128xf32, #tpu.memory_space<hbm>> -> memref<524288x128xf32, #tpu.memory_space<hbm>>
    tpu.enqueue_indirect_dma source(%dma_start3A_37 : memref<524288x128xf32, #tpu.memory_space<hbm>>) target(%dma_start3A_31 : memref<128x128xf32, #tpu.memory_space<vmem>>) offsets(%dma_start3A_34 : memref<128xi32, #tpu.memory_space<vmem>>) semaphore(%arg7 : memref<!tpu.dma_semaphore, #tpu.memory_space<semaphore_mem>>)
    %dma_start3A_38 = arith.constant 3 : i32
    %dma_start3A_39 = arith.constant 3 : i32
    %dma_start3A_40 = arith.constant 0 : i32
    %dma_start3A_41 = arith.constant 0 : i32
    %dma_start3A_42 = tpu.memref_slice %arg6[%dma_start3A_39, %dma_start3A_40, %dma_start3A_41] : memref<4x128x128xf32, #tpu.memory_space<vmem>> -> memref<1x128x128xf32, #tpu.memory_space<vmem>>
    %dma_start3A_43 = tpu.memref_squeeze %dma_start3A_42 : memref<1x128x128xf32, #tpu.memory_space<vmem>> -> memref<128x128xf32, #tpu.memory_space<vmem>>
    %dma_start3A_44 = arith.constant 0 : i32
    %dma_start3A_45 = tpu.memref_slice %arg5[%dma_start3A_38, %dma_start3A_44] : memref<16x128xi32, #tpu.memory_space<vmem>> -> memref<1x128xi32, #tpu.memory_space<vmem>>
    %dma_start3A_46 = tpu.memref_squeeze %dma_start3A_45 : memref<1x128xi32, #tpu.memory_space<vmem>> -> memref<128xi32, #tpu.memory_space<vmem>>
    %dma_start3A_47 = arith.constant 0 : i32
    %dma_start3A_48 = arith.constant 0 : i32
    %dma_start3A_49 = tpu.memref_slice %arg2[%dma_start3A_47, %dma_start3A_48] : memref<524288x128xf32, #tpu.memory_space<hbm>> -> memref<524288x128xf32, #tpu.memory_space<hbm>>
    tpu.enqueue_indirect_dma source(%dma_start3A_49 : memref<524288x128xf32, #tpu.memory_space<hbm>>) target(%dma_start3A_43 : memref<128x128xf32, #tpu.memory_space<vmem>>) offsets(%dma_start3A_46 : memref<128xi32, #tpu.memory_space<vmem>>) semaphore(%arg7 : memref<!tpu.dma_semaphore, #tpu.memory_space<semaphore_mem>>)
    %dma_wait3A = arith.constant 0 : i32
    %dma_wait3A_50 = arith.constant 0 : i32
    %dma_wait3A_51 = arith.constant 0 : i32
    %dma_wait3A_52 = arith.constant 0 : i32
    %dma_wait3A_53 = tpu.memref_slice %arg6[%dma_wait3A_50, %dma_wait3A_51, %dma_wait3A_52] : memref<4x128x128xf32, #tpu.memory_space<vmem>> -> memref<1x128x128xf32, #tpu.memory_space<vmem>>
    %dma_wait3A_54 = tpu.memref_squeeze %dma_wait3A_53 : memref<1x128x128xf32, #tpu.memory_space<vmem>> -> memref<128x128xf32, #tpu.memory_space<vmem>>
    %dma_wait3A_55 = arith.constant 0 : i32
    %dma_wait3A_56 = tpu.memref_slice %arg5[%dma_wait3A, %dma_wait3A_55] : memref<16x128xi32, #tpu.memory_space<vmem>> -> memref<1x128xi32, #tpu.memory_space<vmem>>
    %dma_wait3A_57 = tpu.memref_squeeze %dma_wait3A_56 : memref<1x128xi32, #tpu.memory_space<vmem>> -> memref<128xi32, #tpu.memory_space<vmem>>
    %dma_wait3A_58 = arith.constant 0 : i32
    %dma_wait3A_59 = arith.constant 0 : i32
    %dma_wait3A_60 = tpu.memref_slice %arg2[%dma_wait3A_58, %dma_wait3A_59] : memref<524288x128xf32, #tpu.memory_space<hbm>> -> memref<524288x128xf32, #tpu.memory_space<hbm>>
    tpu.wait_indirect_dma semaphore(%arg7 : memref<!tpu.dma_semaphore, #tpu.memory_space<semaphore_mem>>) src(%dma_wait3A_60 : memref<524288x128xf32, #tpu.memory_space<hbm>>) dst(%dma_wait3A_54 : memref<128x128xf32, #tpu.memory_space<vmem>>)
    %dma_wait3A_61 = arith.constant 1 : i32
    %dma_wait3A_62 = arith.constant 1 : i32
    %dma_wait3A_63 = arith.constant 0 : i32
    %dma_wait3A_64 = arith.constant 0 : i32
    %dma_wait3A_65 = tpu.memref_slice %arg6[%dma_wait3A_62, %dma_wait3A_63, %dma_wait3A_64] : memref<4x128x128xf32, #tpu.memory_space<vmem>> -> memref<1x128x128xf32, #tpu.memory_space<vmem>>
    %dma_wait3A_66 = tpu.memref_squeeze %dma_wait3A_65 : memref<1x128x128xf32, #tpu.memory_space<vmem>> -> memref<128x128xf32, #tpu.memory_space<vmem>>
    %dma_wait3A_67 = arith.constant 0 : i32
    %dma_wait3A_68 = tpu.memref_slice %arg5[%dma_wait3A_61, %dma_wait3A_67] : memref<16x128xi32, #tpu.memory_space<vmem>> -> memref<1x128xi32, #tpu.memory_space<vmem>>
    %dma_wait3A_69 = tpu.memref_squeeze %dma_wait3A_68 : memref<1x128xi32, #tpu.memory_space<vmem>> -> memref<128xi32, #tpu.memory_space<vmem>>
    %dma_wait3A_70 = arith.constant 0 : i32
    %dma_wait3A_71 = arith.constant 0 : i32
    %dma_wait3A_72 = tpu.memref_slice %arg2[%dma_wait3A_70, %dma_wait3A_71] : memref<524288x128xf32, #tpu.memory_space<hbm>> -> memref<524288x128xf32, #tpu.memory_space<hbm>>
    tpu.wait_indirect_dma semaphore(%arg7 : memref<!tpu.dma_semaphore, #tpu.memory_space<semaphore_mem>>) src(%dma_wait3A_72 : memref<524288x128xf32, #tpu.memory_space<hbm>>) dst(%dma_wait3A_66 : memref<128x128xf32, #tpu.memory_space<vmem>>)
    %dma_wait3A_73 = arith.constant 2 : i32
    %dma_wait3A_74 = arith.constant 2 : i32
    %dma_wait3A_75 = arith.constant 0 : i32
    %dma_wait3A_76 = arith.constant 0 : i32
    %dma_wait3A_77 = tpu.memref_slice %arg6[%dma_wait3A_74, %dma_wait3A_75, %dma_wait3A_76] : memref<4x128x128xf32, #tpu.memory_space<vmem>> -> memref<1x128x128xf32, #tpu.memory_space<vmem>>
    %dma_wait3A_78 = tpu.memref_squeeze %dma_wait3A_77 : memref<1x128x128xf32, #tpu.memory_space<vmem>> -> memref<128x128xf32, #tpu.memory_space<vmem>>
    %dma_wait3A_79 = arith.constant 0 : i32
    %dma_wait3A_80 = tpu.memref_slice %arg5[%dma_wait3A_73, %dma_wait3A_79] : memref<16x128xi32, #tpu.memory_space<vmem>> -> memref<1x128xi32, #tpu.memory_space<vmem>>
    %dma_wait3A_81 = tpu.memref_squeeze %dma_wait3A_80 : memref<1x128xi32, #tpu.memory_space<vmem>> -> memref<128xi32, #tpu.memory_space<vmem>>
    %dma_wait3A_82 = arith.constant 0 : i32
    %dma_wait3A_83 = arith.constant 0 : i32
    %dma_wait3A_84 = tpu.memref_slice %arg2[%dma_wait3A_82, %dma_wait3A_83] : memref<524288x128xf32, #tpu.memory_space<hbm>> -> memref<524288x128xf32, #tpu.memory_space<hbm>>
    tpu.wait_indirect_dma semaphore(%arg7 : memref<!tpu.dma_semaphore, #tpu.memory_space<semaphore_mem>>) src(%dma_wait3A_84 : memref<524288x128xf32, #tpu.memory_space<hbm>>) dst(%dma_wait3A_78 : memref<128x128xf32, #tpu.memory_space<vmem>>)
    %dma_wait3A_85 = arith.constant 3 : i32
    %dma_wait3A_86 = arith.constant 3 : i32
    %dma_wait3A_87 = arith.constant 0 : i32
    %dma_wait3A_88 = arith.constant 0 : i32
    %dma_wait3A_89 = tpu.memref_slice %arg6[%dma_wait3A_86, %dma_wait3A_87, %dma_wait3A_88] : memref<4x128x128xf32, #tpu.memory_space<vmem>> -> memref<1x128x128xf32, #tpu.memory_space<vmem>>
    %dma_wait3A_90 = tpu.memref_squeeze %dma_wait3A_89 : memref<1x128x128xf32, #tpu.memory_space<vmem>> -> memref<128x128xf32, #tpu.memory_space<vmem>>
    %dma_wait3A_91 = arith.constant 0 : i32
    %dma_wait3A_92 = tpu.memref_slice %arg5[%dma_wait3A_85, %dma_wait3A_91] : memref<16x128xi32, #tpu.memory_space<vmem>> -> memref<1x128xi32, #tpu.memory_space<vmem>>
    %dma_wait3A_93 = tpu.memref_squeeze %dma_wait3A_92 : memref<1x128xi32, #tpu.memory_space<vmem>> -> memref<128xi32, #tpu.memory_space<vmem>>
    %dma_wait3A_94 = arith.constant 0 : i32
    %dma_wait3A_95 = arith.constant 0 : i32
    %dma_wait3A_96 = tpu.memref_slice %arg2[%dma_wait3A_94, %dma_wait3A_95] : memref<524288x128xf32, #tpu.memory_space<hbm>> -> memref<524288x128xf32, #tpu.memory_space<hbm>>
    tpu.wait_indirect_dma semaphore(%arg7 : memref<!tpu.dma_semaphore, #tpu.memory_space<semaphore_mem>>) src(%dma_wait3A_96 : memref<524288x128xf32, #tpu.memory_space<hbm>>) dst(%dma_wait3A_90 : memref<128x128xf32, #tpu.memory_space<vmem>>)
    %add3A_97 = arith.constant 0 : i32
    %add3A_98 = arith.addi %mul3A_2, %add3A_97 : i32
    "tpu.region"() ({
      %run_scoped3A = tpu.sem_alloc : memref<!tpu.dma_semaphore, #tpu.memory_space<semaphore_mem>>
      %dma_start3A_393 = arith.constant 0 : i32
      %dma_start3A_394 = arith.constant 0 : i32
      %dma_start3A_395 = tpu.memref_slice %arg4[%add3A_98, %dma_start3A_393, %dma_start3A_394] : memref<512x128x128xf32, #tpu.memory_space<hbm>> -> memref<4x128x128xf32, #tpu.memory_space<hbm>>
      %dma_start3A_396 = arith.constant 0 : i32
      %dma_start3A_397 = arith.constant 0 : i32
      %dma_start3A_398 = tpu.memref_slice %arg4[%add3A_98, %dma_start3A_396, %dma_start3A_397] : memref<512x128x128xf32, #tpu.memory_space<hbm>> -> memref<4x128x128xf32, #tpu.memory_space<hbm>>
      tpu.enqueue_dma source(%arg6 : memref<4x128x128xf32, #tpu.memory_space<vmem>>) target(%dma_start3A_398 : memref<4x128x128xf32, #tpu.memory_space<hbm>>) target_semaphore(%run_scoped3A : memref<!tpu.dma_semaphore, #tpu.memory_space<semaphore_mem>>)
      %dma_wait3A_399 = arith.constant 0 : i32
      %dma_wait3A_400 = arith.constant 0 : i32
      %dma_wait3A_401 = tpu.memref_slice %arg4[%add3A_98, %dma_wait3A_399, %dma_wait3A_400] : memref<512x128x128xf32, #tpu.memory_space<hbm>> -> memref<4x128x128xf32, #tpu.memory_space<hbm>>
      %dma_wait3A_402 = arith.constant 0 : i32
      %dma_wait3A_403 = arith.constant 0 : i32
      %dma_wait3A_404 = tpu.memref_slice %arg4[%add3A_98, %dma_wait3A_402, %dma_wait3A_403] : memref<512x128x128xf32, #tpu.memory_space<hbm>> -> memref<4x128x128xf32, #tpu.memory_space<hbm>>
      tpu.wait_dma2 semaphore(%run_scoped3A : memref<!tpu.dma_semaphore, #tpu.memory_space<semaphore_mem>>) src(%arg6 : memref<4x128x128xf32, #tpu.memory_space<vmem>>) dst(%dma_wait3A_404 : memref<4x128x128xf32, #tpu.memory_space<hbm>>)
      tpu.yield
    }) : () -> ()
    %dma_start3A_99 = arith.constant 4 : i32
    %dma_start3A_100 = arith.constant 0 : i32
    %dma_start3A_101 = arith.constant 0 : i32
    %dma_start3A_102 = arith.constant 0 : i32
    %dma_start3A_103 = tpu.memref_slice %arg6[%dma_start3A_100, %dma_start3A_101, %dma_start3A_102] : memref<4x128x128xf32, #tpu.memory_space<vmem>> -> memref<1x128x128xf32, #tpu.memory_space<vmem>>
    %dma_start3A_104 = tpu.memref_squeeze %dma_start3A_103 : memref<1x128x128xf32, #tpu.memory_space<vmem>> -> memref<128x128xf32, #tpu.memory_space<vmem>>
    %dma_start3A_105 = arith.constant 0 : i32
    %dma_start3A_106 = tpu.memref_slice %arg5[%dma_start3A_99, %dma_start3A_105] : memref<16x128xi32, #tpu.memory_space<vmem>> -> memref<1x128xi32, #tpu.memory_space<vmem>>
    %dma_start3A_107 = tpu.memref_squeeze %dma_start3A_106 : memref<1x128xi32, #tpu.memory_space<vmem>> -> memref<128xi32, #tpu.memory_space<vmem>>
    %dma_start3A_108 = arith.constant 0 : i32
    %dma_start3A_109 = arith.constant 0 : i32
    %dma_start3A_110 = tpu.memref_slice %arg2[%dma_start3A_108, %dma_start3A_109] : memref<524288x128xf32, #tpu.memory_space<hbm>> -> memref<524288x128xf32, #tpu.memory_space<hbm>>
    tpu.enqueue_indirect_dma source(%dma_start3A_110 : memref<524288x128xf32, #tpu.memory_space<hbm>>) target(%dma_start3A_104 : memref<128x128xf32, #tpu.memory_space<vmem>>) offsets(%dma_start3A_107 : memref<128xi32, #tpu.memory_space<vmem>>) semaphore(%arg7 : memref<!tpu.dma_semaphore, #tpu.memory_space<semaphore_mem>>)
    %dma_start3A_111 = arith.constant 5 : i32
    %dma_start3A_112 = arith.constant 1 : i32
    %dma_start3A_113 = arith.constant 0 : i32
    %dma_start3A_114 = arith.constant 0 : i32
    %dma_start3A_115 = tpu.memref_slice %arg6[%dma_start3A_112, %dma_start3A_113, %dma_start3A_114] : memref<4x128x128xf32, #tpu.memory_space<vmem>> -> memref<1x128x128xf32, #tpu.memory_space<vmem>>
    %dma_start3A_116 = tpu.memref_squeeze %dma_start3A_115 : memref<1x128x128xf32, #tpu.memory_space<vmem>> -> memref<128x128xf32, #tpu.memory_space<vmem>>
    %dma_start3A_117 = arith.constant 0 : i32
    %dma_start3A_118 = tpu.memref_slice %arg5[%dma_start3A_111, %dma_start3A_117] : memref<16x128xi32, #tpu.memory_space<vmem>> -> memref<1x128xi32, #tpu.memory_space<vmem>>
    %dma_start3A_119 = tpu.memref_squeeze %dma_start3A_118 : memref<1x128xi32, #tpu.memory_space<vmem>> -> memref<128xi32, #tpu.memory_space<vmem>>
    %dma_start3A_120 = arith.constant 0 : i32
    %dma_start3A_121 = arith.constant 0 : i32
    %dma_start3A_122 = tpu.memref_slice %arg2[%dma_start3A_120, %dma_start3A_121] : memref<524288x128xf32, #tpu.memory_space<hbm>> -> memref<524288x128xf32, #tpu.memory_space<hbm>>
    tpu.enqueue_indirect_dma source(%dma_start3A_122 : memref<524288x128xf32, #tpu.memory_space<hbm>>) target(%dma_start3A_116 : memref<128x128xf32, #tpu.memory_space<vmem>>) offsets(%dma_start3A_119 : memref<128xi32, #tpu.memory_space<vmem>>) semaphore(%arg7 : memref<!tpu.dma_semaphore, #tpu.memory_space<semaphore_mem>>)
    %dma_start3A_123 = arith.constant 6 : i32
    %dma_start3A_124 = arith.constant 2 : i32
    %dma_start3A_125 = arith.constant 0 : i32
    %dma_start3A_126 = arith.constant 0 : i32
    %dma_start3A_127 = tpu.memref_slice %arg6[%dma_start3A_124, %dma_start3A_125, %dma_start3A_126] : memref<4x128x128xf32, #tpu.memory_space<vmem>> -> memref<1x128x128xf32, #tpu.memory_space<vmem>>
    %dma_start3A_128 = tpu.memref_squeeze %dma_start3A_127 : memref<1x128x128xf32, #tpu.memory_space<vmem>> -> memref<128x128xf32, #tpu.memory_space<vmem>>
    %dma_start3A_129 = arith.constant 0 : i32
    %dma_start3A_130 = tpu.memref_slice %arg5[%dma_start3A_123, %dma_start3A_129] : memref<16x128xi32, #tpu.memory_space<vmem>> -> memref<1x128xi32, #tpu.memory_space<vmem>>
    %dma_start3A_131 = tpu.memref_squeeze %dma_start3A_130 : memref<1x128xi32, #tpu.memory_space<vmem>> -> memref<128xi32, #tpu.memory_space<vmem>>
    %dma_start3A_132 = arith.constant 0 : i32
    %dma_start3A_133 = arith.constant 0 : i32
    %dma_start3A_134 = tpu.memref_slice %arg2[%dma_start3A_132, %dma_start3A_133] : memref<524288x128xf32, #tpu.memory_space<hbm>> -> memref<524288x128xf32, #tpu.memory_space<hbm>>
    tpu.enqueue_indirect_dma source(%dma_start3A_134 : memref<524288x128xf32, #tpu.memory_space<hbm>>) target(%dma_start3A_128 : memref<128x128xf32, #tpu.memory_space<vmem>>) offsets(%dma_start3A_131 : memref<128xi32, #tpu.memory_space<vmem>>) semaphore(%arg7 : memref<!tpu.dma_semaphore, #tpu.memory_space<semaphore_mem>>)
    %dma_start3A_135 = arith.constant 7 : i32
    %dma_start3A_136 = arith.constant 3 : i32
    %dma_start3A_137 = arith.constant 0 : i32
    %dma_start3A_138 = arith.constant 0 : i32
    %dma_start3A_139 = tpu.memref_slice %arg6[%dma_start3A_136, %dma_start3A_137, %dma_start3A_138] : memref<4x128x128xf32, #tpu.memory_space<vmem>> -> memref<1x128x128xf32, #tpu.memory_space<vmem>>
    %dma_start3A_140 = tpu.memref_squeeze %dma_start3A_139 : memref<1x128x128xf32, #tpu.memory_space<vmem>> -> memref<128x128xf32, #tpu.memory_space<vmem>>
    %dma_start3A_141 = arith.constant 0 : i32
    %dma_start3A_142 = tpu.memref_slice %arg5[%dma_start3A_135, %dma_start3A_141] : memref<16x128xi32, #tpu.memory_space<vmem>> -> memref<1x128xi32, #tpu.memory_space<vmem>>
    %dma_start3A_143 = tpu.memref_squeeze %dma_start3A_142 : memref<1x128xi32, #tpu.memory_space<vmem>> -> memref<128xi32, #tpu.memory_space<vmem>>
    %dma_start3A_144 = arith.constant 0 : i32
    %dma_start3A_145 = arith.constant 0 : i32
    %dma_start3A_146 = tpu.memref_slice %arg2[%dma_start3A_144, %dma_start3A_145] : memref<524288x128xf32, #tpu.memory_space<hbm>> -> memref<524288x128xf32, #tpu.memory_space<hbm>>
    tpu.enqueue_indirect_dma source(%dma_start3A_146 : memref<524288x128xf32, #tpu.memory_space<hbm>>) target(%dma_start3A_140 : memref<128x128xf32, #tpu.memory_space<vmem>>) offsets(%dma_start3A_143 : memref<128xi32, #tpu.memory_space<vmem>>) semaphore(%arg7 : memref<!tpu.dma_semaphore, #tpu.memory_space<semaphore_mem>>)
    %dma_wait3A_147 = arith.constant 4 : i32
    %dma_wait3A_148 = arith.constant 0 : i32
    %dma_wait3A_149 = arith.constant 0 : i32
    %dma_wait3A_150 = arith.constant 0 : i32
    %dma_wait3A_151 = tpu.memref_slice %arg6[%dma_wait3A_148, %dma_wait3A_149, %dma_wait3A_150] : memref<4x128x128xf32, #tpu.memory_space<vmem>> -> memref<1x128x128xf32, #tpu.memory_space<vmem>>
    %dma_wait3A_152 = tpu.memref_squeeze %dma_wait3A_151 : memref<1x128x128xf32, #tpu.memory_space<vmem>> -> memref<128x128xf32, #tpu.memory_space<vmem>>
    %dma_wait3A_153 = arith.constant 0 : i32
    %dma_wait3A_154 = tpu.memref_slice %arg5[%dma_wait3A_147, %dma_wait3A_153] : memref<16x128xi32, #tpu.memory_space<vmem>> -> memref<1x128xi32, #tpu.memory_space<vmem>>
    %dma_wait3A_155 = tpu.memref_squeeze %dma_wait3A_154 : memref<1x128xi32, #tpu.memory_space<vmem>> -> memref<128xi32, #tpu.memory_space<vmem>>
    %dma_wait3A_156 = arith.constant 0 : i32
    %dma_wait3A_157 = arith.constant 0 : i32
    %dma_wait3A_158 = tpu.memref_slice %arg2[%dma_wait3A_156, %dma_wait3A_157] : memref<524288x128xf32, #tpu.memory_space<hbm>> -> memref<524288x128xf32, #tpu.memory_space<hbm>>
    tpu.wait_indirect_dma semaphore(%arg7 : memref<!tpu.dma_semaphore, #tpu.memory_space<semaphore_mem>>) src(%dma_wait3A_158 : memref<524288x128xf32, #tpu.memory_space<hbm>>) dst(%dma_wait3A_152 : memref<128x128xf32, #tpu.memory_space<vmem>>)
    %dma_wait3A_159 = arith.constant 5 : i32
    %dma_wait3A_160 = arith.constant 1 : i32
    %dma_wait3A_161 = arith.constant 0 : i32
    %dma_wait3A_162 = arith.constant 0 : i32
    %dma_wait3A_163 = tpu.memref_slice %arg6[%dma_wait3A_160, %dma_wait3A_161, %dma_wait3A_162] : memref<4x128x128xf32, #tpu.memory_space<vmem>> -> memref<1x128x128xf32, #tpu.memory_space<vmem>>
    %dma_wait3A_164 = tpu.memref_squeeze %dma_wait3A_163 : memref<1x128x128xf32, #tpu.memory_space<vmem>> -> memref<128x128xf32, #tpu.memory_space<vmem>>
    %dma_wait3A_165 = arith.constant 0 : i32
    %dma_wait3A_166 = tpu.memref_slice %arg5[%dma_wait3A_159, %dma_wait3A_165] : memref<16x128xi32, #tpu.memory_space<vmem>> -> memref<1x128xi32, #tpu.memory_space<vmem>>
    %dma_wait3A_167 = tpu.memref_squeeze %dma_wait3A_166 : memref<1x128xi32, #tpu.memory_space<vmem>> -> memref<128xi32, #tpu.memory_space<vmem>>
    %dma_wait3A_168 = arith.constant 0 : i32
    %dma_wait3A_169 = arith.constant 0 : i32
    %dma_wait3A_170 = tpu.memref_slice %arg2[%dma_wait3A_168, %dma_wait3A_169] : memref<524288x128xf32, #tpu.memory_space<hbm>> -> memref<524288x128xf32, #tpu.memory_space<hbm>>
    tpu.wait_indirect_dma semaphore(%arg7 : memref<!tpu.dma_semaphore, #tpu.memory_space<semaphore_mem>>) src(%dma_wait3A_170 : memref<524288x128xf32, #tpu.memory_space<hbm>>) dst(%dma_wait3A_164 : memref<128x128xf32, #tpu.memory_space<vmem>>)
    %dma_wait3A_171 = arith.constant 6 : i32
    %dma_wait3A_172 = arith.constant 2 : i32
    %dma_wait3A_173 = arith.constant 0 : i32
    %dma_wait3A_174 = arith.constant 0 : i32
    %dma_wait3A_175 = tpu.memref_slice %arg6[%dma_wait3A_172, %dma_wait3A_173, %dma_wait3A_174] : memref<4x128x128xf32, #tpu.memory_space<vmem>> -> memref<1x128x128xf32, #tpu.memory_space<vmem>>
    %dma_wait3A_176 = tpu.memref_squeeze %dma_wait3A_175 : memref<1x128x128xf32, #tpu.memory_space<vmem>> -> memref<128x128xf32, #tpu.memory_space<vmem>>
    %dma_wait3A_177 = arith.constant 0 : i32
    %dma_wait3A_178 = tpu.memref_slice %arg5[%dma_wait3A_171, %dma_wait3A_177] : memref<16x128xi32, #tpu.memory_space<vmem>> -> memref<1x128xi32, #tpu.memory_space<vmem>>
    %dma_wait3A_179 = tpu.memref_squeeze %dma_wait3A_178 : memref<1x128xi32, #tpu.memory_space<vmem>> -> memref<128xi32, #tpu.memory_space<vmem>>
    %dma_wait3A_180 = arith.constant 0 : i32
    %dma_wait3A_181 = arith.constant 0 : i32
    %dma_wait3A_182 = tpu.memref_slice %arg2[%dma_wait3A_180, %dma_wait3A_181] : memref<524288x128xf32, #tpu.memory_space<hbm>> -> memref<524288x128xf32, #tpu.memory_space<hbm>>
    tpu.wait_indirect_dma semaphore(%arg7 : memref<!tpu.dma_semaphore, #tpu.memory_space<semaphore_mem>>) src(%dma_wait3A_182 : memref<524288x128xf32, #tpu.memory_space<hbm>>) dst(%dma_wait3A_176 : memref<128x128xf32, #tpu.memory_space<vmem>>)
    %dma_wait3A_183 = arith.constant 7 : i32
    %dma_wait3A_184 = arith.constant 3 : i32
    %dma_wait3A_185 = arith.constant 0 : i32
    %dma_wait3A_186 = arith.constant 0 : i32
    %dma_wait3A_187 = tpu.memref_slice %arg6[%dma_wait3A_184, %dma_wait3A_185, %dma_wait3A_186] : memref<4x128x128xf32, #tpu.memory_space<vmem>> -> memref<1x128x128xf32, #tpu.memory_space<vmem>>
    %dma_wait3A_188 = tpu.memref_squeeze %dma_wait3A_187 : memref<1x128x128xf32, #tpu.memory_space<vmem>> -> memref<128x128xf32, #tpu.memory_space<vmem>>
    %dma_wait3A_189 = arith.constant 0 : i32
    %dma_wait3A_190 = tpu.memref_slice %arg5[%dma_wait3A_183, %dma_wait3A_189] : memref<16x128xi32, #tpu.memory_space<vmem>> -> memref<1x128xi32, #tpu.memory_space<vmem>>
    %dma_wait3A_191 = tpu.memref_squeeze %dma_wait3A_190 : memref<1x128xi32, #tpu.memory_space<vmem>> -> memref<128xi32, #tpu.memory_space<vmem>>
    %dma_wait3A_192 = arith.constant 0 : i32
    %dma_wait3A_193 = arith.constant 0 : i32
    %dma_wait3A_194 = tpu.memref_slice %arg2[%dma_wait3A_192, %dma_wait3A_193] : memref<524288x128xf32, #tpu.memory_space<hbm>> -> memref<524288x128xf32, #tpu.memory_space<hbm>>
    tpu.wait_indirect_dma semaphore(%arg7 : memref<!tpu.dma_semaphore, #tpu.memory_space<semaphore_mem>>) src(%dma_wait3A_194 : memref<524288x128xf32, #tpu.memory_space<hbm>>) dst(%dma_wait3A_188 : memref<128x128xf32, #tpu.memory_space<vmem>>)
    %add3A_195 = arith.constant 4 : i32
    %add3A_196 = arith.addi %mul3A_2, %add3A_195 : i32
    "tpu.region"() ({
      %run_scoped3A = tpu.sem_alloc : memref<!tpu.dma_semaphore, #tpu.memory_space<semaphore_mem>>
      %dma_start3A_393 = arith.constant 0 : i32
      %dma_start3A_394 = arith.constant 0 : i32
      %dma_start3A_395 = tpu.memref_slice %arg4[%add3A_196, %dma_start3A_393, %dma_start3A_394] : memref<512x128x128xf32, #tpu.memory_space<hbm>> -> memref<4x128x128xf32, #tpu.memory_space<hbm>>
      %dma_start3A_396 = arith.constant 0 : i32
      %dma_start3A_397 = arith.constant 0 : i32
      %dma_start3A_398 = tpu.memref_slice %arg4[%add3A_196, %dma_start3A_396, %dma_start3A_397] : memref<512x128x128xf32, #tpu.memory_space<hbm>> -> memref<4x128x128xf32, #tpu.memory_space<hbm>>
      tpu.enqueue_dma source(%arg6 : memref<4x128x128xf32, #tpu.memory_space<vmem>>) target(%dma_start3A_398 : memref<4x128x128xf32, #tpu.memory_space<hbm>>) target_semaphore(%run_scoped3A : memref<!tpu.dma_semaphore, #tpu.memory_space<semaphore_mem>>)
      %dma_wait3A_399 = arith.constant 0 : i32
      %dma_wait3A_400 = arith.constant 0 : i32
      %dma_wait3A_401 = tpu.memref_slice %arg4[%add3A_196, %dma_wait3A_399, %dma_wait3A_400] : memref<512x128x128xf32, #tpu.memory_space<hbm>> -> memref<4x128x128xf32, #tpu.memory_space<hbm>>
      %dma_wait3A_402 = arith.constant 0 : i32
      %dma_wait3A_403 = arith.constant 0 : i32
      %dma_wait3A_404 = tpu.memref_slice %arg4[%add3A_196, %dma_wait3A_402, %dma_wait3A_403] : memref<512x128x128xf32, #tpu.memory_space<hbm>> -> memref<4x128x128xf32, #tpu.memory_space<hbm>>
      tpu.wait_dma2 semaphore(%run_scoped3A : memref<!tpu.dma_semaphore, #tpu.memory_space<semaphore_mem>>) src(%arg6 : memref<4x128x128xf32, #tpu.memory_space<vmem>>) dst(%dma_wait3A_404 : memref<4x128x128xf32, #tpu.memory_space<hbm>>)
      tpu.yield
    }) : () -> ()
    %dma_start3A_197 = arith.constant 8 : i32
    %dma_start3A_198 = arith.constant 0 : i32
    %dma_start3A_199 = arith.constant 0 : i32
    %dma_start3A_200 = arith.constant 0 : i32
    %dma_start3A_201 = tpu.memref_slice %arg6[%dma_start3A_198, %dma_start3A_199, %dma_start3A_200] : memref<4x128x128xf32, #tpu.memory_space<vmem>> -> memref<1x128x128xf32, #tpu.memory_space<vmem>>
    %dma_start3A_202 = tpu.memref_squeeze %dma_start3A_201 : memref<1x128x128xf32, #tpu.memory_space<vmem>> -> memref<128x128xf32, #tpu.memory_space<vmem>>
    %dma_start3A_203 = arith.constant 0 : i32
    %dma_start3A_204 = tpu.memref_slice %arg5[%dma_start3A_197, %dma_start3A_203] : memref<16x128xi32, #tpu.memory_space<vmem>> -> memref<1x128xi32, #tpu.memory_space<vmem>>
    %dma_start3A_205 = tpu.memref_squeeze %dma_start3A_204 : memref<1x128xi32, #tpu.memory_space<vmem>> -> memref<128xi32, #tpu.memory_space<vmem>>
    %dma_start3A_206 = arith.constant 0 : i32
    %dma_start3A_207 = arith.constant 0 : i32
    %dma_start3A_208 = tpu.memref_slice %arg2[%dma_start3A_206, %dma_start3A_207] : memref<524288x128xf32, #tpu.memory_space<hbm>> -> memref<524288x128xf32, #tpu.memory_space<hbm>>
    tpu.enqueue_indirect_dma source(%dma_start3A_208 : memref<524288x128xf32, #tpu.memory_space<hbm>>) target(%dma_start3A_202 : memref<128x128xf32, #tpu.memory_space<vmem>>) offsets(%dma_start3A_205 : memref<128xi32, #tpu.memory_space<vmem>>) semaphore(%arg7 : memref<!tpu.dma_semaphore, #tpu.memory_space<semaphore_mem>>)
    %dma_start3A_209 = arith.constant 9 : i32
    %dma_start3A_210 = arith.constant 1 : i32
    %dma_start3A_211 = arith.constant 0 : i32
    %dma_start3A_212 = arith.constant 0 : i32
    %dma_start3A_213 = tpu.memref_slice %arg6[%dma_start3A_210, %dma_start3A_211, %dma_start3A_212] : memref<4x128x128xf32, #tpu.memory_space<vmem>> -> memref<1x128x128xf32, #tpu.memory_space<vmem>>
    %dma_start3A_214 = tpu.memref_squeeze %dma_start3A_213 : memref<1x128x128xf32, #tpu.memory_space<vmem>> -> memref<128x128xf32, #tpu.memory_space<vmem>>
    %dma_start3A_215 = arith.constant 0 : i32
    %dma_start3A_216 = tpu.memref_slice %arg5[%dma_start3A_209, %dma_start3A_215] : memref<16x128xi32, #tpu.memory_space<vmem>> -> memref<1x128xi32, #tpu.memory_space<vmem>>
    %dma_start3A_217 = tpu.memref_squeeze %dma_start3A_216 : memref<1x128xi32, #tpu.memory_space<vmem>> -> memref<128xi32, #tpu.memory_space<vmem>>
    %dma_start3A_218 = arith.constant 0 : i32
    %dma_start3A_219 = arith.constant 0 : i32
    %dma_start3A_220 = tpu.memref_slice %arg2[%dma_start3A_218, %dma_start3A_219] : memref<524288x128xf32, #tpu.memory_space<hbm>> -> memref<524288x128xf32, #tpu.memory_space<hbm>>
    tpu.enqueue_indirect_dma source(%dma_start3A_220 : memref<524288x128xf32, #tpu.memory_space<hbm>>) target(%dma_start3A_214 : memref<128x128xf32, #tpu.memory_space<vmem>>) offsets(%dma_start3A_217 : memref<128xi32, #tpu.memory_space<vmem>>) semaphore(%arg7 : memref<!tpu.dma_semaphore, #tpu.memory_space<semaphore_mem>>)
    %dma_start3A_221 = arith.constant 10 : i32
    %dma_start3A_222 = arith.constant 2 : i32
    %dma_start3A_223 = arith.constant 0 : i32
    %dma_start3A_224 = arith.constant 0 : i32
    %dma_start3A_225 = tpu.memref_slice %arg6[%dma_start3A_222, %dma_start3A_223, %dma_start3A_224] : memref<4x128x128xf32, #tpu.memory_space<vmem>> -> memref<1x128x128xf32, #tpu.memory_space<vmem>>
    %dma_start3A_226 = tpu.memref_squeeze %dma_start3A_225 : memref<1x128x128xf32, #tpu.memory_space<vmem>> -> memref<128x128xf32, #tpu.memory_space<vmem>>
    %dma_start3A_227 = arith.constant 0 : i32
    %dma_start3A_228 = tpu.memref_slice %arg5[%dma_start3A_221, %dma_start3A_227] : memref<16x128xi32, #tpu.memory_space<vmem>> -> memref<1x128xi32, #tpu.memory_space<vmem>>
    %dma_start3A_229 = tpu.memref_squeeze %dma_start3A_228 : memref<1x128xi32, #tpu.memory_space<vmem>> -> memref<128xi32, #tpu.memory_space<vmem>>
    %dma_start3A_230 = arith.constant 0 : i32
    %dma_start3A_231 = arith.constant 0 : i32
    %dma_start3A_232 = tpu.memref_slice %arg2[%dma_start3A_230, %dma_start3A_231] : memref<524288x128xf32, #tpu.memory_space<hbm>> -> memref<524288x128xf32, #tpu.memory_space<hbm>>
    tpu.enqueue_indirect_dma source(%dma_start3A_232 : memref<524288x128xf32, #tpu.memory_space<hbm>>) target(%dma_start3A_226 : memref<128x128xf32, #tpu.memory_space<vmem>>) offsets(%dma_start3A_229 : memref<128xi32, #tpu.memory_space<vmem>>) semaphore(%arg7 : memref<!tpu.dma_semaphore, #tpu.memory_space<semaphore_mem>>)
    %dma_start3A_233 = arith.constant 11 : i32
    %dma_start3A_234 = arith.constant 3 : i32
    %dma_start3A_235 = arith.constant 0 : i32
    %dma_start3A_236 = arith.constant 0 : i32
    %dma_start3A_237 = tpu.memref_slice %arg6[%dma_start3A_234, %dma_start3A_235, %dma_start3A_236] : memref<4x128x128xf32, #tpu.memory_space<vmem>> -> memref<1x128x128xf32, #tpu.memory_space<vmem>>
    %dma_start3A_238 = tpu.memref_squeeze %dma_start3A_237 : memref<1x128x128xf32, #tpu.memory_space<vmem>> -> memref<128x128xf32, #tpu.memory_space<vmem>>
    %dma_start3A_239 = arith.constant 0 : i32
    %dma_start3A_240 = tpu.memref_slice %arg5[%dma_start3A_233, %dma_start3A_239] : memref<16x128xi32, #tpu.memory_space<vmem>> -> memref<1x128xi32, #tpu.memory_space<vmem>>
    %dma_start3A_241 = tpu.memref_squeeze %dma_start3A_240 : memref<1x128xi32, #tpu.memory_space<vmem>> -> memref<128xi32, #tpu.memory_space<vmem>>
    %dma_start3A_242 = arith.constant 0 : i32
    %dma_start3A_243 = arith.constant 0 : i32
    %dma_start3A_244 = tpu.memref_slice %arg2[%dma_start3A_242, %dma_start3A_243] : memref<524288x128xf32, #tpu.memory_space<hbm>> -> memref<524288x128xf32, #tpu.memory_space<hbm>>
    tpu.enqueue_indirect_dma source(%dma_start3A_244 : memref<524288x128xf32, #tpu.memory_space<hbm>>) target(%dma_start3A_238 : memref<128x128xf32, #tpu.memory_space<vmem>>) offsets(%dma_start3A_241 : memref<128xi32, #tpu.memory_space<vmem>>) semaphore(%arg7 : memref<!tpu.dma_semaphore, #tpu.memory_space<semaphore_mem>>)
    %dma_wait3A_245 = arith.constant 8 : i32
    %dma_wait3A_246 = arith.constant 0 : i32
    %dma_wait3A_247 = arith.constant 0 : i32
    %dma_wait3A_248 = arith.constant 0 : i32
    %dma_wait3A_249 = tpu.memref_slice %arg6[%dma_wait3A_246, %dma_wait3A_247, %dma_wait3A_248] : memref<4x128x128xf32, #tpu.memory_space<vmem>> -> memref<1x128x128xf32, #tpu.memory_space<vmem>>
    %dma_wait3A_250 = tpu.memref_squeeze %dma_wait3A_249 : memref<1x128x128xf32, #tpu.memory_space<vmem>> -> memref<128x128xf32, #tpu.memory_space<vmem>>
    %dma_wait3A_251 = arith.constant 0 : i32
    %dma_wait3A_252 = tpu.memref_slice %arg5[%dma_wait3A_245, %dma_wait3A_251] : memref<16x128xi32, #tpu.memory_space<vmem>> -> memref<1x128xi32, #tpu.memory_space<vmem>>
    %dma_wait3A_253 = tpu.memref_squeeze %dma_wait3A_252 : memref<1x128xi32, #tpu.memory_space<vmem>> -> memref<128xi32, #tpu.memory_space<vmem>>
    %dma_wait3A_254 = arith.constant 0 : i32
    %dma_wait3A_255 = arith.constant 0 : i32
    %dma_wait3A_256 = tpu.memref_slice %arg2[%dma_wait3A_254, %dma_wait3A_255] : memref<524288x128xf32, #tpu.memory_space<hbm>> -> memref<524288x128xf32, #tpu.memory_space<hbm>>
    tpu.wait_indirect_dma semaphore(%arg7 : memref<!tpu.dma_semaphore, #tpu.memory_space<semaphore_mem>>) src(%dma_wait3A_256 : memref<524288x128xf32, #tpu.memory_space<hbm>>) dst(%dma_wait3A_250 : memref<128x128xf32, #tpu.memory_space<vmem>>)
    %dma_wait3A_257 = arith.constant 9 : i32
    %dma_wait3A_258 = arith.constant 1 : i32
    %dma_wait3A_259 = arith.constant 0 : i32
    %dma_wait3A_260 = arith.constant 0 : i32
    %dma_wait3A_261 = tpu.memref_slice %arg6[%dma_wait3A_258, %dma_wait3A_259, %dma_wait3A_260] : memref<4x128x128xf32, #tpu.memory_space<vmem>> -> memref<1x128x128xf32, #tpu.memory_space<vmem>>
    %dma_wait3A_262 = tpu.memref_squeeze %dma_wait3A_261 : memref<1x128x128xf32, #tpu.memory_space<vmem>> -> memref<128x128xf32, #tpu.memory_space<vmem>>
    %dma_wait3A_263 = arith.constant 0 : i32
    %dma_wait3A_264 = tpu.memref_slice %arg5[%dma_wait3A_257, %dma_wait3A_263] : memref<16x128xi32, #tpu.memory_space<vmem>> -> memref<1x128xi32, #tpu.memory_space<vmem>>
    %dma_wait3A_265 = tpu.memref_squeeze %dma_wait3A_264 : memref<1x128xi32, #tpu.memory_space<vmem>> -> memref<128xi32, #tpu.memory_space<vmem>>
    %dma_wait3A_266 = arith.constant 0 : i32
    %dma_wait3A_267 = arith.constant 0 : i32
    %dma_wait3A_268 = tpu.memref_slice %arg2[%dma_wait3A_266, %dma_wait3A_267] : memref<524288x128xf32, #tpu.memory_space<hbm>> -> memref<524288x128xf32, #tpu.memory_space<hbm>>
    tpu.wait_indirect_dma semaphore(%arg7 : memref<!tpu.dma_semaphore, #tpu.memory_space<semaphore_mem>>) src(%dma_wait3A_268 : memref<524288x128xf32, #tpu.memory_space<hbm>>) dst(%dma_wait3A_262 : memref<128x128xf32, #tpu.memory_space<vmem>>)
    %dma_wait3A_269 = arith.constant 10 : i32
    %dma_wait3A_270 = arith.constant 2 : i32
    %dma_wait3A_271 = arith.constant 0 : i32
    %dma_wait3A_272 = arith.constant 0 : i32
    %dma_wait3A_273 = tpu.memref_slice %arg6[%dma_wait3A_270, %dma_wait3A_271, %dma_wait3A_272] : memref<4x128x128xf32, #tpu.memory_space<vmem>> -> memref<1x128x128xf32, #tpu.memory_space<vmem>>
    %dma_wait3A_274 = tpu.memref_squeeze %dma_wait3A_273 : memref<1x128x128xf32, #tpu.memory_space<vmem>> -> memref<128x128xf32, #tpu.memory_space<vmem>>
    %dma_wait3A_275 = arith.constant 0 : i32
    %dma_wait3A_276 = tpu.memref_slice %arg5[%dma_wait3A_269, %dma_wait3A_275] : memref<16x128xi32, #tpu.memory_space<vmem>> -> memref<1x128xi32, #tpu.memory_space<vmem>>
    %dma_wait3A_277 = tpu.memref_squeeze %dma_wait3A_276 : memref<1x128xi32, #tpu.memory_space<vmem>> -> memref<128xi32, #tpu.memory_space<vmem>>
    %dma_wait3A_278 = arith.constant 0 : i32
    %dma_wait3A_279 = arith.constant 0 : i32
    %dma_wait3A_280 = tpu.memref_slice %arg2[%dma_wait3A_278, %dma_wait3A_279] : memref<524288x128xf32, #tpu.memory_space<hbm>> -> memref<524288x128xf32, #tpu.memory_space<hbm>>
    tpu.wait_indirect_dma semaphore(%arg7 : memref<!tpu.dma_semaphore, #tpu.memory_space<semaphore_mem>>) src(%dma_wait3A_280 : memref<524288x128xf32, #tpu.memory_space<hbm>>) dst(%dma_wait3A_274 : memref<128x128xf32, #tpu.memory_space<vmem>>)
    %dma_wait3A_281 = arith.constant 11 : i32
    %dma_wait3A_282 = arith.constant 3 : i32
    %dma_wait3A_283 = arith.constant 0 : i32
    %dma_wait3A_284 = arith.constant 0 : i32
    %dma_wait3A_285 = tpu.memref_slice %arg6[%dma_wait3A_282, %dma_wait3A_283, %dma_wait3A_284] : memref<4x128x128xf32, #tpu.memory_space<vmem>> -> memref<1x128x128xf32, #tpu.memory_space<vmem>>
    %dma_wait3A_286 = tpu.memref_squeeze %dma_wait3A_285 : memref<1x128x128xf32, #tpu.memory_space<vmem>> -> memref<128x128xf32, #tpu.memory_space<vmem>>
    %dma_wait3A_287 = arith.constant 0 : i32
    %dma_wait3A_288 = tpu.memref_slice %arg5[%dma_wait3A_281, %dma_wait3A_287] : memref<16x128xi32, #tpu.memory_space<vmem>> -> memref<1x128xi32, #tpu.memory_space<vmem>>
    %dma_wait3A_289 = tpu.memref_squeeze %dma_wait3A_288 : memref<1x128xi32, #tpu.memory_space<vmem>> -> memref<128xi32, #tpu.memory_space<vmem>>
    %dma_wait3A_290 = arith.constant 0 : i32
    %dma_wait3A_291 = arith.constant 0 : i32
    %dma_wait3A_292 = tpu.memref_slice %arg2[%dma_wait3A_290, %dma_wait3A_291] : memref<524288x128xf32, #tpu.memory_space<hbm>> -> memref<524288x128xf32, #tpu.memory_space<hbm>>
    tpu.wait_indirect_dma semaphore(%arg7 : memref<!tpu.dma_semaphore, #tpu.memory_space<semaphore_mem>>) src(%dma_wait3A_292 : memref<524288x128xf32, #tpu.memory_space<hbm>>) dst(%dma_wait3A_286 : memref<128x128xf32, #tpu.memory_space<vmem>>)
    %add3A_293 = arith.constant 8 : i32
    %add3A_294 = arith.addi %mul3A_2, %add3A_293 : i32
    "tpu.region"() ({
      %run_scoped3A = tpu.sem_alloc : memref<!tpu.dma_semaphore, #tpu.memory_space<semaphore_mem>>
      %dma_start3A_393 = arith.constant 0 : i32
      %dma_start3A_394 = arith.constant 0 : i32
      %dma_start3A_395 = tpu.memref_slice %arg4[%add3A_294, %dma_start3A_393, %dma_start3A_394] : memref<512x128x128xf32, #tpu.memory_space<hbm>> -> memref<4x128x128xf32, #tpu.memory_space<hbm>>
      %dma_start3A_396 = arith.constant 0 : i32
      %dma_start3A_397 = arith.constant 0 : i32
      %dma_start3A_398 = tpu.memref_slice %arg4[%add3A_294, %dma_start3A_396, %dma_start3A_397] : memref<512x128x128xf32, #tpu.memory_space<hbm>> -> memref<4x128x128xf32, #tpu.memory_space<hbm>>
      tpu.enqueue_dma source(%arg6 : memref<4x128x128xf32, #tpu.memory_space<vmem>>) target(%dma_start3A_398 : memref<4x128x128xf32, #tpu.memory_space<hbm>>) target_semaphore(%run_scoped3A : memref<!tpu.dma_semaphore, #tpu.memory_space<semaphore_mem>>)
      %dma_wait3A_399 = arith.constant 0 : i32
      %dma_wait3A_400 = arith.constant 0 : i32
      %dma_wait3A_401 = tpu.memref_slice %arg4[%add3A_294, %dma_wait3A_399, %dma_wait3A_400] : memref<512x128x128xf32, #tpu.memory_space<hbm>> -> memref<4x128x128xf32, #tpu.memory_space<hbm>>
      %dma_wait3A_402 = arith.constant 0 : i32
      %dma_wait3A_403 = arith.constant 0 : i32
      %dma_wait3A_404 = tpu.memref_slice %arg4[%add3A_294, %dma_wait3A_402, %dma_wait3A_403] : memref<512x128x128xf32, #tpu.memory_space<hbm>> -> memref<4x128x128xf32, #tpu.memory_space<hbm>>
      tpu.wait_dma2 semaphore(%run_scoped3A : memref<!tpu.dma_semaphore, #tpu.memory_space<semaphore_mem>>) src(%arg6 : memref<4x128x128xf32, #tpu.memory_space<vmem>>) dst(%dma_wait3A_404 : memref<4x128x128xf32, #tpu.memory_space<hbm>>)
      tpu.yield
    }) : () -> ()
    %dma_start3A_295 = arith.constant 12 : i32
    %dma_start3A_296 = arith.constant 0 : i32
    %dma_start3A_297 = arith.constant 0 : i32
    %dma_start3A_298 = arith.constant 0 : i32
    %dma_start3A_299 = tpu.memref_slice %arg6[%dma_start3A_296, %dma_start3A_297, %dma_start3A_298] : memref<4x128x128xf32, #tpu.memory_space<vmem>> -> memref<1x128x128xf32, #tpu.memory_space<vmem>>
    %dma_start3A_300 = tpu.memref_squeeze %dma_start3A_299 : memref<1x128x128xf32, #tpu.memory_space<vmem>> -> memref<128x128xf32, #tpu.memory_space<vmem>>
    %dma_start3A_301 = arith.constant 0 : i32
    %dma_start3A_302 = tpu.memref_slice %arg5[%dma_start3A_295, %dma_start3A_301] : memref<16x128xi32, #tpu.memory_space<vmem>> -> memref<1x128xi32, #tpu.memory_space<vmem>>
    %dma_start3A_303 = tpu.memref_squeeze %dma_start3A_302 : memref<1x128xi32, #tpu.memory_space<vmem>> -> memref<128xi32, #tpu.memory_space<vmem>>
    %dma_start3A_304 = arith.constant 0 : i32
    %dma_start3A_305 = arith.constant 0 : i32
    %dma_start3A_306 = tpu.memref_slice %arg2[%dma_start3A_304, %dma_start3A_305] : memref<524288x128xf32, #tpu.memory_space<hbm>> -> memref<524288x128xf32, #tpu.memory_space<hbm>>
    tpu.enqueue_indirect_dma source(%dma_start3A_306 : memref<524288x128xf32, #tpu.memory_space<hbm>>) target(%dma_start3A_300 : memref<128x128xf32, #tpu.memory_space<vmem>>) offsets(%dma_start3A_303 : memref<128xi32, #tpu.memory_space<vmem>>) semaphore(%arg7 : memref<!tpu.dma_semaphore, #tpu.memory_space<semaphore_mem>>)
    %dma_start3A_307 = arith.constant 13 : i32
    %dma_start3A_308 = arith.constant 1 : i32
    %dma_start3A_309 = arith.constant 0 : i32
    %dma_start3A_310 = arith.constant 0 : i32
    %dma_start3A_311 = tpu.memref_slice %arg6[%dma_start3A_308, %dma_start3A_309, %dma_start3A_310] : memref<4x128x128xf32, #tpu.memory_space<vmem>> -> memref<1x128x128xf32, #tpu.memory_space<vmem>>
    %dma_start3A_312 = tpu.memref_squeeze %dma_start3A_311 : memref<1x128x128xf32, #tpu.memory_space<vmem>> -> memref<128x128xf32, #tpu.memory_space<vmem>>
    %dma_start3A_313 = arith.constant 0 : i32
    %dma_start3A_314 = tpu.memref_slice %arg5[%dma_start3A_307, %dma_start3A_313] : memref<16x128xi32, #tpu.memory_space<vmem>> -> memref<1x128xi32, #tpu.memory_space<vmem>>
    %dma_start3A_315 = tpu.memref_squeeze %dma_start3A_314 : memref<1x128xi32, #tpu.memory_space<vmem>> -> memref<128xi32, #tpu.memory_space<vmem>>
    %dma_start3A_316 = arith.constant 0 : i32
    %dma_start3A_317 = arith.constant 0 : i32
    %dma_start3A_318 = tpu.memref_slice %arg2[%dma_start3A_316, %dma_start3A_317] : memref<524288x128xf32, #tpu.memory_space<hbm>> -> memref<524288x128xf32, #tpu.memory_space<hbm>>
    tpu.enqueue_indirect_dma source(%dma_start3A_318 : memref<524288x128xf32, #tpu.memory_space<hbm>>) target(%dma_start3A_312 : memref<128x128xf32, #tpu.memory_space<vmem>>) offsets(%dma_start3A_315 : memref<128xi32, #tpu.memory_space<vmem>>) semaphore(%arg7 : memref<!tpu.dma_semaphore, #tpu.memory_space<semaphore_mem>>)
    %dma_start3A_319 = arith.constant 14 : i32
    %dma_start3A_320 = arith.constant 2 : i32
    %dma_start3A_321 = arith.constant 0 : i32
    %dma_start3A_322 = arith.constant 0 : i32
    %dma_start3A_323 = tpu.memref_slice %arg6[%dma_start3A_320, %dma_start3A_321, %dma_start3A_322] : memref<4x128x128xf32, #tpu.memory_space<vmem>> -> memref<1x128x128xf32, #tpu.memory_space<vmem>>
    %dma_start3A_324 = tpu.memref_squeeze %dma_start3A_323 : memref<1x128x128xf32, #tpu.memory_space<vmem>> -> memref<128x128xf32, #tpu.memory_space<vmem>>
    %dma_start3A_325 = arith.constant 0 : i32
    %dma_start3A_326 = tpu.memref_slice %arg5[%dma_start3A_319, %dma_start3A_325] : memref<16x128xi32, #tpu.memory_space<vmem>> -> memref<1x128xi32, #tpu.memory_space<vmem>>
    %dma_start3A_327 = tpu.memref_squeeze %dma_start3A_326 : memref<1x128xi32, #tpu.memory_space<vmem>> -> memref<128xi32, #tpu.memory_space<vmem>>
    %dma_start3A_328 = arith.constant 0 : i32
    %dma_start3A_329 = arith.constant 0 : i32
    %dma_start3A_330 = tpu.memref_slice %arg2[%dma_start3A_328, %dma_start3A_329] : memref<524288x128xf32, #tpu.memory_space<hbm>> -> memref<524288x128xf32, #tpu.memory_space<hbm>>
    tpu.enqueue_indirect_dma source(%dma_start3A_330 : memref<524288x128xf32, #tpu.memory_space<hbm>>) target(%dma_start3A_324 : memref<128x128xf32, #tpu.memory_space<vmem>>) offsets(%dma_start3A_327 : memref<128xi32, #tpu.memory_space<vmem>>) semaphore(%arg7 : memref<!tpu.dma_semaphore, #tpu.memory_space<semaphore_mem>>)
    %dma_start3A_331 = arith.constant 15 : i32
    %dma_start3A_332 = arith.constant 3 : i32
    %dma_start3A_333 = arith.constant 0 : i32
    %dma_start3A_334 = arith.constant 0 : i32
    %dma_start3A_335 = tpu.memref_slice %arg6[%dma_start3A_332, %dma_start3A_333, %dma_start3A_334] : memref<4x128x128xf32, #tpu.memory_space<vmem>> -> memref<1x128x128xf32, #tpu.memory_space<vmem>>
    %dma_start3A_336 = tpu.memref_squeeze %dma_start3A_335 : memref<1x128x128xf32, #tpu.memory_space<vmem>> -> memref<128x128xf32, #tpu.memory_space<vmem>>
    %dma_start3A_337 = arith.constant 0 : i32
    %dma_start3A_338 = tpu.memref_slice %arg5[%dma_start3A_331, %dma_start3A_337] : memref<16x128xi32, #tpu.memory_space<vmem>> -> memref<1x128xi32, #tpu.memory_space<vmem>>
    %dma_start3A_339 = tpu.memref_squeeze %dma_start3A_338 : memref<1x128xi32, #tpu.memory_space<vmem>> -> memref<128xi32, #tpu.memory_space<vmem>>
    %dma_start3A_340 = arith.constant 0 : i32
    %dma_start3A_341 = arith.constant 0 : i32
    %dma_start3A_342 = tpu.memref_slice %arg2[%dma_start3A_340, %dma_start3A_341] : memref<524288x128xf32, #tpu.memory_space<hbm>> -> memref<524288x128xf32, #tpu.memory_space<hbm>>
    tpu.enqueue_indirect_dma source(%dma_start3A_342 : memref<524288x128xf32, #tpu.memory_space<hbm>>) target(%dma_start3A_336 : memref<128x128xf32, #tpu.memory_space<vmem>>) offsets(%dma_start3A_339 : memref<128xi32, #tpu.memory_space<vmem>>) semaphore(%arg7 : memref<!tpu.dma_semaphore, #tpu.memory_space<semaphore_mem>>)
    %dma_wait3A_343 = arith.constant 12 : i32
    %dma_wait3A_344 = arith.constant 0 : i32
    %dma_wait3A_345 = arith.constant 0 : i32
    %dma_wait3A_346 = arith.constant 0 : i32
    %dma_wait3A_347 = tpu.memref_slice %arg6[%dma_wait3A_344, %dma_wait3A_345, %dma_wait3A_346] : memref<4x128x128xf32, #tpu.memory_space<vmem>> -> memref<1x128x128xf32, #tpu.memory_space<vmem>>
    %dma_wait3A_348 = tpu.memref_squeeze %dma_wait3A_347 : memref<1x128x128xf32, #tpu.memory_space<vmem>> -> memref<128x128xf32, #tpu.memory_space<vmem>>
    %dma_wait3A_349 = arith.constant 0 : i32
    %dma_wait3A_350 = tpu.memref_slice %arg5[%dma_wait3A_343, %dma_wait3A_349] : memref<16x128xi32, #tpu.memory_space<vmem>> -> memref<1x128xi32, #tpu.memory_space<vmem>>
    %dma_wait3A_351 = tpu.memref_squeeze %dma_wait3A_350 : memref<1x128xi32, #tpu.memory_space<vmem>> -> memref<128xi32, #tpu.memory_space<vmem>>
    %dma_wait3A_352 = arith.constant 0 : i32
    %dma_wait3A_353 = arith.constant 0 : i32
    %dma_wait3A_354 = tpu.memref_slice %arg2[%dma_wait3A_352, %dma_wait3A_353] : memref<524288x128xf32, #tpu.memory_space<hbm>> -> memref<524288x128xf32, #tpu.memory_space<hbm>>
    tpu.wait_indirect_dma semaphore(%arg7 : memref<!tpu.dma_semaphore, #tpu.memory_space<semaphore_mem>>) src(%dma_wait3A_354 : memref<524288x128xf32, #tpu.memory_space<hbm>>) dst(%dma_wait3A_348 : memref<128x128xf32, #tpu.memory_space<vmem>>)
    %dma_wait3A_355 = arith.constant 13 : i32
    %dma_wait3A_356 = arith.constant 1 : i32
    %dma_wait3A_357 = arith.constant 0 : i32
    %dma_wait3A_358 = arith.constant 0 : i32
    %dma_wait3A_359 = tpu.memref_slice %arg6[%dma_wait3A_356, %dma_wait3A_357, %dma_wait3A_358] : memref<4x128x128xf32, #tpu.memory_space<vmem>> -> memref<1x128x128xf32, #tpu.memory_space<vmem>>
    %dma_wait3A_360 = tpu.memref_squeeze %dma_wait3A_359 : memref<1x128x128xf32, #tpu.memory_space<vmem>> -> memref<128x128xf32, #tpu.memory_space<vmem>>
    %dma_wait3A_361 = arith.constant 0 : i32
    %dma_wait3A_362 = tpu.memref_slice %arg5[%dma_wait3A_355, %dma_wait3A_361] : memref<16x128xi32, #tpu.memory_space<vmem>> -> memref<1x128xi32, #tpu.memory_space<vmem>>
    %dma_wait3A_363 = tpu.memref_squeeze %dma_wait3A_362 : memref<1x128xi32, #tpu.memory_space<vmem>> -> memref<128xi32, #tpu.memory_space<vmem>>
    %dma_wait3A_364 = arith.constant 0 : i32
    %dma_wait3A_365 = arith.constant 0 : i32
    %dma_wait3A_366 = tpu.memref_slice %arg2[%dma_wait3A_364, %dma_wait3A_365] : memref<524288x128xf32, #tpu.memory_space<hbm>> -> memref<524288x128xf32, #tpu.memory_space<hbm>>
    tpu.wait_indirect_dma semaphore(%arg7 : memref<!tpu.dma_semaphore, #tpu.memory_space<semaphore_mem>>) src(%dma_wait3A_366 : memref<524288x128xf32, #tpu.memory_space<hbm>>) dst(%dma_wait3A_360 : memref<128x128xf32, #tpu.memory_space<vmem>>)
    %dma_wait3A_367 = arith.constant 14 : i32
    %dma_wait3A_368 = arith.constant 2 : i32
    %dma_wait3A_369 = arith.constant 0 : i32
    %dma_wait3A_370 = arith.constant 0 : i32
    %dma_wait3A_371 = tpu.memref_slice %arg6[%dma_wait3A_368, %dma_wait3A_369, %dma_wait3A_370] : memref<4x128x128xf32, #tpu.memory_space<vmem>> -> memref<1x128x128xf32, #tpu.memory_space<vmem>>
    %dma_wait3A_372 = tpu.memref_squeeze %dma_wait3A_371 : memref<1x128x128xf32, #tpu.memory_space<vmem>> -> memref<128x128xf32, #tpu.memory_space<vmem>>
    %dma_wait3A_373 = arith.constant 0 : i32
    %dma_wait3A_374 = tpu.memref_slice %arg5[%dma_wait3A_367, %dma_wait3A_373] : memref<16x128xi32, #tpu.memory_space<vmem>> -> memref<1x128xi32, #tpu.memory_space<vmem>>
    %dma_wait3A_375 = tpu.memref_squeeze %dma_wait3A_374 : memref<1x128xi32, #tpu.memory_space<vmem>> -> memref<128xi32, #tpu.memory_space<vmem>>
    %dma_wait3A_376 = arith.constant 0 : i32
    %dma_wait3A_377 = arith.constant 0 : i32
    %dma_wait3A_378 = tpu.memref_slice %arg2[%dma_wait3A_376, %dma_wait3A_377] : memref<524288x128xf32, #tpu.memory_space<hbm>> -> memref<524288x128xf32, #tpu.memory_space<hbm>>
    tpu.wait_indirect_dma semaphore(%arg7 : memref<!tpu.dma_semaphore, #tpu.memory_space<semaphore_mem>>) src(%dma_wait3A_378 : memref<524288x128xf32, #tpu.memory_space<hbm>>) dst(%dma_wait3A_372 : memref<128x128xf32, #tpu.memory_space<vmem>>)
    %dma_wait3A_379 = arith.constant 15 : i32
    %dma_wait3A_380 = arith.constant 3 : i32
    %dma_wait3A_381 = arith.constant 0 : i32
    %dma_wait3A_382 = arith.constant 0 : i32
    %dma_wait3A_383 = tpu.memref_slice %arg6[%dma_wait3A_380, %dma_wait3A_381, %dma_wait3A_382] : memref<4x128x128xf32, #tpu.memory_space<vmem>> -> memref<1x128x128xf32, #tpu.memory_space<vmem>>
    %dma_wait3A_384 = tpu.memref_squeeze %dma_wait3A_383 : memref<1x128x128xf32, #tpu.memory_space<vmem>> -> memref<128x128xf32, #tpu.memory_space<vmem>>
    %dma_wait3A_385 = arith.constant 0 : i32
    %dma_wait3A_386 = tpu.memref_slice %arg5[%dma_wait3A_379, %dma_wait3A_385] : memref<16x128xi32, #tpu.memory_space<vmem>> -> memref<1x128xi32, #tpu.memory_space<vmem>>
    %dma_wait3A_387 = tpu.memref_squeeze %dma_wait3A_386 : memref<1x128xi32, #tpu.memory_space<vmem>> -> memref<128xi32, #tpu.memory_space<vmem>>
    %dma_wait3A_388 = arith.constant 0 : i32
    %dma_wait3A_389 = arith.constant 0 : i32
    %dma_wait3A_390 = tpu.memref_slice %arg2[%dma_wait3A_388, %dma_wait3A_389] : memref<524288x128xf32, #tpu.memory_space<hbm>> -> memref<524288x128xf32, #tpu.memory_space<hbm>>
    tpu.wait_indirect_dma semaphore(%arg7 : memref<!tpu.dma_semaphore, #tpu.memory_space<semaphore_mem>>) src(%dma_wait3A_390 : memref<524288x128xf32, #tpu.memory_space<hbm>>) dst(%dma_wait3A_384 : memref<128x128xf32, #tpu.memory_space<vmem>>)
    %add3A_391 = arith.constant 12 : i32
    %add3A_392 = arith.addi %mul3A_2, %add3A_391 : i32
    "tpu.region"() ({
      %run_scoped3A = tpu.sem_alloc : memref<!tpu.dma_semaphore, #tpu.memory_space<semaphore_mem>>
      %dma_start3A_393 = arith.constant 0 : i32
      %dma_start3A_394 = arith.constant 0 : i32
      %dma_start3A_395 = tpu.memref_slice %arg4[%add3A_392, %dma_start3A_393, %dma_start3A_394] : memref<512x128x128xf32, #tpu.memory_space<hbm>> -> memref<4x128x128xf32, #tpu.memory_space<hbm>>
      %dma_start3A_396 = arith.constant 0 : i32
      %dma_start3A_397 = arith.constant 0 : i32
      %dma_start3A_398 = tpu.memref_slice %arg4[%add3A_392, %dma_start3A_396, %dma_start3A_397] : memref<512x128x128xf32, #tpu.memory_space<hbm>> -> memref<4x128x128xf32, #tpu.memory_space<hbm>>
      tpu.enqueue_dma source(%arg6 : memref<4x128x128xf32, #tpu.memory_space<vmem>>) target(%dma_start3A_398 : memref<4x128x128xf32, #tpu.memory_space<hbm>>) target_semaphore(%run_scoped3A : memref<!tpu.dma_semaphore, #tpu.memory_space<semaphore_mem>>)
      %dma_wait3A_399 = arith.constant 0 : i32
      %dma_wait3A_400 = arith.constant 0 : i32
      %dma_wait3A_401 = tpu.memref_slice %arg4[%add3A_392, %dma_wait3A_399, %dma_wait3A_400] : memref<512x128x128xf32, #tpu.memory_space<hbm>> -> memref<4x128x128xf32, #tpu.memory_space<hbm>>
      %dma_wait3A_402 = arith.constant 0 : i32
      %dma_wait3A_403 = arith.constant 0 : i32
      %dma_wait3A_404 = tpu.memref_slice %arg4[%add3A_392, %dma_wait3A_402, %dma_wait3A_403] : memref<512x128x128xf32, #tpu.memory_space<hbm>> -> memref<4x128x128xf32, #tpu.memory_space<hbm>>
      tpu.wait_dma2 semaphore(%run_scoped3A : memref<!tpu.dma_semaphore, #tpu.memory_space<semaphore_mem>>) src(%arg6 : memref<4x128x128xf32, #tpu.memory_space<vmem>>) dst(%dma_wait3A_404 : memref<4x128x128xf32, #tpu.memory_space<hbm>>)
      tpu.yield
    }) : () -> ()
    return
  }
}

module attributes {stable_mosaic.version = 14 : i64} {
  func.func @_tc1b_body(%arg0: i32, %arg1: memref<256x128xf32, #tpu.memory_space<vmem>>, %arg2: memref<256x16xi32, #tpu.memory_space<vmem>>, %arg3: memref<256x16xi32, #tpu.memory_space<vmem>>) attributes {dimension_semantics = [#tpu.dimension_semantics<arbitrary>], iteration_bounds = array<i64: 16>, scalar_prefetch = 0 : i64, scratch_operands = 0 : i64, tpu.core_type = #tpu.core_type<tc>, window_params = [{transform_indices = @transform_0, window_bounds = array<i64: 256, 128>}, {transform_indices = @transform_1, window_bounds = array<i64: 256, 16>}, {transform_indices = @transform_2, window_bounds = array<i64: 256, 16>}]} {
    %get3A = arith.constant 0 : index
    %get3A_0 = arith.constant 0 : index
    %get3A_1 = vector.load %arg1[%get3A, %get3A_0] : memref<256x128xf32, #tpu.memory_space<vmem>>, vector<256x128xf32>
    %iota3A = tpu.iota {dimensions = array<i32: 1>} : vector<256x128xi32>
    %reduce_min3A = arith.constant dense<0x7F800000> : vector<256xf32>
    %reduce_min3A_2 = vector.multi_reduction <minimumf>, %get3A_1, %reduce_min3A [1] : vector<256x128xf32> to vector<256xf32>
    %broadcast_in_dim3A = vector.shape_cast %reduce_min3A_2 : vector<256xf32> to vector<256x1xf32>
    %eq3A = vector.broadcast %broadcast_in_dim3A : vector<256x1xf32> to vector<256x128xf32>
    %eq3A_3 = arith.cmpf oeq, %get3A_1, %eq3A : vector<256x128xf32>
    %jit3A = arith.constant 1073741824 : i32
    %broadcast_in_dim3A_4 = vector.broadcast %jit3A : i32 to vector<256x128xi32>
    %select_n3A = arith.select %eq3A_3, %iota3A, %broadcast_in_dim3A_4 : vector<256x128xi1>, vector<256x128xi32>
    %reduce_min3A_5 = arith.constant dense<2147483647> : vector<256xi32>
    %reduce_min3A_6 = vector.multi_reduction <minsi>, %select_n3A, %reduce_min3A_5 [1] : vector<256x128xi32> to vector<256xi32>
    %broadcast_in_dim3A_7 = vector.shape_cast %reduce_min3A_6 : vector<256xi32> to vector<256x1xi32>
    %eq3A_8 = vector.broadcast %broadcast_in_dim3A_7 : vector<256x1xi32> to vector<256x128xi32>
    %eq3A_9 = arith.cmpi eq, %iota3A, %eq3A_8 : vector<256x128xi32>
    %jit3A_10 = arith.constant 0x7F800000 : f32
    %broadcast_in_dim3A_11 = vector.broadcast %jit3A_10 : f32 to vector<256x128xf32>
    %select_n3A_12 = arith.select %eq3A_9, %broadcast_in_dim3A_11, %get3A_1 : vector<256x128xi1>, vector<256x128xf32>
    %reduce_min3A_13 = arith.constant dense<0x7F800000> : vector<256xf32>
    %reduce_min3A_14 = vector.multi_reduction <minimumf>, %select_n3A_12, %reduce_min3A_13 [1] : vector<256x128xf32> to vector<256xf32>
    %broadcast_in_dim3A_15 = vector.shape_cast %reduce_min3A_14 : vector<256xf32> to vector<256x1xf32>
    %eq3A_16 = vector.broadcast %broadcast_in_dim3A_15 : vector<256x1xf32> to vector<256x128xf32>
    %eq3A_17 = arith.cmpf oeq, %select_n3A_12, %eq3A_16 : vector<256x128xf32>
    %jit3A_18 = arith.constant 1073741824 : i32
    %broadcast_in_dim3A_19 = vector.broadcast %jit3A_18 : i32 to vector<256x128xi32>
    %select_n3A_20 = arith.select %eq3A_17, %iota3A, %broadcast_in_dim3A_19 : vector<256x128xi1>, vector<256x128xi32>
    %reduce_min3A_21 = arith.constant dense<2147483647> : vector<256xi32>
    %reduce_min3A_22 = vector.multi_reduction <minsi>, %select_n3A_20, %reduce_min3A_21 [1] : vector<256x128xi32> to vector<256xi32>
    %broadcast_in_dim3A_23 = vector.shape_cast %reduce_min3A_22 : vector<256xi32> to vector<256x1xi32>
    %eq3A_24 = vector.broadcast %broadcast_in_dim3A_23 : vector<256x1xi32> to vector<256x128xi32>
    %eq3A_25 = arith.cmpi eq, %iota3A, %eq3A_24 : vector<256x128xi32>
    %jit3A_26 = arith.constant 0x7F800000 : f32
    %broadcast_in_dim3A_27 = vector.broadcast %jit3A_26 : f32 to vector<256x128xf32>
    %select_n3A_28 = arith.select %eq3A_25, %broadcast_in_dim3A_27, %select_n3A_12 : vector<256x128xi1>, vector<256x128xf32>
    %reduce_min3A_29 = arith.constant dense<0x7F800000> : vector<256xf32>
    %reduce_min3A_30 = vector.multi_reduction <minimumf>, %select_n3A_28, %reduce_min3A_29 [1] : vector<256x128xf32> to vector<256xf32>
    %broadcast_in_dim3A_31 = vector.shape_cast %reduce_min3A_30 : vector<256xf32> to vector<256x1xf32>
    %eq3A_32 = vector.broadcast %broadcast_in_dim3A_31 : vector<256x1xf32> to vector<256x128xf32>
    %eq3A_33 = arith.cmpf oeq, %select_n3A_28, %eq3A_32 : vector<256x128xf32>
    %jit3A_34 = arith.constant 1073741824 : i32
    %broadcast_in_dim3A_35 = vector.broadcast %jit3A_34 : i32 to vector<256x128xi32>
    %select_n3A_36 = arith.select %eq3A_33, %iota3A, %broadcast_in_dim3A_35 : vector<256x128xi1>, vector<256x128xi32>
    %reduce_min3A_37 = arith.constant dense<2147483647> : vector<256xi32>
    %reduce_min3A_38 = vector.multi_reduction <minsi>, %select_n3A_36, %reduce_min3A_37 [1] : vector<256x128xi32> to vector<256xi32>
    %broadcast_in_dim3A_39 = vector.shape_cast %reduce_min3A_38 : vector<256xi32> to vector<256x1xi32>
    %eq3A_40 = vector.broadcast %broadcast_in_dim3A_39 : vector<256x1xi32> to vector<256x128xi32>
    %eq3A_41 = arith.cmpi eq, %iota3A, %eq3A_40 : vector<256x128xi32>
    %jit3A_42 = arith.constant 0x7F800000 : f32
    %broadcast_in_dim3A_43 = vector.broadcast %jit3A_42 : f32 to vector<256x128xf32>
    %select_n3A_44 = arith.select %eq3A_41, %broadcast_in_dim3A_43, %select_n3A_28 : vector<256x128xi1>, vector<256x128xf32>
    %reduce_min3A_45 = arith.constant dense<0x7F800000> : vector<256xf32>
    %reduce_min3A_46 = vector.multi_reduction <minimumf>, %select_n3A_44, %reduce_min3A_45 [1] : vector<256x128xf32> to vector<256xf32>
    %broadcast_in_dim3A_47 = vector.shape_cast %reduce_min3A_46 : vector<256xf32> to vector<256x1xf32>
    %eq3A_48 = vector.broadcast %broadcast_in_dim3A_47 : vector<256x1xf32> to vector<256x128xf32>
    %eq3A_49 = arith.cmpf oeq, %select_n3A_44, %eq3A_48 : vector<256x128xf32>
    %jit3A_50 = arith.constant 1073741824 : i32
    %broadcast_in_dim3A_51 = vector.broadcast %jit3A_50 : i32 to vector<256x128xi32>
    %select_n3A_52 = arith.select %eq3A_49, %iota3A, %broadcast_in_dim3A_51 : vector<256x128xi1>, vector<256x128xi32>
    %reduce_min3A_53 = arith.constant dense<2147483647> : vector<256xi32>
    %reduce_min3A_54 = vector.multi_reduction <minsi>, %select_n3A_52, %reduce_min3A_53 [1] : vector<256x128xi32> to vector<256xi32>
    %broadcast_in_dim3A_55 = vector.shape_cast %reduce_min3A_54 : vector<256xi32> to vector<256x1xi32>
    %eq3A_56 = vector.broadcast %broadcast_in_dim3A_55 : vector<256x1xi32> to vector<256x128xi32>
    %eq3A_57 = arith.cmpi eq, %iota3A, %eq3A_56 : vector<256x128xi32>
    %jit3A_58 = arith.constant 0x7F800000 : f32
    %broadcast_in_dim3A_59 = vector.broadcast %jit3A_58 : f32 to vector<256x128xf32>
    %select_n3A_60 = arith.select %eq3A_57, %broadcast_in_dim3A_59, %select_n3A_44 : vector<256x128xi1>, vector<256x128xf32>
    %reduce_min3A_61 = arith.constant dense<0x7F800000> : vector<256xf32>
    %reduce_min3A_62 = vector.multi_reduction <minimumf>, %select_n3A_60, %reduce_min3A_61 [1] : vector<256x128xf32> to vector<256xf32>
    %broadcast_in_dim3A_63 = vector.shape_cast %reduce_min3A_62 : vector<256xf32> to vector<256x1xf32>
    %eq3A_64 = vector.broadcast %broadcast_in_dim3A_63 : vector<256x1xf32> to vector<256x128xf32>
    %eq3A_65 = arith.cmpf oeq, %select_n3A_60, %eq3A_64 : vector<256x128xf32>
    %jit3A_66 = arith.constant 1073741824 : i32
    %broadcast_in_dim3A_67 = vector.broadcast %jit3A_66 : i32 to vector<256x128xi32>
    %select_n3A_68 = arith.select %eq3A_65, %iota3A, %broadcast_in_dim3A_67 : vector<256x128xi1>, vector<256x128xi32>
    %reduce_min3A_69 = arith.constant dense<2147483647> : vector<256xi32>
    %reduce_min3A_70 = vector.multi_reduction <minsi>, %select_n3A_68, %reduce_min3A_69 [1] : vector<256x128xi32> to vector<256xi32>
    %broadcast_in_dim3A_71 = vector.shape_cast %reduce_min3A_70 : vector<256xi32> to vector<256x1xi32>
    %eq3A_72 = vector.broadcast %broadcast_in_dim3A_71 : vector<256x1xi32> to vector<256x128xi32>
    %eq3A_73 = arith.cmpi eq, %iota3A, %eq3A_72 : vector<256x128xi32>
    %jit3A_74 = arith.constant 0x7F800000 : f32
    %broadcast_in_dim3A_75 = vector.broadcast %jit3A_74 : f32 to vector<256x128xf32>
    %select_n3A_76 = arith.select %eq3A_73, %broadcast_in_dim3A_75, %select_n3A_60 : vector<256x128xi1>, vector<256x128xf32>
    %reduce_min3A_77 = arith.constant dense<0x7F800000> : vector<256xf32>
    %reduce_min3A_78 = vector.multi_reduction <minimumf>, %select_n3A_76, %reduce_min3A_77 [1] : vector<256x128xf32> to vector<256xf32>
    %broadcast_in_dim3A_79 = vector.shape_cast %reduce_min3A_78 : vector<256xf32> to vector<256x1xf32>
    %eq3A_80 = vector.broadcast %broadcast_in_dim3A_79 : vector<256x1xf32> to vector<256x128xf32>
    %eq3A_81 = arith.cmpf oeq, %select_n3A_76, %eq3A_80 : vector<256x128xf32>
    %jit3A_82 = arith.constant 1073741824 : i32
    %broadcast_in_dim3A_83 = vector.broadcast %jit3A_82 : i32 to vector<256x128xi32>
    %select_n3A_84 = arith.select %eq3A_81, %iota3A, %broadcast_in_dim3A_83 : vector<256x128xi1>, vector<256x128xi32>
    %reduce_min3A_85 = arith.constant dense<2147483647> : vector<256xi32>
    %reduce_min3A_86 = vector.multi_reduction <minsi>, %select_n3A_84, %reduce_min3A_85 [1] : vector<256x128xi32> to vector<256xi32>
    %broadcast_in_dim3A_87 = vector.shape_cast %reduce_min3A_86 : vector<256xi32> to vector<256x1xi32>
    %eq3A_88 = vector.broadcast %broadcast_in_dim3A_87 : vector<256x1xi32> to vector<256x128xi32>
    %eq3A_89 = arith.cmpi eq, %iota3A, %eq3A_88 : vector<256x128xi32>
    %jit3A_90 = arith.constant 0x7F800000 : f32
    %broadcast_in_dim3A_91 = vector.broadcast %jit3A_90 : f32 to vector<256x128xf32>
    %select_n3A_92 = arith.select %eq3A_89, %broadcast_in_dim3A_91, %select_n3A_76 : vector<256x128xi1>, vector<256x128xf32>
    %reduce_min3A_93 = arith.constant dense<0x7F800000> : vector<256xf32>
    %reduce_min3A_94 = vector.multi_reduction <minimumf>, %select_n3A_92, %reduce_min3A_93 [1] : vector<256x128xf32> to vector<256xf32>
    %broadcast_in_dim3A_95 = vector.shape_cast %reduce_min3A_94 : vector<256xf32> to vector<256x1xf32>
    %eq3A_96 = vector.broadcast %broadcast_in_dim3A_95 : vector<256x1xf32> to vector<256x128xf32>
    %eq3A_97 = arith.cmpf oeq, %select_n3A_92, %eq3A_96 : vector<256x128xf32>
    %jit3A_98 = arith.constant 1073741824 : i32
    %broadcast_in_dim3A_99 = vector.broadcast %jit3A_98 : i32 to vector<256x128xi32>
    %select_n3A_100 = arith.select %eq3A_97, %iota3A, %broadcast_in_dim3A_99 : vector<256x128xi1>, vector<256x128xi32>
    %reduce_min3A_101 = arith.constant dense<2147483647> : vector<256xi32>
    %reduce_min3A_102 = vector.multi_reduction <minsi>, %select_n3A_100, %reduce_min3A_101 [1] : vector<256x128xi32> to vector<256xi32>
    %broadcast_in_dim3A_103 = vector.shape_cast %reduce_min3A_102 : vector<256xi32> to vector<256x1xi32>
    %eq3A_104 = vector.broadcast %broadcast_in_dim3A_103 : vector<256x1xi32> to vector<256x128xi32>
    %eq3A_105 = arith.cmpi eq, %iota3A, %eq3A_104 : vector<256x128xi32>
    %jit3A_106 = arith.constant 0x7F800000 : f32
    %broadcast_in_dim3A_107 = vector.broadcast %jit3A_106 : f32 to vector<256x128xf32>
    %select_n3A_108 = arith.select %eq3A_105, %broadcast_in_dim3A_107, %select_n3A_92 : vector<256x128xi1>, vector<256x128xf32>
    %reduce_min3A_109 = arith.constant dense<0x7F800000> : vector<256xf32>
    %reduce_min3A_110 = vector.multi_reduction <minimumf>, %select_n3A_108, %reduce_min3A_109 [1] : vector<256x128xf32> to vector<256xf32>
    %broadcast_in_dim3A_111 = vector.shape_cast %reduce_min3A_110 : vector<256xf32> to vector<256x1xf32>
    %eq3A_112 = vector.broadcast %broadcast_in_dim3A_111 : vector<256x1xf32> to vector<256x128xf32>
    %eq3A_113 = arith.cmpf oeq, %select_n3A_108, %eq3A_112 : vector<256x128xf32>
    %jit3A_114 = arith.constant 1073741824 : i32
    %broadcast_in_dim3A_115 = vector.broadcast %jit3A_114 : i32 to vector<256x128xi32>
    %select_n3A_116 = arith.select %eq3A_113, %iota3A, %broadcast_in_dim3A_115 : vector<256x128xi1>, vector<256x128xi32>
    %reduce_min3A_117 = arith.constant dense<2147483647> : vector<256xi32>
    %reduce_min3A_118 = vector.multi_reduction <minsi>, %select_n3A_116, %reduce_min3A_117 [1] : vector<256x128xi32> to vector<256xi32>
    %broadcast_in_dim3A_119 = vector.shape_cast %reduce_min3A_118 : vector<256xi32> to vector<256x1xi32>
    %eq3A_120 = vector.broadcast %broadcast_in_dim3A_119 : vector<256x1xi32> to vector<256x128xi32>
    %eq3A_121 = arith.cmpi eq, %iota3A, %eq3A_120 : vector<256x128xi32>
    %jit3A_122 = arith.constant 0x7F800000 : f32
    %broadcast_in_dim3A_123 = vector.broadcast %jit3A_122 : f32 to vector<256x128xf32>
    %select_n3A_124 = arith.select %eq3A_121, %broadcast_in_dim3A_123, %select_n3A_108 : vector<256x128xi1>, vector<256x128xf32>
    %reduce_min3A_125 = arith.constant dense<0x7F800000> : vector<256xf32>
    %reduce_min3A_126 = vector.multi_reduction <minimumf>, %select_n3A_124, %reduce_min3A_125 [1] : vector<256x128xf32> to vector<256xf32>
    %broadcast_in_dim3A_127 = vector.shape_cast %reduce_min3A_126 : vector<256xf32> to vector<256x1xf32>
    %eq3A_128 = vector.broadcast %broadcast_in_dim3A_127 : vector<256x1xf32> to vector<256x128xf32>
    %eq3A_129 = arith.cmpf oeq, %select_n3A_124, %eq3A_128 : vector<256x128xf32>
    %jit3A_130 = arith.constant 1073741824 : i32
    %broadcast_in_dim3A_131 = vector.broadcast %jit3A_130 : i32 to vector<256x128xi32>
    %select_n3A_132 = arith.select %eq3A_129, %iota3A, %broadcast_in_dim3A_131 : vector<256x128xi1>, vector<256x128xi32>
    %reduce_min3A_133 = arith.constant dense<2147483647> : vector<256xi32>
    %reduce_min3A_134 = vector.multi_reduction <minsi>, %select_n3A_132, %reduce_min3A_133 [1] : vector<256x128xi32> to vector<256xi32>
    %broadcast_in_dim3A_135 = vector.shape_cast %reduce_min3A_134 : vector<256xi32> to vector<256x1xi32>
    %eq3A_136 = vector.broadcast %broadcast_in_dim3A_135 : vector<256x1xi32> to vector<256x128xi32>
    %eq3A_137 = arith.cmpi eq, %iota3A, %eq3A_136 : vector<256x128xi32>
    %jit3A_138 = arith.constant 0x7F800000 : f32
    %broadcast_in_dim3A_139 = vector.broadcast %jit3A_138 : f32 to vector<256x128xf32>
    %select_n3A_140 = arith.select %eq3A_137, %broadcast_in_dim3A_139, %select_n3A_124 : vector<256x128xi1>, vector<256x128xf32>
    %reduce_min3A_141 = arith.constant dense<0x7F800000> : vector<256xf32>
    %reduce_min3A_142 = vector.multi_reduction <minimumf>, %select_n3A_140, %reduce_min3A_141 [1] : vector<256x128xf32> to vector<256xf32>
    %broadcast_in_dim3A_143 = vector.shape_cast %reduce_min3A_142 : vector<256xf32> to vector<256x1xf32>
    %eq3A_144 = vector.broadcast %broadcast_in_dim3A_143 : vector<256x1xf32> to vector<256x128xf32>
    %eq3A_145 = arith.cmpf oeq, %select_n3A_140, %eq3A_144 : vector<256x128xf32>
    %jit3A_146 = arith.constant 1073741824 : i32
    %broadcast_in_dim3A_147 = vector.broadcast %jit3A_146 : i32 to vector<256x128xi32>
    %select_n3A_148 = arith.select %eq3A_145, %iota3A, %broadcast_in_dim3A_147 : vector<256x128xi1>, vector<256x128xi32>
    %reduce_min3A_149 = arith.constant dense<2147483647> : vector<256xi32>
    %reduce_min3A_150 = vector.multi_reduction <minsi>, %select_n3A_148, %reduce_min3A_149 [1] : vector<256x128xi32> to vector<256xi32>
    %broadcast_in_dim3A_151 = vector.shape_cast %reduce_min3A_150 : vector<256xi32> to vector<256x1xi32>
    %eq3A_152 = vector.broadcast %broadcast_in_dim3A_151 : vector<256x1xi32> to vector<256x128xi32>
    %eq3A_153 = arith.cmpi eq, %iota3A, %eq3A_152 : vector<256x128xi32>
    %jit3A_154 = arith.constant 0x7F800000 : f32
    %broadcast_in_dim3A_155 = vector.broadcast %jit3A_154 : f32 to vector<256x128xf32>
    %select_n3A_156 = arith.select %eq3A_153, %broadcast_in_dim3A_155, %select_n3A_140 : vector<256x128xi1>, vector<256x128xf32>
    %reduce_min3A_157 = arith.constant dense<0x7F800000> : vector<256xf32>
    %reduce_min3A_158 = vector.multi_reduction <minimumf>, %select_n3A_156, %reduce_min3A_157 [1] : vector<256x128xf32> to vector<256xf32>
    %broadcast_in_dim3A_159 = vector.shape_cast %reduce_min3A_158 : vector<256xf32> to vector<256x1xf32>
    %eq3A_160 = vector.broadcast %broadcast_in_dim3A_159 : vector<256x1xf32> to vector<256x128xf32>
    %eq3A_161 = arith.cmpf oeq, %select_n3A_156, %eq3A_160 : vector<256x128xf32>
    %jit3A_162 = arith.constant 1073741824 : i32
    %broadcast_in_dim3A_163 = vector.broadcast %jit3A_162 : i32 to vector<256x128xi32>
    %select_n3A_164 = arith.select %eq3A_161, %iota3A, %broadcast_in_dim3A_163 : vector<256x128xi1>, vector<256x128xi32>
    %reduce_min3A_165 = arith.constant dense<2147483647> : vector<256xi32>
    %reduce_min3A_166 = vector.multi_reduction <minsi>, %select_n3A_164, %reduce_min3A_165 [1] : vector<256x128xi32> to vector<256xi32>
    %broadcast_in_dim3A_167 = vector.shape_cast %reduce_min3A_166 : vector<256xi32> to vector<256x1xi32>
    %eq3A_168 = vector.broadcast %broadcast_in_dim3A_167 : vector<256x1xi32> to vector<256x128xi32>
    %eq3A_169 = arith.cmpi eq, %iota3A, %eq3A_168 : vector<256x128xi32>
    %jit3A_170 = arith.constant 0x7F800000 : f32
    %broadcast_in_dim3A_171 = vector.broadcast %jit3A_170 : f32 to vector<256x128xf32>
    %select_n3A_172 = arith.select %eq3A_169, %broadcast_in_dim3A_171, %select_n3A_156 : vector<256x128xi1>, vector<256x128xf32>
    %reduce_min3A_173 = arith.constant dense<0x7F800000> : vector<256xf32>
    %reduce_min3A_174 = vector.multi_reduction <minimumf>, %select_n3A_172, %reduce_min3A_173 [1] : vector<256x128xf32> to vector<256xf32>
    %broadcast_in_dim3A_175 = vector.shape_cast %reduce_min3A_174 : vector<256xf32> to vector<256x1xf32>
    %eq3A_176 = vector.broadcast %broadcast_in_dim3A_175 : vector<256x1xf32> to vector<256x128xf32>
    %eq3A_177 = arith.cmpf oeq, %select_n3A_172, %eq3A_176 : vector<256x128xf32>
    %jit3A_178 = arith.constant 1073741824 : i32
    %broadcast_in_dim3A_179 = vector.broadcast %jit3A_178 : i32 to vector<256x128xi32>
    %select_n3A_180 = arith.select %eq3A_177, %iota3A, %broadcast_in_dim3A_179 : vector<256x128xi1>, vector<256x128xi32>
    %reduce_min3A_181 = arith.constant dense<2147483647> : vector<256xi32>
    %reduce_min3A_182 = vector.multi_reduction <minsi>, %select_n3A_180, %reduce_min3A_181 [1] : vector<256x128xi32> to vector<256xi32>
    %broadcast_in_dim3A_183 = vector.shape_cast %reduce_min3A_182 : vector<256xi32> to vector<256x1xi32>
    %eq3A_184 = vector.broadcast %broadcast_in_dim3A_183 : vector<256x1xi32> to vector<256x128xi32>
    %eq3A_185 = arith.cmpi eq, %iota3A, %eq3A_184 : vector<256x128xi32>
    %jit3A_186 = arith.constant 0x7F800000 : f32
    %broadcast_in_dim3A_187 = vector.broadcast %jit3A_186 : f32 to vector<256x128xf32>
    %select_n3A_188 = arith.select %eq3A_185, %broadcast_in_dim3A_187, %select_n3A_172 : vector<256x128xi1>, vector<256x128xf32>
    %reduce_min3A_189 = arith.constant dense<0x7F800000> : vector<256xf32>
    %reduce_min3A_190 = vector.multi_reduction <minimumf>, %select_n3A_188, %reduce_min3A_189 [1] : vector<256x128xf32> to vector<256xf32>
    %broadcast_in_dim3A_191 = vector.shape_cast %reduce_min3A_190 : vector<256xf32> to vector<256x1xf32>
    %eq3A_192 = vector.broadcast %broadcast_in_dim3A_191 : vector<256x1xf32> to vector<256x128xf32>
    %eq3A_193 = arith.cmpf oeq, %select_n3A_188, %eq3A_192 : vector<256x128xf32>
    %jit3A_194 = arith.constant 1073741824 : i32
    %broadcast_in_dim3A_195 = vector.broadcast %jit3A_194 : i32 to vector<256x128xi32>
    %select_n3A_196 = arith.select %eq3A_193, %iota3A, %broadcast_in_dim3A_195 : vector<256x128xi1>, vector<256x128xi32>
    %reduce_min3A_197 = arith.constant dense<2147483647> : vector<256xi32>
    %reduce_min3A_198 = vector.multi_reduction <minsi>, %select_n3A_196, %reduce_min3A_197 [1] : vector<256x128xi32> to vector<256xi32>
    %broadcast_in_dim3A_199 = vector.shape_cast %reduce_min3A_198 : vector<256xi32> to vector<256x1xi32>
    %eq3A_200 = vector.broadcast %broadcast_in_dim3A_199 : vector<256x1xi32> to vector<256x128xi32>
    %eq3A_201 = arith.cmpi eq, %iota3A, %eq3A_200 : vector<256x128xi32>
    %jit3A_202 = arith.constant 0x7F800000 : f32
    %broadcast_in_dim3A_203 = vector.broadcast %jit3A_202 : f32 to vector<256x128xf32>
    %select_n3A_204 = arith.select %eq3A_201, %broadcast_in_dim3A_203, %select_n3A_188 : vector<256x128xi1>, vector<256x128xf32>
    %reduce_min3A_205 = arith.constant dense<0x7F800000> : vector<256xf32>
    %reduce_min3A_206 = vector.multi_reduction <minimumf>, %select_n3A_204, %reduce_min3A_205 [1] : vector<256x128xf32> to vector<256xf32>
    %broadcast_in_dim3A_207 = vector.shape_cast %reduce_min3A_206 : vector<256xf32> to vector<256x1xf32>
    %eq3A_208 = vector.broadcast %broadcast_in_dim3A_207 : vector<256x1xf32> to vector<256x128xf32>
    %eq3A_209 = arith.cmpf oeq, %select_n3A_204, %eq3A_208 : vector<256x128xf32>
    %jit3A_210 = arith.constant 1073741824 : i32
    %broadcast_in_dim3A_211 = vector.broadcast %jit3A_210 : i32 to vector<256x128xi32>
    %select_n3A_212 = arith.select %eq3A_209, %iota3A, %broadcast_in_dim3A_211 : vector<256x128xi1>, vector<256x128xi32>
    %reduce_min3A_213 = arith.constant dense<2147483647> : vector<256xi32>
    %reduce_min3A_214 = vector.multi_reduction <minsi>, %select_n3A_212, %reduce_min3A_213 [1] : vector<256x128xi32> to vector<256xi32>
    %broadcast_in_dim3A_215 = vector.shape_cast %reduce_min3A_214 : vector<256xi32> to vector<256x1xi32>
    %eq3A_216 = vector.broadcast %broadcast_in_dim3A_215 : vector<256x1xi32> to vector<256x128xi32>
    %eq3A_217 = arith.cmpi eq, %iota3A, %eq3A_216 : vector<256x128xi32>
    %jit3A_218 = arith.constant 0x7F800000 : f32
    %broadcast_in_dim3A_219 = vector.broadcast %jit3A_218 : f32 to vector<256x128xf32>
    %select_n3A_220 = arith.select %eq3A_217, %broadcast_in_dim3A_219, %select_n3A_204 : vector<256x128xi1>, vector<256x128xf32>
    %reduce_min3A_221 = arith.constant dense<0x7F800000> : vector<256xf32>
    %reduce_min3A_222 = vector.multi_reduction <minimumf>, %select_n3A_220, %reduce_min3A_221 [1] : vector<256x128xf32> to vector<256xf32>
    %broadcast_in_dim3A_223 = vector.shape_cast %reduce_min3A_222 : vector<256xf32> to vector<256x1xf32>
    %eq3A_224 = vector.broadcast %broadcast_in_dim3A_223 : vector<256x1xf32> to vector<256x128xf32>
    %eq3A_225 = arith.cmpf oeq, %select_n3A_220, %eq3A_224 : vector<256x128xf32>
    %jit3A_226 = arith.constant 1073741824 : i32
    %broadcast_in_dim3A_227 = vector.broadcast %jit3A_226 : i32 to vector<256x128xi32>
    %select_n3A_228 = arith.select %eq3A_225, %iota3A, %broadcast_in_dim3A_227 : vector<256x128xi1>, vector<256x128xi32>
    %reduce_min3A_229 = arith.constant dense<2147483647> : vector<256xi32>
    %reduce_min3A_230 = vector.multi_reduction <minsi>, %select_n3A_228, %reduce_min3A_229 [1] : vector<256x128xi32> to vector<256xi32>
    %broadcast_in_dim3A_231 = vector.shape_cast %reduce_min3A_230 : vector<256xi32> to vector<256x1xi32>
    %eq3A_232 = vector.broadcast %broadcast_in_dim3A_231 : vector<256x1xi32> to vector<256x128xi32>
    %eq3A_233 = arith.cmpi eq, %iota3A, %eq3A_232 : vector<256x128xi32>
    %jit3A_234 = arith.constant 0x7F800000 : f32
    %broadcast_in_dim3A_235 = vector.broadcast %jit3A_234 : f32 to vector<256x128xf32>
    %select_n3A_236 = arith.select %eq3A_233, %broadcast_in_dim3A_235, %select_n3A_220 : vector<256x128xi1>, vector<256x128xf32>
    %reduce_min3A_237 = arith.constant dense<0x7F800000> : vector<256xf32>
    %reduce_min3A_238 = vector.multi_reduction <minimumf>, %select_n3A_236, %reduce_min3A_237 [1] : vector<256x128xf32> to vector<256xf32>
    %broadcast_in_dim3A_239 = vector.shape_cast %reduce_min3A_238 : vector<256xf32> to vector<256x1xf32>
    %eq3A_240 = vector.broadcast %broadcast_in_dim3A_239 : vector<256x1xf32> to vector<256x128xf32>
    %eq3A_241 = arith.cmpf oeq, %select_n3A_236, %eq3A_240 : vector<256x128xf32>
    %jit3A_242 = arith.constant 1073741824 : i32
    %broadcast_in_dim3A_243 = vector.broadcast %jit3A_242 : i32 to vector<256x128xi32>
    %select_n3A_244 = arith.select %eq3A_241, %iota3A, %broadcast_in_dim3A_243 : vector<256x128xi1>, vector<256x128xi32>
    %reduce_min3A_245 = arith.constant dense<2147483647> : vector<256xi32>
    %reduce_min3A_246 = vector.multi_reduction <minsi>, %select_n3A_244, %reduce_min3A_245 [1] : vector<256x128xi32> to vector<256xi32>
    %broadcast_in_dim3A_247 = vector.shape_cast %reduce_min3A_246 : vector<256xi32> to vector<256x1xi32>
    %concatenate3A = tpu.concatenate %broadcast_in_dim3A_7, %broadcast_in_dim3A_23, %broadcast_in_dim3A_39, %broadcast_in_dim3A_55, %broadcast_in_dim3A_71, %broadcast_in_dim3A_87, %broadcast_in_dim3A_103, %broadcast_in_dim3A_119, %broadcast_in_dim3A_135, %broadcast_in_dim3A_151, %broadcast_in_dim3A_167, %broadcast_in_dim3A_183, %broadcast_in_dim3A_199, %broadcast_in_dim3A_215, %broadcast_in_dim3A_231, %broadcast_in_dim3A_247 in 1 : vector<256x1xi32>, vector<256x1xi32>, vector<256x1xi32>, vector<256x1xi32>, vector<256x1xi32>, vector<256x1xi32>, vector<256x1xi32>, vector<256x1xi32>, vector<256x1xi32>, vector<256x1xi32>, vector<256x1xi32>, vector<256x1xi32>, vector<256x1xi32>, vector<256x1xi32>, vector<256x1xi32>, vector<256x1xi32> -> vector<256x16xi32>
    %swap3A = arith.constant 0 : index
    %swap3A_248 = arith.constant 0 : index
    %swap3A_249 = vector.load %arg2[%swap3A, %swap3A_248] : memref<256x16xi32, #tpu.memory_space<vmem>>, vector<256x16xi32>
    tpu.vector_store %arg2[%swap3A, %swap3A_248], %concatenate3A {strides = array<i32>} : memref<256x16xi32, #tpu.memory_space<vmem>>, vector<256x16xi32>,
    %iota3A_250 = tpu.iota {dimensions = array<i32: 0>} : vector<256x16xi32>
    %mul3A = arith.constant 256 : i32
    %mul3A_251 = arith.muli %arg0, %mul3A : i32
    %add3A = vector.broadcast %mul3A_251 : i32 to vector<256x16xi32>
    %add3A_252 = arith.addi %iota3A_250, %add3A : vector<256x16xi32>
    %mul3A_253 = arith.constant 4096 : i32
    %mul3A_254 = vector.broadcast %mul3A_253 : i32 to vector<256x16xi32>
    %mul3A_255 = arith.muli %concatenate3A, %mul3A_254 : vector<256x16xi32>
    %add3A_256 = arith.addi %mul3A_255, %add3A_252 : vector<256x16xi32>
    %swap3A_257 = arith.constant 0 : index
    %swap3A_258 = arith.constant 0 : index
    %swap3A_259 = vector.load %arg3[%swap3A_257, %swap3A_258] : memref<256x16xi32, #tpu.memory_space<vmem>>, vector<256x16xi32>
    tpu.vector_store %arg3[%swap3A_257, %swap3A_258], %add3A_256 {strides = array<i32>} : memref<256x16xi32, #tpu.memory_space<vmem>>, vector<256x16xi32>,
    return
  }
  func.func @transform_0(%arg0: i32) -> (i32, i32) {
    %c0_i32 = arith.constant 0 : i32
    %c0_i32_0 = arith.constant 0 : i32
    return %arg0, %c0_i32 : i32, i32
  }
  func.func @transform_1(%arg0: i32) -> (i32, i32) {
    %c0_i32 = arith.constant 0 : i32
    %c0_i32_0 = arith.constant 0 : i32
    return %arg0, %c0_i32 : i32, i32
  }
  func.func @transform_2(%arg0: i32) -> (i32, i32) {
    %c0_i32 = arith.constant 0 : i32
    %c0_i32_0 = arith.constant 0 : i32
    return %arg0, %c0_i32 : i32, i32
  }
}

module attributes {stable_mosaic.version = 14 : i64} {
  func.func @_tc1_body(%arg0: i32, %arg1: i32, %arg2: memref<256x128xf32, #tpu.memory_space<vmem>>, %arg3: memref<4096x128xf32, #tpu.memory_space<vmem>>, %arg4: memref<32x256x128xf32, #tpu.memory_space<vmem>>, %arg5: memref<4096x128xf32, #tpu.memory_space<vmem>>) attributes {dimension_semantics = [#tpu.dimension_semantics<arbitrary>, #tpu.dimension_semantics<arbitrary>], iteration_bounds = array<i64: 4, 16>, scalar_prefetch = 0 : i64, scratch_operands = 0 : i64, tpu.core_type = #tpu.core_type<tc>, window_params = [{transform_indices = @transform_0, window_bounds = array<i64: 256, 128>}, {transform_indices = @transform_1, window_bounds = array<i64: 4096, 128>}, {transform_indices = @transform_2, window_bounds = array<i64: 32, 256, 128>}, {pipeline_mode = #tpu.pipeline_mode<synchronous>, transform_indices = @transform_3, window_bounds = array<i64: 4096, 128>}]} {
    %get3A = arith.constant 0 : index
    %get3A_0 = arith.constant 0 : index
    %get3A_1 = vector.load %arg2[%get3A, %get3A_0] : memref<256x128xf32, #tpu.memory_space<vmem>>, vector<256x128xf32>
    %get3A_2 = arith.constant 0 : index
    %get3A_3 = arith.constant 0 : index
    %get3A_4 = vector.load %arg3[%get3A_2, %get3A_3] : memref<4096x128xf32, #tpu.memory_space<vmem>>, vector<4096x128xf32>
    %mul3A = arith.mulf %get3A_1, %get3A_1 : vector<256x128xf32>
    %reduce_sum3A = arith.constant dense<0.000000e+00> : vector<256xf32>
    %reduce_sum3A_5 = vector.multi_reduction <add>, %mul3A, %reduce_sum3A [1] : vector<256x128xf32> to vector<256xf32>
    %broadcast_in_dim3A = vector.shape_cast %reduce_sum3A_5 : vector<256xf32> to vector<256x1xf32>
    %mul3A_6 = arith.mulf %get3A_4, %get3A_4 : vector<4096x128xf32>
    %reduce_sum3A_7 = arith.constant dense<0.000000e+00> : vector<4096xf32>
    %reduce_sum3A_8 = vector.multi_reduction <add>, %mul3A_6, %reduce_sum3A_7 [1] : vector<4096x128xf32> to vector<4096xf32>
    %broadcast_in_dim3A_9 = vector.shape_cast %reduce_sum3A_8 : vector<4096xf32> to vector<1x4096xf32>
    %dot_general3A = arith.constant dense<0.000000e+00> : vector<256x4096xf32>
    %dot_general3A_10 = tpu.matmul %get3A_1, %get3A_4, %dot_general3A {dimension_numbers = #tpu.dot_dimension_numbers<[1], [1], [0], [0], [0, 0, 1, 0], [], []>, transpose_lhs_hint = false} : vector<256x128xf32>, vector<4096x128xf32>, vector<256x4096xf32> -> vector<256x4096xf32>
    %mul3A_11 = arith.constant 2.000000e+00 : f32
    %mul3A_12 = vector.broadcast %mul3A_11 : f32 to vector<256x4096xf32>
    %mul3A_13 = arith.mulf %mul3A_12, %dot_general3A_10 : vector<256x4096xf32>
    %sub3A = vector.broadcast %broadcast_in_dim3A : vector<256x1xf32> to vector<256x4096xf32>
    %sub3A_14 = arith.subf %sub3A, %mul3A_13 : vector<256x4096xf32>
    %add3A = vector.broadcast %broadcast_in_dim3A_9 : vector<1x4096xf32> to vector<256x4096xf32>
    %add3A_15 = arith.addf %sub3A_14, %add3A : vector<256x4096xf32>
    %slice3A = vector.extract_strided_slice %add3A_15 {offsets = [0, 0], sizes = [256, 128], strides = [1, 1]} : vector<256x4096xf32> to vector<256x128xf32>
    %swap3A = arith.constant 0 : index
    %swap3A_16 = arith.constant 0 : index
    %swap3A_17 = arith.constant 0 : index
    %swap3A_18 = vector.load %arg4[%swap3A, %swap3A_16, %swap3A_17] : memref<32x256x128xf32, #tpu.memory_space<vmem>>, vector<1x256x128xf32>
    %swap3A_19 = vector.shape_cast %swap3A_18 : vector<1x256x128xf32> to vector<256x128xf32>
    %swap3A_20 = vector.shape_cast %slice3A : vector<256x128xf32> to vector<1x256x128xf32>
    tpu.vector_store %arg4[%swap3A, %swap3A_16, %swap3A_17], %swap3A_20 {strides = array<i32>} : memref<32x256x128xf32, #tpu.memory_space<vmem>>, vector<1x256x128xf32>,
    %slice3A_21 = vector.extract_strided_slice %add3A_15 {offsets = [0, 128], sizes = [256, 128], strides = [1, 1]} : vector<256x4096xf32> to vector<256x128xf32>
    %swap3A_22 = arith.constant 1 : index
    %swap3A_23 = arith.constant 0 : index
    %swap3A_24 = arith.constant 0 : index
    %swap3A_25 = vector.load %arg4[%swap3A_22, %swap3A_23, %swap3A_24] : memref<32x256x128xf32, #tpu.memory_space<vmem>>, vector<1x256x128xf32>
    %swap3A_26 = vector.shape_cast %swap3A_25 : vector<1x256x128xf32> to vector<256x128xf32>
    %swap3A_27 = vector.shape_cast %slice3A_21 : vector<256x128xf32> to vector<1x256x128xf32>
    tpu.vector_store %arg4[%swap3A_22, %swap3A_23, %swap3A_24], %swap3A_27 {strides = array<i32>} : memref<32x256x128xf32, #tpu.memory_space<vmem>>, vector<1x256x128xf32>,
    %slice3A_28 = vector.extract_strided_slice %add3A_15 {offsets = [0, 256], sizes = [256, 128], strides = [1, 1]} : vector<256x4096xf32> to vector<256x128xf32>
    %swap3A_29 = arith.constant 2 : index
    %swap3A_30 = arith.constant 0 : index
    %swap3A_31 = arith.constant 0 : index
    %swap3A_32 = vector.load %arg4[%swap3A_29, %swap3A_30, %swap3A_31] : memref<32x256x128xf32, #tpu.memory_space<vmem>>, vector<1x256x128xf32>
    %swap3A_33 = vector.shape_cast %swap3A_32 : vector<1x256x128xf32> to vector<256x128xf32>
    %swap3A_34 = vector.shape_cast %slice3A_28 : vector<256x128xf32> to vector<1x256x128xf32>
    tpu.vector_store %arg4[%swap3A_29, %swap3A_30, %swap3A_31], %swap3A_34 {strides = array<i32>} : memref<32x256x128xf32, #tpu.memory_space<vmem>>, vector<1x256x128xf32>,
    %slice3A_35 = vector.extract_strided_slice %add3A_15 {offsets = [0, 384], sizes = [256, 128], strides = [1, 1]} : vector<256x4096xf32> to vector<256x128xf32>
    %swap3A_36 = arith.constant 3 : index
    %swap3A_37 = arith.constant 0 : index
    %swap3A_38 = arith.constant 0 : index
    %swap3A_39 = vector.load %arg4[%swap3A_36, %swap3A_37, %swap3A_38] : memref<32x256x128xf32, #tpu.memory_space<vmem>>, vector<1x256x128xf32>
    %swap3A_40 = vector.shape_cast %swap3A_39 : vector<1x256x128xf32> to vector<256x128xf32>
    %swap3A_41 = vector.shape_cast %slice3A_35 : vector<256x128xf32> to vector<1x256x128xf32>
    tpu.vector_store %arg4[%swap3A_36, %swap3A_37, %swap3A_38], %swap3A_41 {strides = array<i32>} : memref<32x256x128xf32, #tpu.memory_space<vmem>>, vector<1x256x128xf32>,
    %slice3A_42 = vector.extract_strided_slice %add3A_15 {offsets = [0, 512], sizes = [256, 128], strides = [1, 1]} : vector<256x4096xf32> to vector<256x128xf32>
    %swap3A_43 = arith.constant 4 : index
    %swap3A_44 = arith.constant 0 : index
    %swap3A_45 = arith.constant 0 : index
    %swap3A_46 = vector.load %arg4[%swap3A_43, %swap3A_44, %swap3A_45] : memref<32x256x128xf32, #tpu.memory_space<vmem>>, vector<1x256x128xf32>
    %swap3A_47 = vector.shape_cast %swap3A_46 : vector<1x256x128xf32> to vector<256x128xf32>
    %swap3A_48 = vector.shape_cast %slice3A_42 : vector<256x128xf32> to vector<1x256x128xf32>
    tpu.vector_store %arg4[%swap3A_43, %swap3A_44, %swap3A_45], %swap3A_48 {strides = array<i32>} : memref<32x256x128xf32, #tpu.memory_space<vmem>>, vector<1x256x128xf32>,
    %slice3A_49 = vector.extract_strided_slice %add3A_15 {offsets = [0, 640], sizes = [256, 128], strides = [1, 1]} : vector<256x4096xf32> to vector<256x128xf32>
    %swap3A_50 = arith.constant 5 : index
    %swap3A_51 = arith.constant 0 : index
    %swap3A_52 = arith.constant 0 : index
    %swap3A_53 = vector.load %arg4[%swap3A_50, %swap3A_51, %swap3A_52] : memref<32x256x128xf32, #tpu.memory_space<vmem>>, vector<1x256x128xf32>
    %swap3A_54 = vector.shape_cast %swap3A_53 : vector<1x256x128xf32> to vector<256x128xf32>
    %swap3A_55 = vector.shape_cast %slice3A_49 : vector<256x128xf32> to vector<1x256x128xf32>
    tpu.vector_store %arg4[%swap3A_50, %swap3A_51, %swap3A_52], %swap3A_55 {strides = array<i32>} : memref<32x256x128xf32, #tpu.memory_space<vmem>>, vector<1x256x128xf32>,
    %slice3A_56 = vector.extract_strided_slice %add3A_15 {offsets = [0, 768], sizes = [256, 128], strides = [1, 1]} : vector<256x4096xf32> to vector<256x128xf32>
    %swap3A_57 = arith.constant 6 : index
    %swap3A_58 = arith.constant 0 : index
    %swap3A_59 = arith.constant 0 : index
    %swap3A_60 = vector.load %arg4[%swap3A_57, %swap3A_58, %swap3A_59] : memref<32x256x128xf32, #tpu.memory_space<vmem>>, vector<1x256x128xf32>
    %swap3A_61 = vector.shape_cast %swap3A_60 : vector<1x256x128xf32> to vector<256x128xf32>
    %swap3A_62 = vector.shape_cast %slice3A_56 : vector<256x128xf32> to vector<1x256x128xf32>
    tpu.vector_store %arg4[%swap3A_57, %swap3A_58, %swap3A_59], %swap3A_62 {strides = array<i32>} : memref<32x256x128xf32, #tpu.memory_space<vmem>>, vector<1x256x128xf32>,
    %slice3A_63 = vector.extract_strided_slice %add3A_15 {offsets = [0, 896], sizes = [256, 128], strides = [1, 1]} : vector<256x4096xf32> to vector<256x128xf32>
    %swap3A_64 = arith.constant 7 : index
    %swap3A_65 = arith.constant 0 : index
    %swap3A_66 = arith.constant 0 : index
    %swap3A_67 = vector.load %arg4[%swap3A_64, %swap3A_65, %swap3A_66] : memref<32x256x128xf32, #tpu.memory_space<vmem>>, vector<1x256x128xf32>
    %swap3A_68 = vector.shape_cast %swap3A_67 : vector<1x256x128xf32> to vector<256x128xf32>
    %swap3A_69 = vector.shape_cast %slice3A_63 : vector<256x128xf32> to vector<1x256x128xf32>
    tpu.vector_store %arg4[%swap3A_64, %swap3A_65, %swap3A_66], %swap3A_69 {strides = array<i32>} : memref<32x256x128xf32, #tpu.memory_space<vmem>>, vector<1x256x128xf32>,
    %slice3A_70 = vector.extract_strided_slice %add3A_15 {offsets = [0, 1024], sizes = [256, 128], strides = [1, 1]} : vector<256x4096xf32> to vector<256x128xf32>
    %swap3A_71 = arith.constant 8 : index
    %swap3A_72 = arith.constant 0 : index
    %swap3A_73 = arith.constant 0 : index
    %swap3A_74 = vector.load %arg4[%swap3A_71, %swap3A_72, %swap3A_73] : memref<32x256x128xf32, #tpu.memory_space<vmem>>, vector<1x256x128xf32>
    %swap3A_75 = vector.shape_cast %swap3A_74 : vector<1x256x128xf32> to vector<256x128xf32>
    %swap3A_76 = vector.shape_cast %slice3A_70 : vector<256x128xf32> to vector<1x256x128xf32>
    tpu.vector_store %arg4[%swap3A_71, %swap3A_72, %swap3A_73], %swap3A_76 {strides = array<i32>} : memref<32x256x128xf32, #tpu.memory_space<vmem>>, vector<1x256x128xf32>,
    %slice3A_77 = vector.extract_strided_slice %add3A_15 {offsets = [0, 1152], sizes = [256, 128], strides = [1, 1]} : vector<256x4096xf32> to vector<256x128xf32>
    %swap3A_78 = arith.constant 9 : index
    %swap3A_79 = arith.constant 0 : index
    %swap3A_80 = arith.constant 0 : index
    %swap3A_81 = vector.load %arg4[%swap3A_78, %swap3A_79, %swap3A_80] : memref<32x256x128xf32, #tpu.memory_space<vmem>>, vector<1x256x128xf32>
    %swap3A_82 = vector.shape_cast %swap3A_81 : vector<1x256x128xf32> to vector<256x128xf32>
    %swap3A_83 = vector.shape_cast %slice3A_77 : vector<256x128xf32> to vector<1x256x128xf32>
    tpu.vector_store %arg4[%swap3A_78, %swap3A_79, %swap3A_80], %swap3A_83 {strides = array<i32>} : memref<32x256x128xf32, #tpu.memory_space<vmem>>, vector<1x256x128xf32>,
    %slice3A_84 = vector.extract_strided_slice %add3A_15 {offsets = [0, 1280], sizes = [256, 128], strides = [1, 1]} : vector<256x4096xf32> to vector<256x128xf32>
    %swap3A_85 = arith.constant 10 : index
    %swap3A_86 = arith.constant 0 : index
    %swap3A_87 = arith.constant 0 : index
    %swap3A_88 = vector.load %arg4[%swap3A_85, %swap3A_86, %swap3A_87] : memref<32x256x128xf32, #tpu.memory_space<vmem>>, vector<1x256x128xf32>
    %swap3A_89 = vector.shape_cast %swap3A_88 : vector<1x256x128xf32> to vector<256x128xf32>
    %swap3A_90 = vector.shape_cast %slice3A_84 : vector<256x128xf32> to vector<1x256x128xf32>
    tpu.vector_store %arg4[%swap3A_85, %swap3A_86, %swap3A_87], %swap3A_90 {strides = array<i32>} : memref<32x256x128xf32, #tpu.memory_space<vmem>>, vector<1x256x128xf32>,
    %slice3A_91 = vector.extract_strided_slice %add3A_15 {offsets = [0, 1408], sizes = [256, 128], strides = [1, 1]} : vector<256x4096xf32> to vector<256x128xf32>
    %swap3A_92 = arith.constant 11 : index
    %swap3A_93 = arith.constant 0 : index
    %swap3A_94 = arith.constant 0 : index
    %swap3A_95 = vector.load %arg4[%swap3A_92, %swap3A_93, %swap3A_94] : memref<32x256x128xf32, #tpu.memory_space<vmem>>, vector<1x256x128xf32>
    %swap3A_96 = vector.shape_cast %swap3A_95 : vector<1x256x128xf32> to vector<256x128xf32>
    %swap3A_97 = vector.shape_cast %slice3A_91 : vector<256x128xf32> to vector<1x256x128xf32>
    tpu.vector_store %arg4[%swap3A_92, %swap3A_93, %swap3A_94], %swap3A_97 {strides = array<i32>} : memref<32x256x128xf32, #tpu.memory_space<vmem>>, vector<1x256x128xf32>,
    %slice3A_98 = vector.extract_strided_slice %add3A_15 {offsets = [0, 1536], sizes = [256, 128], strides = [1, 1]} : vector<256x4096xf32> to vector<256x128xf32>
    %swap3A_99 = arith.constant 12 : index
    %swap3A_100 = arith.constant 0 : index
    %swap3A_101 = arith.constant 0 : index
    %swap3A_102 = vector.load %arg4[%swap3A_99, %swap3A_100, %swap3A_101] : memref<32x256x128xf32, #tpu.memory_space<vmem>>, vector<1x256x128xf32>
    %swap3A_103 = vector.shape_cast %swap3A_102 : vector<1x256x128xf32> to vector<256x128xf32>
    %swap3A_104 = vector.shape_cast %slice3A_98 : vector<256x128xf32> to vector<1x256x128xf32>
    tpu.vector_store %arg4[%swap3A_99, %swap3A_100, %swap3A_101], %swap3A_104 {strides = array<i32>} : memref<32x256x128xf32, #tpu.memory_space<vmem>>, vector<1x256x128xf32>,
    %slice3A_105 = vector.extract_strided_slice %add3A_15 {offsets = [0, 1664], sizes = [256, 128], strides = [1, 1]} : vector<256x4096xf32> to vector<256x128xf32>
    %swap3A_106 = arith.constant 13 : index
    %swap3A_107 = arith.constant 0 : index
    %swap3A_108 = arith.constant 0 : index
    %swap3A_109 = vector.load %arg4[%swap3A_106, %swap3A_107, %swap3A_108] : memref<32x256x128xf32, #tpu.memory_space<vmem>>, vector<1x256x128xf32>
    %swap3A_110 = vector.shape_cast %swap3A_109 : vector<1x256x128xf32> to vector<256x128xf32>
    %swap3A_111 = vector.shape_cast %slice3A_105 : vector<256x128xf32> to vector<1x256x128xf32>
    tpu.vector_store %arg4[%swap3A_106, %swap3A_107, %swap3A_108], %swap3A_111 {strides = array<i32>} : memref<32x256x128xf32, #tpu.memory_space<vmem>>, vector<1x256x128xf32>,
    %slice3A_112 = vector.extract_strided_slice %add3A_15 {offsets = [0, 1792], sizes = [256, 128], strides = [1, 1]} : vector<256x4096xf32> to vector<256x128xf32>
    %swap3A_113 = arith.constant 14 : index
    %swap3A_114 = arith.constant 0 : index
    %swap3A_115 = arith.constant 0 : index
    %swap3A_116 = vector.load %arg4[%swap3A_113, %swap3A_114, %swap3A_115] : memref<32x256x128xf32, #tpu.memory_space<vmem>>, vector<1x256x128xf32>
    %swap3A_117 = vector.shape_cast %swap3A_116 : vector<1x256x128xf32> to vector<256x128xf32>
    %swap3A_118 = vector.shape_cast %slice3A_112 : vector<256x128xf32> to vector<1x256x128xf32>
    tpu.vector_store %arg4[%swap3A_113, %swap3A_114, %swap3A_115], %swap3A_118 {strides = array<i32>} : memref<32x256x128xf32, #tpu.memory_space<vmem>>, vector<1x256x128xf32>,
    %slice3A_119 = vector.extract_strided_slice %add3A_15 {offsets = [0, 1920], sizes = [256, 128], strides = [1, 1]} : vector<256x4096xf32> to vector<256x128xf32>
    %swap3A_120 = arith.constant 15 : index
    %swap3A_121 = arith.constant 0 : index
    %swap3A_122 = arith.constant 0 : index
    %swap3A_123 = vector.load %arg4[%swap3A_120, %swap3A_121, %swap3A_122] : memref<32x256x128xf32, #tpu.memory_space<vmem>>, vector<1x256x128xf32>
    %swap3A_124 = vector.shape_cast %swap3A_123 : vector<1x256x128xf32> to vector<256x128xf32>
    %swap3A_125 = vector.shape_cast %slice3A_119 : vector<256x128xf32> to vector<1x256x128xf32>
    tpu.vector_store %arg4[%swap3A_120, %swap3A_121, %swap3A_122], %swap3A_125 {strides = array<i32>} : memref<32x256x128xf32, #tpu.memory_space<vmem>>, vector<1x256x128xf32>,
    %slice3A_126 = vector.extract_strided_slice %add3A_15 {offsets = [0, 2048], sizes = [256, 128], strides = [1, 1]} : vector<256x4096xf32> to vector<256x128xf32>
    %swap3A_127 = arith.constant 16 : index
    %swap3A_128 = arith.constant 0 : index
    %swap3A_129 = arith.constant 0 : index
    %swap3A_130 = vector.load %arg4[%swap3A_127, %swap3A_128, %swap3A_129] : memref<32x256x128xf32, #tpu.memory_space<vmem>>, vector<1x256x128xf32>
    %swap3A_131 = vector.shape_cast %swap3A_130 : vector<1x256x128xf32> to vector<256x128xf32>
    %swap3A_132 = vector.shape_cast %slice3A_126 : vector<256x128xf32> to vector<1x256x128xf32>
    tpu.vector_store %arg4[%swap3A_127, %swap3A_128, %swap3A_129], %swap3A_132 {strides = array<i32>} : memref<32x256x128xf32, #tpu.memory_space<vmem>>, vector<1x256x128xf32>,
    %slice3A_133 = vector.extract_strided_slice %add3A_15 {offsets = [0, 2176], sizes = [256, 128], strides = [1, 1]} : vector<256x4096xf32> to vector<256x128xf32>
    %swap3A_134 = arith.constant 17 : index
    %swap3A_135 = arith.constant 0 : index
    %swap3A_136 = arith.constant 0 : index
    %swap3A_137 = vector.load %arg4[%swap3A_134, %swap3A_135, %swap3A_136] : memref<32x256x128xf32, #tpu.memory_space<vmem>>, vector<1x256x128xf32>
    %swap3A_138 = vector.shape_cast %swap3A_137 : vector<1x256x128xf32> to vector<256x128xf32>
    %swap3A_139 = vector.shape_cast %slice3A_133 : vector<256x128xf32> to vector<1x256x128xf32>
    tpu.vector_store %arg4[%swap3A_134, %swap3A_135, %swap3A_136], %swap3A_139 {strides = array<i32>} : memref<32x256x128xf32, #tpu.memory_space<vmem>>, vector<1x256x128xf32>,
    %slice3A_140 = vector.extract_strided_slice %add3A_15 {offsets = [0, 2304], sizes = [256, 128], strides = [1, 1]} : vector<256x4096xf32> to vector<256x128xf32>
    %swap3A_141 = arith.constant 18 : index
    %swap3A_142 = arith.constant 0 : index
    %swap3A_143 = arith.constant 0 : index
    %swap3A_144 = vector.load %arg4[%swap3A_141, %swap3A_142, %swap3A_143] : memref<32x256x128xf32, #tpu.memory_space<vmem>>, vector<1x256x128xf32>
    %swap3A_145 = vector.shape_cast %swap3A_144 : vector<1x256x128xf32> to vector<256x128xf32>
    %swap3A_146 = vector.shape_cast %slice3A_140 : vector<256x128xf32> to vector<1x256x128xf32>
    tpu.vector_store %arg4[%swap3A_141, %swap3A_142, %swap3A_143], %swap3A_146 {strides = array<i32>} : memref<32x256x128xf32, #tpu.memory_space<vmem>>, vector<1x256x128xf32>,
    %slice3A_147 = vector.extract_strided_slice %add3A_15 {offsets = [0, 2432], sizes = [256, 128], strides = [1, 1]} : vector<256x4096xf32> to vector<256x128xf32>
    %swap3A_148 = arith.constant 19 : index
    %swap3A_149 = arith.constant 0 : index
    %swap3A_150 = arith.constant 0 : index
    %swap3A_151 = vector.load %arg4[%swap3A_148, %swap3A_149, %swap3A_150] : memref<32x256x128xf32, #tpu.memory_space<vmem>>, vector<1x256x128xf32>
    %swap3A_152 = vector.shape_cast %swap3A_151 : vector<1x256x128xf32> to vector<256x128xf32>
    %swap3A_153 = vector.shape_cast %slice3A_147 : vector<256x128xf32> to vector<1x256x128xf32>
    tpu.vector_store %arg4[%swap3A_148, %swap3A_149, %swap3A_150], %swap3A_153 {strides = array<i32>} : memref<32x256x128xf32, #tpu.memory_space<vmem>>, vector<1x256x128xf32>,
    %slice3A_154 = vector.extract_strided_slice %add3A_15 {offsets = [0, 2560], sizes = [256, 128], strides = [1, 1]} : vector<256x4096xf32> to vector<256x128xf32>
    %swap3A_155 = arith.constant 20 : index
    %swap3A_156 = arith.constant 0 : index
    %swap3A_157 = arith.constant 0 : index
    %swap3A_158 = vector.load %arg4[%swap3A_155, %swap3A_156, %swap3A_157] : memref<32x256x128xf32, #tpu.memory_space<vmem>>, vector<1x256x128xf32>
    %swap3A_159 = vector.shape_cast %swap3A_158 : vector<1x256x128xf32> to vector<256x128xf32>
    %swap3A_160 = vector.shape_cast %slice3A_154 : vector<256x128xf32> to vector<1x256x128xf32>
    tpu.vector_store %arg4[%swap3A_155, %swap3A_156, %swap3A_157], %swap3A_160 {strides = array<i32>} : memref<32x256x128xf32, #tpu.memory_space<vmem>>, vector<1x256x128xf32>,
    %slice3A_161 = vector.extract_strided_slice %add3A_15 {offsets = [0, 2688], sizes = [256, 128], strides = [1, 1]} : vector<256x4096xf32> to vector<256x128xf32>
    %swap3A_162 = arith.constant 21 : index
    %swap3A_163 = arith.constant 0 : index
    %swap3A_164 = arith.constant 0 : index
    %swap3A_165 = vector.load %arg4[%swap3A_162, %swap3A_163, %swap3A_164] : memref<32x256x128xf32, #tpu.memory_space<vmem>>, vector<1x256x128xf32>
    %swap3A_166 = vector.shape_cast %swap3A_165 : vector<1x256x128xf32> to vector<256x128xf32>
    %swap3A_167 = vector.shape_cast %slice3A_161 : vector<256x128xf32> to vector<1x256x128xf32>
    tpu.vector_store %arg4[%swap3A_162, %swap3A_163, %swap3A_164], %swap3A_167 {strides = array<i32>} : memref<32x256x128xf32, #tpu.memory_space<vmem>>, vector<1x256x128xf32>,
    %slice3A_168 = vector.extract_strided_slice %add3A_15 {offsets = [0, 2816], sizes = [256, 128], strides = [1, 1]} : vector<256x4096xf32> to vector<256x128xf32>
    %swap3A_169 = arith.constant 22 : index
    %swap3A_170 = arith.constant 0 : index
    %swap3A_171 = arith.constant 0 : index
    %swap3A_172 = vector.load %arg4[%swap3A_169, %swap3A_170, %swap3A_171] : memref<32x256x128xf32, #tpu.memory_space<vmem>>, vector<1x256x128xf32>
    %swap3A_173 = vector.shape_cast %swap3A_172 : vector<1x256x128xf32> to vector<256x128xf32>
    %swap3A_174 = vector.shape_cast %slice3A_168 : vector<256x128xf32> to vector<1x256x128xf32>
    tpu.vector_store %arg4[%swap3A_169, %swap3A_170, %swap3A_171], %swap3A_174 {strides = array<i32>} : memref<32x256x128xf32, #tpu.memory_space<vmem>>, vector<1x256x128xf32>,
    %slice3A_175 = vector.extract_strided_slice %add3A_15 {offsets = [0, 2944], sizes = [256, 128], strides = [1, 1]} : vector<256x4096xf32> to vector<256x128xf32>
    %swap3A_176 = arith.constant 23 : index
    %swap3A_177 = arith.constant 0 : index
    %swap3A_178 = arith.constant 0 : index
    %swap3A_179 = vector.load %arg4[%swap3A_176, %swap3A_177, %swap3A_178] : memref<32x256x128xf32, #tpu.memory_space<vmem>>, vector<1x256x128xf32>
    %swap3A_180 = vector.shape_cast %swap3A_179 : vector<1x256x128xf32> to vector<256x128xf32>
    %swap3A_181 = vector.shape_cast %slice3A_175 : vector<256x128xf32> to vector<1x256x128xf32>
    tpu.vector_store %arg4[%swap3A_176, %swap3A_177, %swap3A_178], %swap3A_181 {strides = array<i32>} : memref<32x256x128xf32, #tpu.memory_space<vmem>>, vector<1x256x128xf32>,
    %slice3A_182 = vector.extract_strided_slice %add3A_15 {offsets = [0, 3072], sizes = [256, 128], strides = [1, 1]} : vector<256x4096xf32> to vector<256x128xf32>
    %swap3A_183 = arith.constant 24 : index
    %swap3A_184 = arith.constant 0 : index
    %swap3A_185 = arith.constant 0 : index
    %swap3A_186 = vector.load %arg4[%swap3A_183, %swap3A_184, %swap3A_185] : memref<32x256x128xf32, #tpu.memory_space<vmem>>, vector<1x256x128xf32>
    %swap3A_187 = vector.shape_cast %swap3A_186 : vector<1x256x128xf32> to vector<256x128xf32>
    %swap3A_188 = vector.shape_cast %slice3A_182 : vector<256x128xf32> to vector<1x256x128xf32>
    tpu.vector_store %arg4[%swap3A_183, %swap3A_184, %swap3A_185], %swap3A_188 {strides = array<i32>} : memref<32x256x128xf32, #tpu.memory_space<vmem>>, vector<1x256x128xf32>,
    %slice3A_189 = vector.extract_strided_slice %add3A_15 {offsets = [0, 3200], sizes = [256, 128], strides = [1, 1]} : vector<256x4096xf32> to vector<256x128xf32>
    %swap3A_190 = arith.constant 25 : index
    %swap3A_191 = arith.constant 0 : index
    %swap3A_192 = arith.constant 0 : index
    %swap3A_193 = vector.load %arg4[%swap3A_190, %swap3A_191, %swap3A_192] : memref<32x256x128xf32, #tpu.memory_space<vmem>>, vector<1x256x128xf32>
    %swap3A_194 = vector.shape_cast %swap3A_193 : vector<1x256x128xf32> to vector<256x128xf32>
    %swap3A_195 = vector.shape_cast %slice3A_189 : vector<256x128xf32> to vector<1x256x128xf32>
    tpu.vector_store %arg4[%swap3A_190, %swap3A_191, %swap3A_192], %swap3A_195 {strides = array<i32>} : memref<32x256x128xf32, #tpu.memory_space<vmem>>, vector<1x256x128xf32>,
    %slice3A_196 = vector.extract_strided_slice %add3A_15 {offsets = [0, 3328], sizes = [256, 128], strides = [1, 1]} : vector<256x4096xf32> to vector<256x128xf32>
    %swap3A_197 = arith.constant 26 : index
    %swap3A_198 = arith.constant 0 : index
    %swap3A_199 = arith.constant 0 : index
    %swap3A_200 = vector.load %arg4[%swap3A_197, %swap3A_198, %swap3A_199] : memref<32x256x128xf32, #tpu.memory_space<vmem>>, vector<1x256x128xf32>
    %swap3A_201 = vector.shape_cast %swap3A_200 : vector<1x256x128xf32> to vector<256x128xf32>
    %swap3A_202 = vector.shape_cast %slice3A_196 : vector<256x128xf32> to vector<1x256x128xf32>
    tpu.vector_store %arg4[%swap3A_197, %swap3A_198, %swap3A_199], %swap3A_202 {strides = array<i32>} : memref<32x256x128xf32, #tpu.memory_space<vmem>>, vector<1x256x128xf32>,
    %slice3A_203 = vector.extract_strided_slice %add3A_15 {offsets = [0, 3456], sizes = [256, 128], strides = [1, 1]} : vector<256x4096xf32> to vector<256x128xf32>
    %swap3A_204 = arith.constant 27 : index
    %swap3A_205 = arith.constant 0 : index
    %swap3A_206 = arith.constant 0 : index
    %swap3A_207 = vector.load %arg4[%swap3A_204, %swap3A_205, %swap3A_206] : memref<32x256x128xf32, #tpu.memory_space<vmem>>, vector<1x256x128xf32>
    %swap3A_208 = vector.shape_cast %swap3A_207 : vector<1x256x128xf32> to vector<256x128xf32>
    %swap3A_209 = vector.shape_cast %slice3A_203 : vector<256x128xf32> to vector<1x256x128xf32>
    tpu.vector_store %arg4[%swap3A_204, %swap3A_205, %swap3A_206], %swap3A_209 {strides = array<i32>} : memref<32x256x128xf32, #tpu.memory_space<vmem>>, vector<1x256x128xf32>,
    %slice3A_210 = vector.extract_strided_slice %add3A_15 {offsets = [0, 3584], sizes = [256, 128], strides = [1, 1]} : vector<256x4096xf32> to vector<256x128xf32>
    %swap3A_211 = arith.constant 28 : index
    %swap3A_212 = arith.constant 0 : index
    %swap3A_213 = arith.constant 0 : index
    %swap3A_214 = vector.load %arg4[%swap3A_211, %swap3A_212, %swap3A_213] : memref<32x256x128xf32, #tpu.memory_space<vmem>>, vector<1x256x128xf32>
    %swap3A_215 = vector.shape_cast %swap3A_214 : vector<1x256x128xf32> to vector<256x128xf32>
    %swap3A_216 = vector.shape_cast %slice3A_210 : vector<256x128xf32> to vector<1x256x128xf32>
    tpu.vector_store %arg4[%swap3A_211, %swap3A_212, %swap3A_213], %swap3A_216 {strides = array<i32>} : memref<32x256x128xf32, #tpu.memory_space<vmem>>, vector<1x256x128xf32>,
    %slice3A_217 = vector.extract_strided_slice %add3A_15 {offsets = [0, 3712], sizes = [256, 128], strides = [1, 1]} : vector<256x4096xf32> to vector<256x128xf32>
    %swap3A_218 = arith.constant 29 : index
    %swap3A_219 = arith.constant 0 : index
    %swap3A_220 = arith.constant 0 : index
    %swap3A_221 = vector.load %arg4[%swap3A_218, %swap3A_219, %swap3A_220] : memref<32x256x128xf32, #tpu.memory_space<vmem>>, vector<1x256x128xf32>
    %swap3A_222 = vector.shape_cast %swap3A_221 : vector<1x256x128xf32> to vector<256x128xf32>
    %swap3A_223 = vector.shape_cast %slice3A_217 : vector<256x128xf32> to vector<1x256x128xf32>
    tpu.vector_store %arg4[%swap3A_218, %swap3A_219, %swap3A_220], %swap3A_223 {strides = array<i32>} : memref<32x256x128xf32, #tpu.memory_space<vmem>>, vector<1x256x128xf32>,
    %slice3A_224 = vector.extract_strided_slice %add3A_15 {offsets = [0, 3840], sizes = [256, 128], strides = [1, 1]} : vector<256x4096xf32> to vector<256x128xf32>
    %swap3A_225 = arith.constant 30 : index
    %swap3A_226 = arith.constant 0 : index
    %swap3A_227 = arith.constant 0 : index
    %swap3A_228 = vector.load %arg4[%swap3A_225, %swap3A_226, %swap3A_227] : memref<32x256x128xf32, #tpu.memory_space<vmem>>, vector<1x256x128xf32>
    %swap3A_229 = vector.shape_cast %swap3A_228 : vector<1x256x128xf32> to vector<256x128xf32>
    %swap3A_230 = vector.shape_cast %slice3A_224 : vector<256x128xf32> to vector<1x256x128xf32>
    tpu.vector_store %arg4[%swap3A_225, %swap3A_226, %swap3A_227], %swap3A_230 {strides = array<i32>} : memref<32x256x128xf32, #tpu.memory_space<vmem>>, vector<1x256x128xf32>,
    %slice3A_231 = vector.extract_strided_slice %add3A_15 {offsets = [0, 3968], sizes = [256, 128], strides = [1, 1]} : vector<256x4096xf32> to vector<256x128xf32>
    %swap3A_232 = arith.constant 31 : index
    %swap3A_233 = arith.constant 0 : index
    %swap3A_234 = arith.constant 0 : index
    %swap3A_235 = vector.load %arg4[%swap3A_232, %swap3A_233, %swap3A_234] : memref<32x256x128xf32, #tpu.memory_space<vmem>>, vector<1x256x128xf32>
    %swap3A_236 = vector.shape_cast %swap3A_235 : vector<1x256x128xf32> to vector<256x128xf32>
    %swap3A_237 = vector.shape_cast %slice3A_231 : vector<256x128xf32> to vector<1x256x128xf32>
    tpu.vector_store %arg4[%swap3A_232, %swap3A_233, %swap3A_234], %swap3A_237 {strides = array<i32>} : memref<32x256x128xf32, #tpu.memory_space<vmem>>, vector<1x256x128xf32>,
    %iota3A = tpu.iota {dimensions = array<i32: 1>} : vector<256x128xi32>
    %broadcast_in_dim3A_238 = arith.constant 0x7F800000 : f32
    %broadcast_in_dim3A_239 = vector.broadcast %broadcast_in_dim3A_238 : f32 to vector<256x128xf32>
    %slice3A_240 = vector.extract_strided_slice %add3A_15 {offsets = [0, 0], sizes = [256, 128], strides = [1, 1]} : vector<256x4096xf32> to vector<256x128xf32>
    %reduce_min3A = arith.constant dense<0x7F800000> : vector<256xf32>
    %reduce_min3A_241 = vector.multi_reduction <minimumf>, %slice3A_240, %reduce_min3A [1] : vector<256x128xf32> to vector<256xf32>
    %broadcast_in_dim3A_242 = vector.shape_cast %reduce_min3A_241 : vector<256xf32> to vector<256x1xf32>
    %mul3A_243 = arith.constant 32 : i32
    %mul3A_244 = arith.muli %arg0, %mul3A_243 : i32
    %add3A_245 = arith.constant 0 : i32
    %add3A_246 = arith.addi %mul3A_244, %add3A_245 : i32
    %eq3A = vector.broadcast %add3A_246 : i32 to vector<256x128xi32>
    %eq3A_247 = arith.cmpi eq, %iota3A, %eq3A : vector<256x128xi32>
    %broadcast_in_dim3A_248 = vector.shape_cast %broadcast_in_dim3A_242 : vector<256x1xf32> to vector<256x1xf32>
    %broadcast_in_dim3A_249 = vector.broadcast %broadcast_in_dim3A_248 : vector<256x1xf32> to vector<256x128xf32>
    %select_n3A = arith.select %eq3A_247, %broadcast_in_dim3A_249, %broadcast_in_dim3A_239 : vector<256x128xi1>, vector<256x128xf32>
    %slice3A_250 = vector.extract_strided_slice %add3A_15 {offsets = [0, 128], sizes = [256, 128], strides = [1, 1]} : vector<256x4096xf32> to vector<256x128xf32>
    %reduce_min3A_251 = arith.constant dense<0x7F800000> : vector<256xf32>
    %reduce_min3A_252 = vector.multi_reduction <minimumf>, %slice3A_250, %reduce_min3A_251 [1] : vector<256x128xf32> to vector<256xf32>
    %broadcast_in_dim3A_253 = vector.shape_cast %reduce_min3A_252 : vector<256xf32> to vector<256x1xf32>
    %mul3A_254 = arith.constant 32 : i32
    %mul3A_255 = arith.muli %arg0, %mul3A_254 : i32
    %add3A_256 = arith.constant 1 : i32
    %add3A_257 = arith.addi %mul3A_255, %add3A_256 : i32
    %eq3A_258 = vector.broadcast %add3A_257 : i32 to vector<256x128xi32>
    %eq3A_259 = arith.cmpi eq, %iota3A, %eq3A_258 : vector<256x128xi32>
    %broadcast_in_dim3A_260 = vector.shape_cast %broadcast_in_dim3A_253 : vector<256x1xf32> to vector<256x1xf32>
    %broadcast_in_dim3A_261 = vector.broadcast %broadcast_in_dim3A_260 : vector<256x1xf32> to vector<256x128xf32>
    %select_n3A_262 = arith.select %eq3A_259, %broadcast_in_dim3A_261, %select_n3A : vector<256x128xi1>, vector<256x128xf32>
    %slice3A_263 = vector.extract_strided_slice %add3A_15 {offsets = [0, 256], sizes = [256, 128], strides = [1, 1]} : vector<256x4096xf32> to vector<256x128xf32>
    %reduce_min3A_264 = arith.constant dense<0x7F800000> : vector<256xf32>
    %reduce_min3A_265 = vector.multi_reduction <minimumf>, %slice3A_263, %reduce_min3A_264 [1] : vector<256x128xf32> to vector<256xf32>
    %broadcast_in_dim3A_266 = vector.shape_cast %reduce_min3A_265 : vector<256xf32> to vector<256x1xf32>
    %mul3A_267 = arith.constant 32 : i32
    %mul3A_268 = arith.muli %arg0, %mul3A_267 : i32
    %add3A_269 = arith.constant 2 : i32
    %add3A_270 = arith.addi %mul3A_268, %add3A_269 : i32
    %eq3A_271 = vector.broadcast %add3A_270 : i32 to vector<256x128xi32>
    %eq3A_272 = arith.cmpi eq, %iota3A, %eq3A_271 : vector<256x128xi32>
    %broadcast_in_dim3A_273 = vector.shape_cast %broadcast_in_dim3A_266 : vector<256x1xf32> to vector<256x1xf32>
    %broadcast_in_dim3A_274 = vector.broadcast %broadcast_in_dim3A_273 : vector<256x1xf32> to vector<256x128xf32>
    %select_n3A_275 = arith.select %eq3A_272, %broadcast_in_dim3A_274, %select_n3A_262 : vector<256x128xi1>, vector<256x128xf32>
    %slice3A_276 = vector.extract_strided_slice %add3A_15 {offsets = [0, 384], sizes = [256, 128], strides = [1, 1]} : vector<256x4096xf32> to vector<256x128xf32>
    %reduce_min3A_277 = arith.constant dense<0x7F800000> : vector<256xf32>
    %reduce_min3A_278 = vector.multi_reduction <minimumf>, %slice3A_276, %reduce_min3A_277 [1] : vector<256x128xf32> to vector<256xf32>
    %broadcast_in_dim3A_279 = vector.shape_cast %reduce_min3A_278 : vector<256xf32> to vector<256x1xf32>
    %mul3A_280 = arith.constant 32 : i32
    %mul3A_281 = arith.muli %arg0, %mul3A_280 : i32
    %add3A_282 = arith.constant 3 : i32
    %add3A_283 = arith.addi %mul3A_281, %add3A_282 : i32
    %eq3A_284 = vector.broadcast %add3A_283 : i32 to vector<256x128xi32>
    %eq3A_285 = arith.cmpi eq, %iota3A, %eq3A_284 : vector<256x128xi32>
    %broadcast_in_dim3A_286 = vector.shape_cast %broadcast_in_dim3A_279 : vector<256x1xf32> to vector<256x1xf32>
    %broadcast_in_dim3A_287 = vector.broadcast %broadcast_in_dim3A_286 : vector<256x1xf32> to vector<256x128xf32>
    %select_n3A_288 = arith.select %eq3A_285, %broadcast_in_dim3A_287, %select_n3A_275 : vector<256x128xi1>, vector<256x128xf32>
    %slice3A_289 = vector.extract_strided_slice %add3A_15 {offsets = [0, 512], sizes = [256, 128], strides = [1, 1]} : vector<256x4096xf32> to vector<256x128xf32>
    %reduce_min3A_290 = arith.constant dense<0x7F800000> : vector<256xf32>
    %reduce_min3A_291 = vector.multi_reduction <minimumf>, %slice3A_289, %reduce_min3A_290 [1] : vector<256x128xf32> to vector<256xf32>
    %broadcast_in_dim3A_292 = vector.shape_cast %reduce_min3A_291 : vector<256xf32> to vector<256x1xf32>
    %mul3A_293 = arith.constant 32 : i32
    %mul3A_294 = arith.muli %arg0, %mul3A_293 : i32
    %add3A_295 = arith.constant 4 : i32
    %add3A_296 = arith.addi %mul3A_294, %add3A_295 : i32
    %eq3A_297 = vector.broadcast %add3A_296 : i32 to vector<256x128xi32>
    %eq3A_298 = arith.cmpi eq, %iota3A, %eq3A_297 : vector<256x128xi32>
    %broadcast_in_dim3A_299 = vector.shape_cast %broadcast_in_dim3A_292 : vector<256x1xf32> to vector<256x1xf32>
    %broadcast_in_dim3A_300 = vector.broadcast %broadcast_in_dim3A_299 : vector<256x1xf32> to vector<256x128xf32>
    %select_n3A_301 = arith.select %eq3A_298, %broadcast_in_dim3A_300, %select_n3A_288 : vector<256x128xi1>, vector<256x128xf32>
    %slice3A_302 = vector.extract_strided_slice %add3A_15 {offsets = [0, 640], sizes = [256, 128], strides = [1, 1]} : vector<256x4096xf32> to vector<256x128xf32>
    %reduce_min3A_303 = arith.constant dense<0x7F800000> : vector<256xf32>
    %reduce_min3A_304 = vector.multi_reduction <minimumf>, %slice3A_302, %reduce_min3A_303 [1] : vector<256x128xf32> to vector<256xf32>
    %broadcast_in_dim3A_305 = vector.shape_cast %reduce_min3A_304 : vector<256xf32> to vector<256x1xf32>
    %mul3A_306 = arith.constant 32 : i32
    %mul3A_307 = arith.muli %arg0, %mul3A_306 : i32
    %add3A_308 = arith.constant 5 : i32
    %add3A_309 = arith.addi %mul3A_307, %add3A_308 : i32
    %eq3A_310 = vector.broadcast %add3A_309 : i32 to vector<256x128xi32>
    %eq3A_311 = arith.cmpi eq, %iota3A, %eq3A_310 : vector<256x128xi32>
    %broadcast_in_dim3A_312 = vector.shape_cast %broadcast_in_dim3A_305 : vector<256x1xf32> to vector<256x1xf32>
    %broadcast_in_dim3A_313 = vector.broadcast %broadcast_in_dim3A_312 : vector<256x1xf32> to vector<256x128xf32>
    %select_n3A_314 = arith.select %eq3A_311, %broadcast_in_dim3A_313, %select_n3A_301 : vector<256x128xi1>, vector<256x128xf32>
    %slice3A_315 = vector.extract_strided_slice %add3A_15 {offsets = [0, 768], sizes = [256, 128], strides = [1, 1]} : vector<256x4096xf32> to vector<256x128xf32>
    %reduce_min3A_316 = arith.constant dense<0x7F800000> : vector<256xf32>
    %reduce_min3A_317 = vector.multi_reduction <minimumf>, %slice3A_315, %reduce_min3A_316 [1] : vector<256x128xf32> to vector<256xf32>
    %broadcast_in_dim3A_318 = vector.shape_cast %reduce_min3A_317 : vector<256xf32> to vector<256x1xf32>
    %mul3A_319 = arith.constant 32 : i32
    %mul3A_320 = arith.muli %arg0, %mul3A_319 : i32
    %add3A_321 = arith.constant 6 : i32
    %add3A_322 = arith.addi %mul3A_320, %add3A_321 : i32
    %eq3A_323 = vector.broadcast %add3A_322 : i32 to vector<256x128xi32>
    %eq3A_324 = arith.cmpi eq, %iota3A, %eq3A_323 : vector<256x128xi32>
    %broadcast_in_dim3A_325 = vector.shape_cast %broadcast_in_dim3A_318 : vector<256x1xf32> to vector<256x1xf32>
    %broadcast_in_dim3A_326 = vector.broadcast %broadcast_in_dim3A_325 : vector<256x1xf32> to vector<256x128xf32>
    %select_n3A_327 = arith.select %eq3A_324, %broadcast_in_dim3A_326, %select_n3A_314 : vector<256x128xi1>, vector<256x128xf32>
    %slice3A_328 = vector.extract_strided_slice %add3A_15 {offsets = [0, 896], sizes = [256, 128], strides = [1, 1]} : vector<256x4096xf32> to vector<256x128xf32>
    %reduce_min3A_329 = arith.constant dense<0x7F800000> : vector<256xf32>
    %reduce_min3A_330 = vector.multi_reduction <minimumf>, %slice3A_328, %reduce_min3A_329 [1] : vector<256x128xf32> to vector<256xf32>
    %broadcast_in_dim3A_331 = vector.shape_cast %reduce_min3A_330 : vector<256xf32> to vector<256x1xf32>
    %mul3A_332 = arith.constant 32 : i32
    %mul3A_333 = arith.muli %arg0, %mul3A_332 : i32
    %add3A_334 = arith.constant 7 : i32
    %add3A_335 = arith.addi %mul3A_333, %add3A_334 : i32
    %eq3A_336 = vector.broadcast %add3A_335 : i32 to vector<256x128xi32>
    %eq3A_337 = arith.cmpi eq, %iota3A, %eq3A_336 : vector<256x128xi32>
    %broadcast_in_dim3A_338 = vector.shape_cast %broadcast_in_dim3A_331 : vector<256x1xf32> to vector<256x1xf32>
    %broadcast_in_dim3A_339 = vector.broadcast %broadcast_in_dim3A_338 : vector<256x1xf32> to vector<256x128xf32>
    %select_n3A_340 = arith.select %eq3A_337, %broadcast_in_dim3A_339, %select_n3A_327 : vector<256x128xi1>, vector<256x128xf32>
    %slice3A_341 = vector.extract_strided_slice %add3A_15 {offsets = [0, 1024], sizes = [256, 128], strides = [1, 1]} : vector<256x4096xf32> to vector<256x128xf32>
    %reduce_min3A_342 = arith.constant dense<0x7F800000> : vector<256xf32>
    %reduce_min3A_343 = vector.multi_reduction <minimumf>, %slice3A_341, %reduce_min3A_342 [1] : vector<256x128xf32> to vector<256xf32>
    %broadcast_in_dim3A_344 = vector.shape_cast %reduce_min3A_343 : vector<256xf32> to vector<256x1xf32>
    %mul3A_345 = arith.constant 32 : i32
    %mul3A_346 = arith.muli %arg0, %mul3A_345 : i32
    %add3A_347 = arith.constant 8 : i32
    %add3A_348 = arith.addi %mul3A_346, %add3A_347 : i32
    %eq3A_349 = vector.broadcast %add3A_348 : i32 to vector<256x128xi32>
    %eq3A_350 = arith.cmpi eq, %iota3A, %eq3A_349 : vector<256x128xi32>
    %broadcast_in_dim3A_351 = vector.shape_cast %broadcast_in_dim3A_344 : vector<256x1xf32> to vector<256x1xf32>
    %broadcast_in_dim3A_352 = vector.broadcast %broadcast_in_dim3A_351 : vector<256x1xf32> to vector<256x128xf32>
    %select_n3A_353 = arith.select %eq3A_350, %broadcast_in_dim3A_352, %select_n3A_340 : vector<256x128xi1>, vector<256x128xf32>
    %slice3A_354 = vector.extract_strided_slice %add3A_15 {offsets = [0, 1152], sizes = [256, 128], strides = [1, 1]} : vector<256x4096xf32> to vector<256x128xf32>
    %reduce_min3A_355 = arith.constant dense<0x7F800000> : vector<256xf32>
    %reduce_min3A_356 = vector.multi_reduction <minimumf>, %slice3A_354, %reduce_min3A_355 [1] : vector<256x128xf32> to vector<256xf32>
    %broadcast_in_dim3A_357 = vector.shape_cast %reduce_min3A_356 : vector<256xf32> to vector<256x1xf32>
    %mul3A_358 = arith.constant 32 : i32
    %mul3A_359 = arith.muli %arg0, %mul3A_358 : i32
    %add3A_360 = arith.constant 9 : i32
    %add3A_361 = arith.addi %mul3A_359, %add3A_360 : i32
    %eq3A_362 = vector.broadcast %add3A_361 : i32 to vector<256x128xi32>
    %eq3A_363 = arith.cmpi eq, %iota3A, %eq3A_362 : vector<256x128xi32>
    %broadcast_in_dim3A_364 = vector.shape_cast %broadcast_in_dim3A_357 : vector<256x1xf32> to vector<256x1xf32>
    %broadcast_in_dim3A_365 = vector.broadcast %broadcast_in_dim3A_364 : vector<256x1xf32> to vector<256x128xf32>
    %select_n3A_366 = arith.select %eq3A_363, %broadcast_in_dim3A_365, %select_n3A_353 : vector<256x128xi1>, vector<256x128xf32>
    %slice3A_367 = vector.extract_strided_slice %add3A_15 {offsets = [0, 1280], sizes = [256, 128], strides = [1, 1]} : vector<256x4096xf32> to vector<256x128xf32>
    %reduce_min3A_368 = arith.constant dense<0x7F800000> : vector<256xf32>
    %reduce_min3A_369 = vector.multi_reduction <minimumf>, %slice3A_367, %reduce_min3A_368 [1] : vector<256x128xf32> to vector<256xf32>
    %broadcast_in_dim3A_370 = vector.shape_cast %reduce_min3A_369 : vector<256xf32> to vector<256x1xf32>
    %mul3A_371 = arith.constant 32 : i32
    %mul3A_372 = arith.muli %arg0, %mul3A_371 : i32
    %add3A_373 = arith.constant 10 : i32
    %add3A_374 = arith.addi %mul3A_372, %add3A_373 : i32
    %eq3A_375 = vector.broadcast %add3A_374 : i32 to vector<256x128xi32>
    %eq3A_376 = arith.cmpi eq, %iota3A, %eq3A_375 : vector<256x128xi32>
    %broadcast_in_dim3A_377 = vector.shape_cast %broadcast_in_dim3A_370 : vector<256x1xf32> to vector<256x1xf32>
    %broadcast_in_dim3A_378 = vector.broadcast %broadcast_in_dim3A_377 : vector<256x1xf32> to vector<256x128xf32>
    %select_n3A_379 = arith.select %eq3A_376, %broadcast_in_dim3A_378, %select_n3A_366 : vector<256x128xi1>, vector<256x128xf32>
    %slice3A_380 = vector.extract_strided_slice %add3A_15 {offsets = [0, 1408], sizes = [256, 128], strides = [1, 1]} : vector<256x4096xf32> to vector<256x128xf32>
    %reduce_min3A_381 = arith.constant dense<0x7F800000> : vector<256xf32>
    %reduce_min3A_382 = vector.multi_reduction <minimumf>, %slice3A_380, %reduce_min3A_381 [1] : vector<256x128xf32> to vector<256xf32>
    %broadcast_in_dim3A_383 = vector.shape_cast %reduce_min3A_382 : vector<256xf32> to vector<256x1xf32>
    %mul3A_384 = arith.constant 32 : i32
    %mul3A_385 = arith.muli %arg0, %mul3A_384 : i32
    %add3A_386 = arith.constant 11 : i32
    %add3A_387 = arith.addi %mul3A_385, %add3A_386 : i32
    %eq3A_388 = vector.broadcast %add3A_387 : i32 to vector<256x128xi32>
    %eq3A_389 = arith.cmpi eq, %iota3A, %eq3A_388 : vector<256x128xi32>
    %broadcast_in_dim3A_390 = vector.shape_cast %broadcast_in_dim3A_383 : vector<256x1xf32> to vector<256x1xf32>
    %broadcast_in_dim3A_391 = vector.broadcast %broadcast_in_dim3A_390 : vector<256x1xf32> to vector<256x128xf32>
    %select_n3A_392 = arith.select %eq3A_389, %broadcast_in_dim3A_391, %select_n3A_379 : vector<256x128xi1>, vector<256x128xf32>
    %slice3A_393 = vector.extract_strided_slice %add3A_15 {offsets = [0, 1536], sizes = [256, 128], strides = [1, 1]} : vector<256x4096xf32> to vector<256x128xf32>
    %reduce_min3A_394 = arith.constant dense<0x7F800000> : vector<256xf32>
    %reduce_min3A_395 = vector.multi_reduction <minimumf>, %slice3A_393, %reduce_min3A_394 [1] : vector<256x128xf32> to vector<256xf32>
    %broadcast_in_dim3A_396 = vector.shape_cast %reduce_min3A_395 : vector<256xf32> to vector<256x1xf32>
    %mul3A_397 = arith.constant 32 : i32
    %mul3A_398 = arith.muli %arg0, %mul3A_397 : i32
    %add3A_399 = arith.constant 12 : i32
    %add3A_400 = arith.addi %mul3A_398, %add3A_399 : i32
    %eq3A_401 = vector.broadcast %add3A_400 : i32 to vector<256x128xi32>
    %eq3A_402 = arith.cmpi eq, %iota3A, %eq3A_401 : vector<256x128xi32>
    %broadcast_in_dim3A_403 = vector.shape_cast %broadcast_in_dim3A_396 : vector<256x1xf32> to vector<256x1xf32>
    %broadcast_in_dim3A_404 = vector.broadcast %broadcast_in_dim3A_403 : vector<256x1xf32> to vector<256x128xf32>
    %select_n3A_405 = arith.select %eq3A_402, %broadcast_in_dim3A_404, %select_n3A_392 : vector<256x128xi1>, vector<256x128xf32>
    %slice3A_406 = vector.extract_strided_slice %add3A_15 {offsets = [0, 1664], sizes = [256, 128], strides = [1, 1]} : vector<256x4096xf32> to vector<256x128xf32>
    %reduce_min3A_407 = arith.constant dense<0x7F800000> : vector<256xf32>
    %reduce_min3A_408 = vector.multi_reduction <minimumf>, %slice3A_406, %reduce_min3A_407 [1] : vector<256x128xf32> to vector<256xf32>
    %broadcast_in_dim3A_409 = vector.shape_cast %reduce_min3A_408 : vector<256xf32> to vector<256x1xf32>
    %mul3A_410 = arith.constant 32 : i32
    %mul3A_411 = arith.muli %arg0, %mul3A_410 : i32
    %add3A_412 = arith.constant 13 : i32
    %add3A_413 = arith.addi %mul3A_411, %add3A_412 : i32
    %eq3A_414 = vector.broadcast %add3A_413 : i32 to vector<256x128xi32>
    %eq3A_415 = arith.cmpi eq, %iota3A, %eq3A_414 : vector<256x128xi32>
    %broadcast_in_dim3A_416 = vector.shape_cast %broadcast_in_dim3A_409 : vector<256x1xf32> to vector<256x1xf32>
    %broadcast_in_dim3A_417 = vector.broadcast %broadcast_in_dim3A_416 : vector<256x1xf32> to vector<256x128xf32>
    %select_n3A_418 = arith.select %eq3A_415, %broadcast_in_dim3A_417, %select_n3A_405 : vector<256x128xi1>, vector<256x128xf32>
    %slice3A_419 = vector.extract_strided_slice %add3A_15 {offsets = [0, 1792], sizes = [256, 128], strides = [1, 1]} : vector<256x4096xf32> to vector<256x128xf32>
    %reduce_min3A_420 = arith.constant dense<0x7F800000> : vector<256xf32>
    %reduce_min3A_421 = vector.multi_reduction <minimumf>, %slice3A_419, %reduce_min3A_420 [1] : vector<256x128xf32> to vector<256xf32>
    %broadcast_in_dim3A_422 = vector.shape_cast %reduce_min3A_421 : vector<256xf32> to vector<256x1xf32>
    %mul3A_423 = arith.constant 32 : i32
    %mul3A_424 = arith.muli %arg0, %mul3A_423 : i32
    %add3A_425 = arith.constant 14 : i32
    %add3A_426 = arith.addi %mul3A_424, %add3A_425 : i32
    %eq3A_427 = vector.broadcast %add3A_426 : i32 to vector<256x128xi32>
    %eq3A_428 = arith.cmpi eq, %iota3A, %eq3A_427 : vector<256x128xi32>
    %broadcast_in_dim3A_429 = vector.shape_cast %broadcast_in_dim3A_422 : vector<256x1xf32> to vector<256x1xf32>
    %broadcast_in_dim3A_430 = vector.broadcast %broadcast_in_dim3A_429 : vector<256x1xf32> to vector<256x128xf32>
    %select_n3A_431 = arith.select %eq3A_428, %broadcast_in_dim3A_430, %select_n3A_418 : vector<256x128xi1>, vector<256x128xf32>
    %slice3A_432 = vector.extract_strided_slice %add3A_15 {offsets = [0, 1920], sizes = [256, 128], strides = [1, 1]} : vector<256x4096xf32> to vector<256x128xf32>
    %reduce_min3A_433 = arith.constant dense<0x7F800000> : vector<256xf32>
    %reduce_min3A_434 = vector.multi_reduction <minimumf>, %slice3A_432, %reduce_min3A_433 [1] : vector<256x128xf32> to vector<256xf32>
    %broadcast_in_dim3A_435 = vector.shape_cast %reduce_min3A_434 : vector<256xf32> to vector<256x1xf32>
    %mul3A_436 = arith.constant 32 : i32
    %mul3A_437 = arith.muli %arg0, %mul3A_436 : i32
    %add3A_438 = arith.constant 15 : i32
    %add3A_439 = arith.addi %mul3A_437, %add3A_438 : i32
    %eq3A_440 = vector.broadcast %add3A_439 : i32 to vector<256x128xi32>
    %eq3A_441 = arith.cmpi eq, %iota3A, %eq3A_440 : vector<256x128xi32>
    %broadcast_in_dim3A_442 = vector.shape_cast %broadcast_in_dim3A_435 : vector<256x1xf32> to vector<256x1xf32>
    %broadcast_in_dim3A_443 = vector.broadcast %broadcast_in_dim3A_442 : vector<256x1xf32> to vector<256x128xf32>
    %select_n3A_444 = arith.select %eq3A_441, %broadcast_in_dim3A_443, %select_n3A_431 : vector<256x128xi1>, vector<256x128xf32>
    %slice3A_445 = vector.extract_strided_slice %add3A_15 {offsets = [0, 2048], sizes = [256, 128], strides = [1, 1]} : vector<256x4096xf32> to vector<256x128xf32>
    %reduce_min3A_446 = arith.constant dense<0x7F800000> : vector<256xf32>
    %reduce_min3A_447 = vector.multi_reduction <minimumf>, %slice3A_445, %reduce_min3A_446 [1] : vector<256x128xf32> to vector<256xf32>
    %broadcast_in_dim3A_448 = vector.shape_cast %reduce_min3A_447 : vector<256xf32> to vector<256x1xf32>
    %mul3A_449 = arith.constant 32 : i32
    %mul3A_450 = arith.muli %arg0, %mul3A_449 : i32
    %add3A_451 = arith.constant 16 : i32
    %add3A_452 = arith.addi %mul3A_450, %add3A_451 : i32
    %eq3A_453 = vector.broadcast %add3A_452 : i32 to vector<256x128xi32>
    %eq3A_454 = arith.cmpi eq, %iota3A, %eq3A_453 : vector<256x128xi32>
    %broadcast_in_dim3A_455 = vector.shape_cast %broadcast_in_dim3A_448 : vector<256x1xf32> to vector<256x1xf32>
    %broadcast_in_dim3A_456 = vector.broadcast %broadcast_in_dim3A_455 : vector<256x1xf32> to vector<256x128xf32>
    %select_n3A_457 = arith.select %eq3A_454, %broadcast_in_dim3A_456, %select_n3A_444 : vector<256x128xi1>, vector<256x128xf32>
    %slice3A_458 = vector.extract_strided_slice %add3A_15 {offsets = [0, 2176], sizes = [256, 128], strides = [1, 1]} : vector<256x4096xf32> to vector<256x128xf32>
    %reduce_min3A_459 = arith.constant dense<0x7F800000> : vector<256xf32>
    %reduce_min3A_460 = vector.multi_reduction <minimumf>, %slice3A_458, %reduce_min3A_459 [1] : vector<256x128xf32> to vector<256xf32>
    %broadcast_in_dim3A_461 = vector.shape_cast %reduce_min3A_460 : vector<256xf32> to vector<256x1xf32>
    %mul3A_462 = arith.constant 32 : i32
    %mul3A_463 = arith.muli %arg0, %mul3A_462 : i32
    %add3A_464 = arith.constant 17 : i32
    %add3A_465 = arith.addi %mul3A_463, %add3A_464 : i32
    %eq3A_466 = vector.broadcast %add3A_465 : i32 to vector<256x128xi32>
    %eq3A_467 = arith.cmpi eq, %iota3A, %eq3A_466 : vector<256x128xi32>
    %broadcast_in_dim3A_468 = vector.shape_cast %broadcast_in_dim3A_461 : vector<256x1xf32> to vector<256x1xf32>
    %broadcast_in_dim3A_469 = vector.broadcast %broadcast_in_dim3A_468 : vector<256x1xf32> to vector<256x128xf32>
    %select_n3A_470 = arith.select %eq3A_467, %broadcast_in_dim3A_469, %select_n3A_457 : vector<256x128xi1>, vector<256x128xf32>
    %slice3A_471 = vector.extract_strided_slice %add3A_15 {offsets = [0, 2304], sizes = [256, 128], strides = [1, 1]} : vector<256x4096xf32> to vector<256x128xf32>
    %reduce_min3A_472 = arith.constant dense<0x7F800000> : vector<256xf32>
    %reduce_min3A_473 = vector.multi_reduction <minimumf>, %slice3A_471, %reduce_min3A_472 [1] : vector<256x128xf32> to vector<256xf32>
    %broadcast_in_dim3A_474 = vector.shape_cast %reduce_min3A_473 : vector<256xf32> to vector<256x1xf32>
    %mul3A_475 = arith.constant 32 : i32
    %mul3A_476 = arith.muli %arg0, %mul3A_475 : i32
    %add3A_477 = arith.constant 18 : i32
    %add3A_478 = arith.addi %mul3A_476, %add3A_477 : i32
    %eq3A_479 = vector.broadcast %add3A_478 : i32 to vector<256x128xi32>
    %eq3A_480 = arith.cmpi eq, %iota3A, %eq3A_479 : vector<256x128xi32>
    %broadcast_in_dim3A_481 = vector.shape_cast %broadcast_in_dim3A_474 : vector<256x1xf32> to vector<256x1xf32>
    %broadcast_in_dim3A_482 = vector.broadcast %broadcast_in_dim3A_481 : vector<256x1xf32> to vector<256x128xf32>
    %select_n3A_483 = arith.select %eq3A_480, %broadcast_in_dim3A_482, %select_n3A_470 : vector<256x128xi1>, vector<256x128xf32>
    %slice3A_484 = vector.extract_strided_slice %add3A_15 {offsets = [0, 2432], sizes = [256, 128], strides = [1, 1]} : vector<256x4096xf32> to vector<256x128xf32>
    %reduce_min3A_485 = arith.constant dense<0x7F800000> : vector<256xf32>
    %reduce_min3A_486 = vector.multi_reduction <minimumf>, %slice3A_484, %reduce_min3A_485 [1] : vector<256x128xf32> to vector<256xf32>
    %broadcast_in_dim3A_487 = vector.shape_cast %reduce_min3A_486 : vector<256xf32> to vector<256x1xf32>
    %mul3A_488 = arith.constant 32 : i32
    %mul3A_489 = arith.muli %arg0, %mul3A_488 : i32
    %add3A_490 = arith.constant 19 : i32
    %add3A_491 = arith.addi %mul3A_489, %add3A_490 : i32
    %eq3A_492 = vector.broadcast %add3A_491 : i32 to vector<256x128xi32>
    %eq3A_493 = arith.cmpi eq, %iota3A, %eq3A_492 : vector<256x128xi32>
    %broadcast_in_dim3A_494 = vector.shape_cast %broadcast_in_dim3A_487 : vector<256x1xf32> to vector<256x1xf32>
    %broadcast_in_dim3A_495 = vector.broadcast %broadcast_in_dim3A_494 : vector<256x1xf32> to vector<256x128xf32>
    %select_n3A_496 = arith.select %eq3A_493, %broadcast_in_dim3A_495, %select_n3A_483 : vector<256x128xi1>, vector<256x128xf32>
    %slice3A_497 = vector.extract_strided_slice %add3A_15 {offsets = [0, 2560], sizes = [256, 128], strides = [1, 1]} : vector<256x4096xf32> to vector<256x128xf32>
    %reduce_min3A_498 = arith.constant dense<0x7F800000> : vector<256xf32>
    %reduce_min3A_499 = vector.multi_reduction <minimumf>, %slice3A_497, %reduce_min3A_498 [1] : vector<256x128xf32> to vector<256xf32>
    %broadcast_in_dim3A_500 = vector.shape_cast %reduce_min3A_499 : vector<256xf32> to vector<256x1xf32>
    %mul3A_501 = arith.constant 32 : i32
    %mul3A_502 = arith.muli %arg0, %mul3A_501 : i32
    %add3A_503 = arith.constant 20 : i32
    %add3A_504 = arith.addi %mul3A_502, %add3A_503 : i32
    %eq3A_505 = vector.broadcast %add3A_504 : i32 to vector<256x128xi32>
    %eq3A_506 = arith.cmpi eq, %iota3A, %eq3A_505 : vector<256x128xi32>
    %broadcast_in_dim3A_507 = vector.shape_cast %broadcast_in_dim3A_500 : vector<256x1xf32> to vector<256x1xf32>
    %broadcast_in_dim3A_508 = vector.broadcast %broadcast_in_dim3A_507 : vector<256x1xf32> to vector<256x128xf32>
    %select_n3A_509 = arith.select %eq3A_506, %broadcast_in_dim3A_508, %select_n3A_496 : vector<256x128xi1>, vector<256x128xf32>
    %slice3A_510 = vector.extract_strided_slice %add3A_15 {offsets = [0, 2688], sizes = [256, 128], strides = [1, 1]} : vector<256x4096xf32> to vector<256x128xf32>
    %reduce_min3A_511 = arith.constant dense<0x7F800000> : vector<256xf32>
    %reduce_min3A_512 = vector.multi_reduction <minimumf>, %slice3A_510, %reduce_min3A_511 [1] : vector<256x128xf32> to vector<256xf32>
    %broadcast_in_dim3A_513 = vector.shape_cast %reduce_min3A_512 : vector<256xf32> to vector<256x1xf32>
    %mul3A_514 = arith.constant 32 : i32
    %mul3A_515 = arith.muli %arg0, %mul3A_514 : i32
    %add3A_516 = arith.constant 21 : i32
    %add3A_517 = arith.addi %mul3A_515, %add3A_516 : i32
    %eq3A_518 = vector.broadcast %add3A_517 : i32 to vector<256x128xi32>
    %eq3A_519 = arith.cmpi eq, %iota3A, %eq3A_518 : vector<256x128xi32>
    %broadcast_in_dim3A_520 = vector.shape_cast %broadcast_in_dim3A_513 : vector<256x1xf32> to vector<256x1xf32>
    %broadcast_in_dim3A_521 = vector.broadcast %broadcast_in_dim3A_520 : vector<256x1xf32> to vector<256x128xf32>
    %select_n3A_522 = arith.select %eq3A_519, %broadcast_in_dim3A_521, %select_n3A_509 : vector<256x128xi1>, vector<256x128xf32>
    %slice3A_523 = vector.extract_strided_slice %add3A_15 {offsets = [0, 2816], sizes = [256, 128], strides = [1, 1]} : vector<256x4096xf32> to vector<256x128xf32>
    %reduce_min3A_524 = arith.constant dense<0x7F800000> : vector<256xf32>
    %reduce_min3A_525 = vector.multi_reduction <minimumf>, %slice3A_523, %reduce_min3A_524 [1] : vector<256x128xf32> to vector<256xf32>
    %broadcast_in_dim3A_526 = vector.shape_cast %reduce_min3A_525 : vector<256xf32> to vector<256x1xf32>
    %mul3A_527 = arith.constant 32 : i32
    %mul3A_528 = arith.muli %arg0, %mul3A_527 : i32
    %add3A_529 = arith.constant 22 : i32
    %add3A_530 = arith.addi %mul3A_528, %add3A_529 : i32
    %eq3A_531 = vector.broadcast %add3A_530 : i32 to vector<256x128xi32>
    %eq3A_532 = arith.cmpi eq, %iota3A, %eq3A_531 : vector<256x128xi32>
    %broadcast_in_dim3A_533 = vector.shape_cast %broadcast_in_dim3A_526 : vector<256x1xf32> to vector<256x1xf32>
    %broadcast_in_dim3A_534 = vector.broadcast %broadcast_in_dim3A_533 : vector<256x1xf32> to vector<256x128xf32>
    %select_n3A_535 = arith.select %eq3A_532, %broadcast_in_dim3A_534, %select_n3A_522 : vector<256x128xi1>, vector<256x128xf32>
    %slice3A_536 = vector.extract_strided_slice %add3A_15 {offsets = [0, 2944], sizes = [256, 128], strides = [1, 1]} : vector<256x4096xf32> to vector<256x128xf32>
    %reduce_min3A_537 = arith.constant dense<0x7F800000> : vector<256xf32>
    %reduce_min3A_538 = vector.multi_reduction <minimumf>, %slice3A_536, %reduce_min3A_537 [1] : vector<256x128xf32> to vector<256xf32>
    %broadcast_in_dim3A_539 = vector.shape_cast %reduce_min3A_538 : vector<256xf32> to vector<256x1xf32>
    %mul3A_540 = arith.constant 32 : i32
    %mul3A_541 = arith.muli %arg0, %mul3A_540 : i32
    %add3A_542 = arith.constant 23 : i32
    %add3A_543 = arith.addi %mul3A_541, %add3A_542 : i32
    %eq3A_544 = vector.broadcast %add3A_543 : i32 to vector<256x128xi32>
    %eq3A_545 = arith.cmpi eq, %iota3A, %eq3A_544 : vector<256x128xi32>
    %broadcast_in_dim3A_546 = vector.shape_cast %broadcast_in_dim3A_539 : vector<256x1xf32> to vector<256x1xf32>
    %broadcast_in_dim3A_547 = vector.broadcast %broadcast_in_dim3A_546 : vector<256x1xf32> to vector<256x128xf32>
    %select_n3A_548 = arith.select %eq3A_545, %broadcast_in_dim3A_547, %select_n3A_535 : vector<256x128xi1>, vector<256x128xf32>
    %slice3A_549 = vector.extract_strided_slice %add3A_15 {offsets = [0, 3072], sizes = [256, 128], strides = [1, 1]} : vector<256x4096xf32> to vector<256x128xf32>
    %reduce_min3A_550 = arith.constant dense<0x7F800000> : vector<256xf32>
    %reduce_min3A_551 = vector.multi_reduction <minimumf>, %slice3A_549, %reduce_min3A_550 [1] : vector<256x128xf32> to vector<256xf32>
    %broadcast_in_dim3A_552 = vector.shape_cast %reduce_min3A_551 : vector<256xf32> to vector<256x1xf32>
    %mul3A_553 = arith.constant 32 : i32
    %mul3A_554 = arith.muli %arg0, %mul3A_553 : i32
    %add3A_555 = arith.constant 24 : i32
    %add3A_556 = arith.addi %mul3A_554, %add3A_555 : i32
    %eq3A_557 = vector.broadcast %add3A_556 : i32 to vector<256x128xi32>
    %eq3A_558 = arith.cmpi eq, %iota3A, %eq3A_557 : vector<256x128xi32>
    %broadcast_in_dim3A_559 = vector.shape_cast %broadcast_in_dim3A_552 : vector<256x1xf32> to vector<256x1xf32>
    %broadcast_in_dim3A_560 = vector.broadcast %broadcast_in_dim3A_559 : vector<256x1xf32> to vector<256x128xf32>
    %select_n3A_561 = arith.select %eq3A_558, %broadcast_in_dim3A_560, %select_n3A_548 : vector<256x128xi1>, vector<256x128xf32>
    %slice3A_562 = vector.extract_strided_slice %add3A_15 {offsets = [0, 3200], sizes = [256, 128], strides = [1, 1]} : vector<256x4096xf32> to vector<256x128xf32>
    %reduce_min3A_563 = arith.constant dense<0x7F800000> : vector<256xf32>
    %reduce_min3A_564 = vector.multi_reduction <minimumf>, %slice3A_562, %reduce_min3A_563 [1] : vector<256x128xf32> to vector<256xf32>
    %broadcast_in_dim3A_565 = vector.shape_cast %reduce_min3A_564 : vector<256xf32> to vector<256x1xf32>
    %mul3A_566 = arith.constant 32 : i32
    %mul3A_567 = arith.muli %arg0, %mul3A_566 : i32
    %add3A_568 = arith.constant 25 : i32
    %add3A_569 = arith.addi %mul3A_567, %add3A_568 : i32
    %eq3A_570 = vector.broadcast %add3A_569 : i32 to vector<256x128xi32>
    %eq3A_571 = arith.cmpi eq, %iota3A, %eq3A_570 : vector<256x128xi32>
    %broadcast_in_dim3A_572 = vector.shape_cast %broadcast_in_dim3A_565 : vector<256x1xf32> to vector<256x1xf32>
    %broadcast_in_dim3A_573 = vector.broadcast %broadcast_in_dim3A_572 : vector<256x1xf32> to vector<256x128xf32>
    %select_n3A_574 = arith.select %eq3A_571, %broadcast_in_dim3A_573, %select_n3A_561 : vector<256x128xi1>, vector<256x128xf32>
    %slice3A_575 = vector.extract_strided_slice %add3A_15 {offsets = [0, 3328], sizes = [256, 128], strides = [1, 1]} : vector<256x4096xf32> to vector<256x128xf32>
    %reduce_min3A_576 = arith.constant dense<0x7F800000> : vector<256xf32>
    %reduce_min3A_577 = vector.multi_reduction <minimumf>, %slice3A_575, %reduce_min3A_576 [1] : vector<256x128xf32> to vector<256xf32>
    %broadcast_in_dim3A_578 = vector.shape_cast %reduce_min3A_577 : vector<256xf32> to vector<256x1xf32>
    %mul3A_579 = arith.constant 32 : i32
    %mul3A_580 = arith.muli %arg0, %mul3A_579 : i32
    %add3A_581 = arith.constant 26 : i32
    %add3A_582 = arith.addi %mul3A_580, %add3A_581 : i32
    %eq3A_583 = vector.broadcast %add3A_582 : i32 to vector<256x128xi32>
    %eq3A_584 = arith.cmpi eq, %iota3A, %eq3A_583 : vector<256x128xi32>
    %broadcast_in_dim3A_585 = vector.shape_cast %broadcast_in_dim3A_578 : vector<256x1xf32> to vector<256x1xf32>
    %broadcast_in_dim3A_586 = vector.broadcast %broadcast_in_dim3A_585 : vector<256x1xf32> to vector<256x128xf32>
    %select_n3A_587 = arith.select %eq3A_584, %broadcast_in_dim3A_586, %select_n3A_574 : vector<256x128xi1>, vector<256x128xf32>
    %slice3A_588 = vector.extract_strided_slice %add3A_15 {offsets = [0, 3456], sizes = [256, 128], strides = [1, 1]} : vector<256x4096xf32> to vector<256x128xf32>
    %reduce_min3A_589 = arith.constant dense<0x7F800000> : vector<256xf32>
    %reduce_min3A_590 = vector.multi_reduction <minimumf>, %slice3A_588, %reduce_min3A_589 [1] : vector<256x128xf32> to vector<256xf32>
    %broadcast_in_dim3A_591 = vector.shape_cast %reduce_min3A_590 : vector<256xf32> to vector<256x1xf32>
    %mul3A_592 = arith.constant 32 : i32
    %mul3A_593 = arith.muli %arg0, %mul3A_592 : i32
    %add3A_594 = arith.constant 27 : i32
    %add3A_595 = arith.addi %mul3A_593, %add3A_594 : i32
    %eq3A_596 = vector.broadcast %add3A_595 : i32 to vector<256x128xi32>
    %eq3A_597 = arith.cmpi eq, %iota3A, %eq3A_596 : vector<256x128xi32>
    %broadcast_in_dim3A_598 = vector.shape_cast %broadcast_in_dim3A_591 : vector<256x1xf32> to vector<256x1xf32>
    %broadcast_in_dim3A_599 = vector.broadcast %broadcast_in_dim3A_598 : vector<256x1xf32> to vector<256x128xf32>
    %select_n3A_600 = arith.select %eq3A_597, %broadcast_in_dim3A_599, %select_n3A_587 : vector<256x128xi1>, vector<256x128xf32>
    %slice3A_601 = vector.extract_strided_slice %add3A_15 {offsets = [0, 3584], sizes = [256, 128], strides = [1, 1]} : vector<256x4096xf32> to vector<256x128xf32>
    %reduce_min3A_602 = arith.constant dense<0x7F800000> : vector<256xf32>
    %reduce_min3A_603 = vector.multi_reduction <minimumf>, %slice3A_601, %reduce_min3A_602 [1] : vector<256x128xf32> to vector<256xf32>
    %broadcast_in_dim3A_604 = vector.shape_cast %reduce_min3A_603 : vector<256xf32> to vector<256x1xf32>
    %mul3A_605 = arith.constant 32 : i32
    %mul3A_606 = arith.muli %arg0, %mul3A_605 : i32
    %add3A_607 = arith.constant 28 : i32
    %add3A_608 = arith.addi %mul3A_606, %add3A_607 : i32
    %eq3A_609 = vector.broadcast %add3A_608 : i32 to vector<256x128xi32>
    %eq3A_610 = arith.cmpi eq, %iota3A, %eq3A_609 : vector<256x128xi32>
    %broadcast_in_dim3A_611 = vector.shape_cast %broadcast_in_dim3A_604 : vector<256x1xf32> to vector<256x1xf32>
    %broadcast_in_dim3A_612 = vector.broadcast %broadcast_in_dim3A_611 : vector<256x1xf32> to vector<256x128xf32>
    %select_n3A_613 = arith.select %eq3A_610, %broadcast_in_dim3A_612, %select_n3A_600 : vector<256x128xi1>, vector<256x128xf32>
    %slice3A_614 = vector.extract_strided_slice %add3A_15 {offsets = [0, 3712], sizes = [256, 128], strides = [1, 1]} : vector<256x4096xf32> to vector<256x128xf32>
    %reduce_min3A_615 = arith.constant dense<0x7F800000> : vector<256xf32>
    %reduce_min3A_616 = vector.multi_reduction <minimumf>, %slice3A_614, %reduce_min3A_615 [1] : vector<256x128xf32> to vector<256xf32>
    %broadcast_in_dim3A_617 = vector.shape_cast %reduce_min3A_616 : vector<256xf32> to vector<256x1xf32>
    %mul3A_618 = arith.constant 32 : i32
    %mul3A_619 = arith.muli %arg0, %mul3A_618 : i32
    %add3A_620 = arith.constant 29 : i32
    %add3A_621 = arith.addi %mul3A_619, %add3A_620 : i32
    %eq3A_622 = vector.broadcast %add3A_621 : i32 to vector<256x128xi32>
    %eq3A_623 = arith.cmpi eq, %iota3A, %eq3A_622 : vector<256x128xi32>
    %broadcast_in_dim3A_624 = vector.shape_cast %broadcast_in_dim3A_617 : vector<256x1xf32> to vector<256x1xf32>
    %broadcast_in_dim3A_625 = vector.broadcast %broadcast_in_dim3A_624 : vector<256x1xf32> to vector<256x128xf32>
    %select_n3A_626 = arith.select %eq3A_623, %broadcast_in_dim3A_625, %select_n3A_613 : vector<256x128xi1>, vector<256x128xf32>
    %slice3A_627 = vector.extract_strided_slice %add3A_15 {offsets = [0, 3840], sizes = [256, 128], strides = [1, 1]} : vector<256x4096xf32> to vector<256x128xf32>
    %reduce_min3A_628 = arith.constant dense<0x7F800000> : vector<256xf32>
    %reduce_min3A_629 = vector.multi_reduction <minimumf>, %slice3A_627, %reduce_min3A_628 [1] : vector<256x128xf32> to vector<256xf32>
    %broadcast_in_dim3A_630 = vector.shape_cast %reduce_min3A_629 : vector<256xf32> to vector<256x1xf32>
    %mul3A_631 = arith.constant 32 : i32
    %mul3A_632 = arith.muli %arg0, %mul3A_631 : i32
    %add3A_633 = arith.constant 30 : i32
    %add3A_634 = arith.addi %mul3A_632, %add3A_633 : i32
    %eq3A_635 = vector.broadcast %add3A_634 : i32 to vector<256x128xi32>
    %eq3A_636 = arith.cmpi eq, %iota3A, %eq3A_635 : vector<256x128xi32>
    %broadcast_in_dim3A_637 = vector.shape_cast %broadcast_in_dim3A_630 : vector<256x1xf32> to vector<256x1xf32>
    %broadcast_in_dim3A_638 = vector.broadcast %broadcast_in_dim3A_637 : vector<256x1xf32> to vector<256x128xf32>
    %select_n3A_639 = arith.select %eq3A_636, %broadcast_in_dim3A_638, %select_n3A_626 : vector<256x128xi1>, vector<256x128xf32>
    %slice3A_640 = vector.extract_strided_slice %add3A_15 {offsets = [0, 3968], sizes = [256, 128], strides = [1, 1]} : vector<256x4096xf32> to vector<256x128xf32>
    %reduce_min3A_641 = arith.constant dense<0x7F800000> : vector<256xf32>
    %reduce_min3A_642 = vector.multi_reduction <minimumf>, %slice3A_640, %reduce_min3A_641 [1] : vector<256x128xf32> to vector<256xf32>
    %broadcast_in_dim3A_643 = vector.shape_cast %reduce_min3A_642 : vector<256xf32> to vector<256x1xf32>
    %mul3A_644 = arith.constant 32 : i32
    %mul3A_645 = arith.muli %arg0, %mul3A_644 : i32
    %add3A_646 = arith.constant 31 : i32
    %add3A_647 = arith.addi %mul3A_645, %add3A_646 : i32
    %eq3A_648 = vector.broadcast %add3A_647 : i32 to vector<256x128xi32>
    %eq3A_649 = arith.cmpi eq, %iota3A, %eq3A_648 : vector<256x128xi32>
    %broadcast_in_dim3A_650 = vector.shape_cast %broadcast_in_dim3A_643 : vector<256x1xf32> to vector<256x1xf32>
    %broadcast_in_dim3A_651 = vector.broadcast %broadcast_in_dim3A_650 : vector<256x1xf32> to vector<256x128xf32>
    %select_n3A_652 = arith.select %eq3A_649, %broadcast_in_dim3A_651, %select_n3A_639 : vector<256x128xi1>, vector<256x128xf32>
    %mul3A_653 = arith.constant 256 : i32
    %mul3A_654 = arith.muli %arg1, %mul3A_653 : i32
    %get3A_655 = arith.index_cast %mul3A_654 : i32 to index
    %get3A_656 = arith.constant 0 : index
    %get3A_657 = vector.load %arg5[%get3A_655, %get3A_656] : memref<4096x128xf32, #tpu.memory_space<vmem>>, vector<256x128xf32>
    %eq3A_658 = arith.constant 0 : i32
    %eq3A_659 = arith.cmpi eq, %arg0, %eq3A_658 : i32
    %jit3A = arith.constant 0x7F800000 : f32
    %broadcast_in_dim3A_660 = vector.broadcast %jit3A : f32 to vector<256x128xf32>
    %select_n3A_661 = arith.select %eq3A_659, %broadcast_in_dim3A_660, %get3A_657 : vector<256x128xf32>
    %min3A = arith.minimumf %select_n3A_661, %select_n3A_652 : vector<256x128xf32>
    %mul3A_662 = arith.constant 256 : i32
    %mul3A_663 = arith.muli %arg1, %mul3A_662 : i32
    %swap3A_664 = arith.index_cast %mul3A_663 : i32 to index
    %swap3A_665 = arith.constant 0 : index
    %swap3A_666 = vector.load %arg5[%swap3A_664, %swap3A_665] : memref<4096x128xf32, #tpu.memory_space<vmem>>, vector<256x128xf32>
    tpu.vector_store %arg5[%swap3A_664, %swap3A_665], %min3A {strides = array<i32>} : memref<4096x128xf32, #tpu.memory_space<vmem>>, vector<256x128xf32>,
    return
  }
  func.func @transform_0(%arg0: i32, %arg1: i32) -> (i32, i32) {
    %c0_i32 = arith.constant 0 : i32
    %c0_i32_0 = arith.constant 0 : i32
    return %arg1, %c0_i32 : i32, i32
  }
  func.func @transform_1(%arg0: i32, %arg1: i32) -> (i32, i32) {
    %c0_i32 = arith.constant 0 : i32
    %c0_i32_0 = arith.constant 0 : i32
    return %arg0, %c0_i32 : i32, i32
  }
  func.func @transform_2(%arg0: i32, %arg1: i32) -> (i32, i32, i32) {
    %c0_i32 = arith.constant 0 : i32
    %c0_i32_0 = arith.constant 0 : i32
    return %arg0, %arg1, %c0_i32 : i32, i32, i32
  }
  func.func @transform_3(%arg0: i32, %arg1: i32) -> (i32, i32) {
    %c0_i32 = arith.constant 0 : i32
    %c0_i32_0 = arith.constant 0 : i32
    %c0_i32_1 = arith.constant 0 : i32
    return %c0_i32, %c0_i32_0 : i32, i32
  }
}

module attributes {stable_mosaic.version = 14 : i64} {
  func.func @_tc3_body(%arg0: i32, %arg1: memref<256x2048xf32, #tpu.memory_space<vmem>>, %arg2: memref<256x16xi32, #tpu.memory_space<vmem>>, %arg3: memref<256x16xf32, #tpu.memory_space<vmem>>, %arg4: memref<256x16xi32, #tpu.memory_space<vmem>>) attributes {dimension_semantics = [#tpu.dimension_semantics<arbitrary>], iteration_bounds = array<i64: 16>, scalar_prefetch = 0 : i64, scratch_operands = 0 : i64, tpu.core_type = #tpu.core_type<tc>, window_params = [{transform_indices = @transform_0, window_bounds = array<i64: 256, 2048>}, {transform_indices = @transform_1, window_bounds = array<i64: 256, 16>}, {transform_indices = @transform_2, window_bounds = array<i64: 256, 16>}, {transform_indices = @transform_3, window_bounds = array<i64: 256, 16>}]} {
    %get3A = arith.constant 0 : index
    %get3A_0 = arith.constant 0 : index
    %get3A_1 = vector.load %arg1[%get3A, %get3A_0] : memref<256x2048xf32, #tpu.memory_space<vmem>>, vector<256x2048xf32>
    %get3A_2 = arith.constant 0 : index
    %get3A_3 = arith.constant 0 : index
    %get3A_4 = vector.load %arg2[%get3A_2, %get3A_3] : memref<256x16xi32, #tpu.memory_space<vmem>>, vector<256x16xi32>
    %iota3A = tpu.iota {dimensions = array<i32: 1>} : vector<256x128xi32>
    %slice3A = vector.extract_strided_slice %get3A_4 {offsets = [0, 0], sizes = [256, 1], strides = [1, 1]} : vector<256x16xi32> to vector<256x1xi32>
    %mul3A = arith.constant 128 : i32
    %mul3A_5 = vector.broadcast %mul3A : i32 to vector<256x1xi32>
    %mul3A_6 = arith.muli %slice3A, %mul3A_5 : vector<256x1xi32>
    %add3A = vector.broadcast %mul3A_6 : vector<256x1xi32> to vector<256x128xi32>
    %add3A_7 = arith.addi %add3A, %iota3A : vector<256x128xi32>
    %slice3A_8 = vector.extract_strided_slice %get3A_4 {offsets = [0, 1], sizes = [256, 1], strides = [1, 1]} : vector<256x16xi32> to vector<256x1xi32>
    %mul3A_9 = arith.constant 128 : i32
    %mul3A_10 = vector.broadcast %mul3A_9 : i32 to vector<256x1xi32>
    %mul3A_11 = arith.muli %slice3A_8, %mul3A_10 : vector<256x1xi32>
    %add3A_12 = vector.broadcast %mul3A_11 : vector<256x1xi32> to vector<256x128xi32>
    %add3A_13 = arith.addi %add3A_12, %iota3A : vector<256x128xi32>
    %slice3A_14 = vector.extract_strided_slice %get3A_4 {offsets = [0, 2], sizes = [256, 1], strides = [1, 1]} : vector<256x16xi32> to vector<256x1xi32>
    %mul3A_15 = arith.constant 128 : i32
    %mul3A_16 = vector.broadcast %mul3A_15 : i32 to vector<256x1xi32>
    %mul3A_17 = arith.muli %slice3A_14, %mul3A_16 : vector<256x1xi32>
    %add3A_18 = vector.broadcast %mul3A_17 : vector<256x1xi32> to vector<256x128xi32>
    %add3A_19 = arith.addi %add3A_18, %iota3A : vector<256x128xi32>
    %slice3A_20 = vector.extract_strided_slice %get3A_4 {offsets = [0, 3], sizes = [256, 1], strides = [1, 1]} : vector<256x16xi32> to vector<256x1xi32>
    %mul3A_21 = arith.constant 128 : i32
    %mul3A_22 = vector.broadcast %mul3A_21 : i32 to vector<256x1xi32>
    %mul3A_23 = arith.muli %slice3A_20, %mul3A_22 : vector<256x1xi32>
    %add3A_24 = vector.broadcast %mul3A_23 : vector<256x1xi32> to vector<256x128xi32>
    %add3A_25 = arith.addi %add3A_24, %iota3A : vector<256x128xi32>
    %slice3A_26 = vector.extract_strided_slice %get3A_4 {offsets = [0, 4], sizes = [256, 1], strides = [1, 1]} : vector<256x16xi32> to vector<256x1xi32>
    %mul3A_27 = arith.constant 128 : i32
    %mul3A_28 = vector.broadcast %mul3A_27 : i32 to vector<256x1xi32>
    %mul3A_29 = arith.muli %slice3A_26, %mul3A_28 : vector<256x1xi32>
    %add3A_30 = vector.broadcast %mul3A_29 : vector<256x1xi32> to vector<256x128xi32>
    %add3A_31 = arith.addi %add3A_30, %iota3A : vector<256x128xi32>
    %slice3A_32 = vector.extract_strided_slice %get3A_4 {offsets = [0, 5], sizes = [256, 1], strides = [1, 1]} : vector<256x16xi32> to vector<256x1xi32>
    %mul3A_33 = arith.constant 128 : i32
    %mul3A_34 = vector.broadcast %mul3A_33 : i32 to vector<256x1xi32>
    %mul3A_35 = arith.muli %slice3A_32, %mul3A_34 : vector<256x1xi32>
    %add3A_36 = vector.broadcast %mul3A_35 : vector<256x1xi32> to vector<256x128xi32>
    %add3A_37 = arith.addi %add3A_36, %iota3A : vector<256x128xi32>
    %slice3A_38 = vector.extract_strided_slice %get3A_4 {offsets = [0, 6], sizes = [256, 1], strides = [1, 1]} : vector<256x16xi32> to vector<256x1xi32>
    %mul3A_39 = arith.constant 128 : i32
    %mul3A_40 = vector.broadcast %mul3A_39 : i32 to vector<256x1xi32>
    %mul3A_41 = arith.muli %slice3A_38, %mul3A_40 : vector<256x1xi32>
    %add3A_42 = vector.broadcast %mul3A_41 : vector<256x1xi32> to vector<256x128xi32>
    %add3A_43 = arith.addi %add3A_42, %iota3A : vector<256x128xi32>
    %slice3A_44 = vector.extract_strided_slice %get3A_4 {offsets = [0, 7], sizes = [256, 1], strides = [1, 1]} : vector<256x16xi32> to vector<256x1xi32>
    %mul3A_45 = arith.constant 128 : i32
    %mul3A_46 = vector.broadcast %mul3A_45 : i32 to vector<256x1xi32>
    %mul3A_47 = arith.muli %slice3A_44, %mul3A_46 : vector<256x1xi32>
    %add3A_48 = vector.broadcast %mul3A_47 : vector<256x1xi32> to vector<256x128xi32>
    %add3A_49 = arith.addi %add3A_48, %iota3A : vector<256x128xi32>
    %slice3A_50 = vector.extract_strided_slice %get3A_4 {offsets = [0, 8], sizes = [256, 1], strides = [1, 1]} : vector<256x16xi32> to vector<256x1xi32>
    %mul3A_51 = arith.constant 128 : i32
    %mul3A_52 = vector.broadcast %mul3A_51 : i32 to vector<256x1xi32>
    %mul3A_53 = arith.muli %slice3A_50, %mul3A_52 : vector<256x1xi32>
    %add3A_54 = vector.broadcast %mul3A_53 : vector<256x1xi32> to vector<256x128xi32>
    %add3A_55 = arith.addi %add3A_54, %iota3A : vector<256x128xi32>
    %slice3A_56 = vector.extract_strided_slice %get3A_4 {offsets = [0, 9], sizes = [256, 1], strides = [1, 1]} : vector<256x16xi32> to vector<256x1xi32>
    %mul3A_57 = arith.constant 128 : i32
    %mul3A_58 = vector.broadcast %mul3A_57 : i32 to vector<256x1xi32>
    %mul3A_59 = arith.muli %slice3A_56, %mul3A_58 : vector<256x1xi32>
    %add3A_60 = vector.broadcast %mul3A_59 : vector<256x1xi32> to vector<256x128xi32>
    %add3A_61 = arith.addi %add3A_60, %iota3A : vector<256x128xi32>
    %slice3A_62 = vector.extract_strided_slice %get3A_4 {offsets = [0, 10], sizes = [256, 1], strides = [1, 1]} : vector<256x16xi32> to vector<256x1xi32>
    %mul3A_63 = arith.constant 128 : i32
    %mul3A_64 = vector.broadcast %mul3A_63 : i32 to vector<256x1xi32>
    %mul3A_65 = arith.muli %slice3A_62, %mul3A_64 : vector<256x1xi32>
    %add3A_66 = vector.broadcast %mul3A_65 : vector<256x1xi32> to vector<256x128xi32>
    %add3A_67 = arith.addi %add3A_66, %iota3A : vector<256x128xi32>
    %slice3A_68 = vector.extract_strided_slice %get3A_4 {offsets = [0, 11], sizes = [256, 1], strides = [1, 1]} : vector<256x16xi32> to vector<256x1xi32>
    %mul3A_69 = arith.constant 128 : i32
    %mul3A_70 = vector.broadcast %mul3A_69 : i32 to vector<256x1xi32>
    %mul3A_71 = arith.muli %slice3A_68, %mul3A_70 : vector<256x1xi32>
    %add3A_72 = vector.broadcast %mul3A_71 : vector<256x1xi32> to vector<256x128xi32>
    %add3A_73 = arith.addi %add3A_72, %iota3A : vector<256x128xi32>
    %slice3A_74 = vector.extract_strided_slice %get3A_4 {offsets = [0, 12], sizes = [256, 1], strides = [1, 1]} : vector<256x16xi32> to vector<256x1xi32>
    %mul3A_75 = arith.constant 128 : i32
    %mul3A_76 = vector.broadcast %mul3A_75 : i32 to vector<256x1xi32>
    %mul3A_77 = arith.muli %slice3A_74, %mul3A_76 : vector<256x1xi32>
    %add3A_78 = vector.broadcast %mul3A_77 : vector<256x1xi32> to vector<256x128xi32>
    %add3A_79 = arith.addi %add3A_78, %iota3A : vector<256x128xi32>
    %slice3A_80 = vector.extract_strided_slice %get3A_4 {offsets = [0, 13], sizes = [256, 1], strides = [1, 1]} : vector<256x16xi32> to vector<256x1xi32>
    %mul3A_81 = arith.constant 128 : i32
    %mul3A_82 = vector.broadcast %mul3A_81 : i32 to vector<256x1xi32>
    %mul3A_83 = arith.muli %slice3A_80, %mul3A_82 : vector<256x1xi32>
    %add3A_84 = vector.broadcast %mul3A_83 : vector<256x1xi32> to vector<256x128xi32>
    %add3A_85 = arith.addi %add3A_84, %iota3A : vector<256x128xi32>
    %slice3A_86 = vector.extract_strided_slice %get3A_4 {offsets = [0, 14], sizes = [256, 1], strides = [1, 1]} : vector<256x16xi32> to vector<256x1xi32>
    %mul3A_87 = arith.constant 128 : i32
    %mul3A_88 = vector.broadcast %mul3A_87 : i32 to vector<256x1xi32>
    %mul3A_89 = arith.muli %slice3A_86, %mul3A_88 : vector<256x1xi32>
    %add3A_90 = vector.broadcast %mul3A_89 : vector<256x1xi32> to vector<256x128xi32>
    %add3A_91 = arith.addi %add3A_90, %iota3A : vector<256x128xi32>
    %slice3A_92 = vector.extract_strided_slice %get3A_4 {offsets = [0, 15], sizes = [256, 1], strides = [1, 1]} : vector<256x16xi32> to vector<256x1xi32>
    %mul3A_93 = arith.constant 128 : i32
    %mul3A_94 = vector.broadcast %mul3A_93 : i32 to vector<256x1xi32>
    %mul3A_95 = arith.muli %slice3A_92, %mul3A_94 : vector<256x1xi32>
    %add3A_96 = vector.broadcast %mul3A_95 : vector<256x1xi32> to vector<256x128xi32>
    %add3A_97 = arith.addi %add3A_96, %iota3A : vector<256x128xi32>
    %concatenate3A = tpu.concatenate %add3A_7, %add3A_13, %add3A_19, %add3A_25, %add3A_31, %add3A_37, %add3A_43, %add3A_49, %add3A_55, %add3A_61, %add3A_67, %add3A_73, %add3A_79, %add3A_85, %add3A_91, %add3A_97 in 1 : vector<256x128xi32>, vector<256x128xi32>, vector<256x128xi32>, vector<256x128xi32>, vector<256x128xi32>, vector<256x128xi32>, vector<256x128xi32>, vector<256x128xi32>, vector<256x128xi32>, vector<256x128xi32>, vector<256x128xi32>, vector<256x128xi32>, vector<256x128xi32>, vector<256x128xi32>, vector<256x128xi32>, vector<256x128xi32> -> vector<256x2048xi32>
    %reduce_min3A = arith.constant dense<0x7F800000> : vector<256xf32>
    %reduce_min3A_98 = vector.multi_reduction <minimumf>, %get3A_1, %reduce_min3A [1] : vector<256x2048xf32> to vector<256xf32>
    %broadcast_in_dim3A = vector.shape_cast %reduce_min3A_98 : vector<256xf32> to vector<256x1xf32>
    %eq3A = vector.broadcast %broadcast_in_dim3A : vector<256x1xf32> to vector<256x2048xf32>
    %eq3A_99 = arith.cmpf oeq, %get3A_1, %eq3A : vector<256x2048xf32>
    %jit3A = arith.constant 1073741824 : i32
    %broadcast_in_dim3A_100 = vector.broadcast %jit3A : i32 to vector<256x2048xi32>
    %select_n3A = arith.select %eq3A_99, %concatenate3A, %broadcast_in_dim3A_100 : vector<256x2048xi1>, vector<256x2048xi32>
    %reduce_min3A_101 = arith.constant dense<2147483647> : vector<256xi32>
    %reduce_min3A_102 = vector.multi_reduction <minsi>, %select_n3A, %reduce_min3A_101 [1] : vector<256x2048xi32> to vector<256xi32>
    %broadcast_in_dim3A_103 = vector.shape_cast %reduce_min3A_102 : vector<256xi32> to vector<256x1xi32>
    %eq3A_104 = vector.broadcast %broadcast_in_dim3A_103 : vector<256x1xi32> to vector<256x2048xi32>
    %eq3A_105 = arith.cmpi eq, %concatenate3A, %eq3A_104 : vector<256x2048xi32>
    %jit3A_106 = arith.constant 0x7F800000 : f32
    %broadcast_in_dim3A_107 = vector.broadcast %jit3A_106 : f32 to vector<256x2048xf32>
    %select_n3A_108 = arith.select %eq3A_105, %broadcast_in_dim3A_107, %get3A_1 : vector<256x2048xi1>, vector<256x2048xf32>
    %reduce_min3A_109 = arith.constant dense<0x7F800000> : vector<256xf32>
    %reduce_min3A_110 = vector.multi_reduction <minimumf>, %select_n3A_108, %reduce_min3A_109 [1] : vector<256x2048xf32> to vector<256xf32>
    %broadcast_in_dim3A_111 = vector.shape_cast %reduce_min3A_110 : vector<256xf32> to vector<256x1xf32>
    %eq3A_112 = vector.broadcast %broadcast_in_dim3A_111 : vector<256x1xf32> to vector<256x2048xf32>
    %eq3A_113 = arith.cmpf oeq, %select_n3A_108, %eq3A_112 : vector<256x2048xf32>
    %jit3A_114 = arith.constant 1073741824 : i32
    %broadcast_in_dim3A_115 = vector.broadcast %jit3A_114 : i32 to vector<256x2048xi32>
    %select_n3A_116 = arith.select %eq3A_113, %concatenate3A, %broadcast_in_dim3A_115 : vector<256x2048xi1>, vector<256x2048xi32>
    %reduce_min3A_117 = arith.constant dense<2147483647> : vector<256xi32>
    %reduce_min3A_118 = vector.multi_reduction <minsi>, %select_n3A_116, %reduce_min3A_117 [1] : vector<256x2048xi32> to vector<256xi32>
    %broadcast_in_dim3A_119 = vector.shape_cast %reduce_min3A_118 : vector<256xi32> to vector<256x1xi32>
    %eq3A_120 = vector.broadcast %broadcast_in_dim3A_119 : vector<256x1xi32> to vector<256x2048xi32>
    %eq3A_121 = arith.cmpi eq, %concatenate3A, %eq3A_120 : vector<256x2048xi32>
    %jit3A_122 = arith.constant 0x7F800000 : f32
    %broadcast_in_dim3A_123 = vector.broadcast %jit3A_122 : f32 to vector<256x2048xf32>
    %select_n3A_124 = arith.select %eq3A_121, %broadcast_in_dim3A_123, %select_n3A_108 : vector<256x2048xi1>, vector<256x2048xf32>
    %reduce_min3A_125 = arith.constant dense<0x7F800000> : vector<256xf32>
    %reduce_min3A_126 = vector.multi_reduction <minimumf>, %select_n3A_124, %reduce_min3A_125 [1] : vector<256x2048xf32> to vector<256xf32>
    %broadcast_in_dim3A_127 = vector.shape_cast %reduce_min3A_126 : vector<256xf32> to vector<256x1xf32>
    %eq3A_128 = vector.broadcast %broadcast_in_dim3A_127 : vector<256x1xf32> to vector<256x2048xf32>
    %eq3A_129 = arith.cmpf oeq, %select_n3A_124, %eq3A_128 : vector<256x2048xf32>
    %jit3A_130 = arith.constant 1073741824 : i32
    %broadcast_in_dim3A_131 = vector.broadcast %jit3A_130 : i32 to vector<256x2048xi32>
    %select_n3A_132 = arith.select %eq3A_129, %concatenate3A, %broadcast_in_dim3A_131 : vector<256x2048xi1>, vector<256x2048xi32>
    %reduce_min3A_133 = arith.constant dense<2147483647> : vector<256xi32>
    %reduce_min3A_134 = vector.multi_reduction <minsi>, %select_n3A_132, %reduce_min3A_133 [1] : vector<256x2048xi32> to vector<256xi32>
    %broadcast_in_dim3A_135 = vector.shape_cast %reduce_min3A_134 : vector<256xi32> to vector<256x1xi32>
    %eq3A_136 = vector.broadcast %broadcast_in_dim3A_135 : vector<256x1xi32> to vector<256x2048xi32>
    %eq3A_137 = arith.cmpi eq, %concatenate3A, %eq3A_136 : vector<256x2048xi32>
    %jit3A_138 = arith.constant 0x7F800000 : f32
    %broadcast_in_dim3A_139 = vector.broadcast %jit3A_138 : f32 to vector<256x2048xf32>
    %select_n3A_140 = arith.select %eq3A_137, %broadcast_in_dim3A_139, %select_n3A_124 : vector<256x2048xi1>, vector<256x2048xf32>
    %reduce_min3A_141 = arith.constant dense<0x7F800000> : vector<256xf32>
    %reduce_min3A_142 = vector.multi_reduction <minimumf>, %select_n3A_140, %reduce_min3A_141 [1] : vector<256x2048xf32> to vector<256xf32>
    %broadcast_in_dim3A_143 = vector.shape_cast %reduce_min3A_142 : vector<256xf32> to vector<256x1xf32>
    %eq3A_144 = vector.broadcast %broadcast_in_dim3A_143 : vector<256x1xf32> to vector<256x2048xf32>
    %eq3A_145 = arith.cmpf oeq, %select_n3A_140, %eq3A_144 : vector<256x2048xf32>
    %jit3A_146 = arith.constant 1073741824 : i32
    %broadcast_in_dim3A_147 = vector.broadcast %jit3A_146 : i32 to vector<256x2048xi32>
    %select_n3A_148 = arith.select %eq3A_145, %concatenate3A, %broadcast_in_dim3A_147 : vector<256x2048xi1>, vector<256x2048xi32>
    %reduce_min3A_149 = arith.constant dense<2147483647> : vector<256xi32>
    %reduce_min3A_150 = vector.multi_reduction <minsi>, %select_n3A_148, %reduce_min3A_149 [1] : vector<256x2048xi32> to vector<256xi32>
    %broadcast_in_dim3A_151 = vector.shape_cast %reduce_min3A_150 : vector<256xi32> to vector<256x1xi32>
    %eq3A_152 = vector.broadcast %broadcast_in_dim3A_151 : vector<256x1xi32> to vector<256x2048xi32>
    %eq3A_153 = arith.cmpi eq, %concatenate3A, %eq3A_152 : vector<256x2048xi32>
    %jit3A_154 = arith.constant 0x7F800000 : f32
    %broadcast_in_dim3A_155 = vector.broadcast %jit3A_154 : f32 to vector<256x2048xf32>
    %select_n3A_156 = arith.select %eq3A_153, %broadcast_in_dim3A_155, %select_n3A_140 : vector<256x2048xi1>, vector<256x2048xf32>
    %reduce_min3A_157 = arith.constant dense<0x7F800000> : vector<256xf32>
    %reduce_min3A_158 = vector.multi_reduction <minimumf>, %select_n3A_156, %reduce_min3A_157 [1] : vector<256x2048xf32> to vector<256xf32>
    %broadcast_in_dim3A_159 = vector.shape_cast %reduce_min3A_158 : vector<256xf32> to vector<256x1xf32>
    %eq3A_160 = vector.broadcast %broadcast_in_dim3A_159 : vector<256x1xf32> to vector<256x2048xf32>
    %eq3A_161 = arith.cmpf oeq, %select_n3A_156, %eq3A_160 : vector<256x2048xf32>
    %jit3A_162 = arith.constant 1073741824 : i32
    %broadcast_in_dim3A_163 = vector.broadcast %jit3A_162 : i32 to vector<256x2048xi32>
    %select_n3A_164 = arith.select %eq3A_161, %concatenate3A, %broadcast_in_dim3A_163 : vector<256x2048xi1>, vector<256x2048xi32>
    %reduce_min3A_165 = arith.constant dense<2147483647> : vector<256xi32>
    %reduce_min3A_166 = vector.multi_reduction <minsi>, %select_n3A_164, %reduce_min3A_165 [1] : vector<256x2048xi32> to vector<256xi32>
    %broadcast_in_dim3A_167 = vector.shape_cast %reduce_min3A_166 : vector<256xi32> to vector<256x1xi32>
    %eq3A_168 = vector.broadcast %broadcast_in_dim3A_167 : vector<256x1xi32> to vector<256x2048xi32>
    %eq3A_169 = arith.cmpi eq, %concatenate3A, %eq3A_168 : vector<256x2048xi32>
    %jit3A_170 = arith.constant 0x7F800000 : f32
    %broadcast_in_dim3A_171 = vector.broadcast %jit3A_170 : f32 to vector<256x2048xf32>
    %select_n3A_172 = arith.select %eq3A_169, %broadcast_in_dim3A_171, %select_n3A_156 : vector<256x2048xi1>, vector<256x2048xf32>
    %reduce_min3A_173 = arith.constant dense<0x7F800000> : vector<256xf32>
    %reduce_min3A_174 = vector.multi_reduction <minimumf>, %select_n3A_172, %reduce_min3A_173 [1] : vector<256x2048xf32> to vector<256xf32>
    %broadcast_in_dim3A_175 = vector.shape_cast %reduce_min3A_174 : vector<256xf32> to vector<256x1xf32>
    %eq3A_176 = vector.broadcast %broadcast_in_dim3A_175 : vector<256x1xf32> to vector<256x2048xf32>
    %eq3A_177 = arith.cmpf oeq, %select_n3A_172, %eq3A_176 : vector<256x2048xf32>
    %jit3A_178 = arith.constant 1073741824 : i32
    %broadcast_in_dim3A_179 = vector.broadcast %jit3A_178 : i32 to vector<256x2048xi32>
    %select_n3A_180 = arith.select %eq3A_177, %concatenate3A, %broadcast_in_dim3A_179 : vector<256x2048xi1>, vector<256x2048xi32>
    %reduce_min3A_181 = arith.constant dense<2147483647> : vector<256xi32>
    %reduce_min3A_182 = vector.multi_reduction <minsi>, %select_n3A_180, %reduce_min3A_181 [1] : vector<256x2048xi32> to vector<256xi32>
    %broadcast_in_dim3A_183 = vector.shape_cast %reduce_min3A_182 : vector<256xi32> to vector<256x1xi32>
    %eq3A_184 = vector.broadcast %broadcast_in_dim3A_183 : vector<256x1xi32> to vector<256x2048xi32>
    %eq3A_185 = arith.cmpi eq, %concatenate3A, %eq3A_184 : vector<256x2048xi32>
    %jit3A_186 = arith.constant 0x7F800000 : f32
    %broadcast_in_dim3A_187 = vector.broadcast %jit3A_186 : f32 to vector<256x2048xf32>
    %select_n3A_188 = arith.select %eq3A_185, %broadcast_in_dim3A_187, %select_n3A_172 : vector<256x2048xi1>, vector<256x2048xf32>
    %reduce_min3A_189 = arith.constant dense<0x7F800000> : vector<256xf32>
    %reduce_min3A_190 = vector.multi_reduction <minimumf>, %select_n3A_188, %reduce_min3A_189 [1] : vector<256x2048xf32> to vector<256xf32>
    %broadcast_in_dim3A_191 = vector.shape_cast %reduce_min3A_190 : vector<256xf32> to vector<256x1xf32>
    %eq3A_192 = vector.broadcast %broadcast_in_dim3A_191 : vector<256x1xf32> to vector<256x2048xf32>
    %eq3A_193 = arith.cmpf oeq, %select_n3A_188, %eq3A_192 : vector<256x2048xf32>
    %jit3A_194 = arith.constant 1073741824 : i32
    %broadcast_in_dim3A_195 = vector.broadcast %jit3A_194 : i32 to vector<256x2048xi32>
    %select_n3A_196 = arith.select %eq3A_193, %concatenate3A, %broadcast_in_dim3A_195 : vector<256x2048xi1>, vector<256x2048xi32>
    %reduce_min3A_197 = arith.constant dense<2147483647> : vector<256xi32>
    %reduce_min3A_198 = vector.multi_reduction <minsi>, %select_n3A_196, %reduce_min3A_197 [1] : vector<256x2048xi32> to vector<256xi32>
    %broadcast_in_dim3A_199 = vector.shape_cast %reduce_min3A_198 : vector<256xi32> to vector<256x1xi32>
    %eq3A_200 = vector.broadcast %broadcast_in_dim3A_199 : vector<256x1xi32> to vector<256x2048xi32>
    %eq3A_201 = arith.cmpi eq, %concatenate3A, %eq3A_200 : vector<256x2048xi32>
    %jit3A_202 = arith.constant 0x7F800000 : f32
    %broadcast_in_dim3A_203 = vector.broadcast %jit3A_202 : f32 to vector<256x2048xf32>
    %select_n3A_204 = arith.select %eq3A_201, %broadcast_in_dim3A_203, %select_n3A_188 : vector<256x2048xi1>, vector<256x2048xf32>
    %reduce_min3A_205 = arith.constant dense<0x7F800000> : vector<256xf32>
    %reduce_min3A_206 = vector.multi_reduction <minimumf>, %select_n3A_204, %reduce_min3A_205 [1] : vector<256x2048xf32> to vector<256xf32>
    %broadcast_in_dim3A_207 = vector.shape_cast %reduce_min3A_206 : vector<256xf32> to vector<256x1xf32>
    %eq3A_208 = vector.broadcast %broadcast_in_dim3A_207 : vector<256x1xf32> to vector<256x2048xf32>
    %eq3A_209 = arith.cmpf oeq, %select_n3A_204, %eq3A_208 : vector<256x2048xf32>
    %jit3A_210 = arith.constant 1073741824 : i32
    %broadcast_in_dim3A_211 = vector.broadcast %jit3A_210 : i32 to vector<256x2048xi32>
    %select_n3A_212 = arith.select %eq3A_209, %concatenate3A, %broadcast_in_dim3A_211 : vector<256x2048xi1>, vector<256x2048xi32>
    %reduce_min3A_213 = arith.constant dense<2147483647> : vector<256xi32>
    %reduce_min3A_214 = vector.multi_reduction <minsi>, %select_n3A_212, %reduce_min3A_213 [1] : vector<256x2048xi32> to vector<256xi32>
    %broadcast_in_dim3A_215 = vector.shape_cast %reduce_min3A_214 : vector<256xi32> to vector<256x1xi32>
    %eq3A_216 = vector.broadcast %broadcast_in_dim3A_215 : vector<256x1xi32> to vector<256x2048xi32>
    %eq3A_217 = arith.cmpi eq, %concatenate3A, %eq3A_216 : vector<256x2048xi32>
    %jit3A_218 = arith.constant 0x7F800000 : f32
    %broadcast_in_dim3A_219 = vector.broadcast %jit3A_218 : f32 to vector<256x2048xf32>
    %select_n3A_220 = arith.select %eq3A_217, %broadcast_in_dim3A_219, %select_n3A_204 : vector<256x2048xi1>, vector<256x2048xf32>
    %reduce_min3A_221 = arith.constant dense<0x7F800000> : vector<256xf32>
    %reduce_min3A_222 = vector.multi_reduction <minimumf>, %select_n3A_220, %reduce_min3A_221 [1] : vector<256x2048xf32> to vector<256xf32>
    %broadcast_in_dim3A_223 = vector.shape_cast %reduce_min3A_222 : vector<256xf32> to vector<256x1xf32>
    %eq3A_224 = vector.broadcast %broadcast_in_dim3A_223 : vector<256x1xf32> to vector<256x2048xf32>
    %eq3A_225 = arith.cmpf oeq, %select_n3A_220, %eq3A_224 : vector<256x2048xf32>
    %jit3A_226 = arith.constant 1073741824 : i32
    %broadcast_in_dim3A_227 = vector.broadcast %jit3A_226 : i32 to vector<256x2048xi32>
    %select_n3A_228 = arith.select %eq3A_225, %concatenate3A, %broadcast_in_dim3A_227 : vector<256x2048xi1>, vector<256x2048xi32>
    %reduce_min3A_229 = arith.constant dense<2147483647> : vector<256xi32>
    %reduce_min3A_230 = vector.multi_reduction <minsi>, %select_n3A_228, %reduce_min3A_229 [1] : vector<256x2048xi32> to vector<256xi32>
    %broadcast_in_dim3A_231 = vector.shape_cast %reduce_min3A_230 : vector<256xi32> to vector<256x1xi32>
    %eq3A_232 = vector.broadcast %broadcast_in_dim3A_231 : vector<256x1xi32> to vector<256x2048xi32>
    %eq3A_233 = arith.cmpi eq, %concatenate3A, %eq3A_232 : vector<256x2048xi32>
    %jit3A_234 = arith.constant 0x7F800000 : f32
    %broadcast_in_dim3A_235 = vector.broadcast %jit3A_234 : f32 to vector<256x2048xf32>
    %select_n3A_236 = arith.select %eq3A_233, %broadcast_in_dim3A_235, %select_n3A_220 : vector<256x2048xi1>, vector<256x2048xf32>
    %reduce_min3A_237 = arith.constant dense<0x7F800000> : vector<256xf32>
    %reduce_min3A_238 = vector.multi_reduction <minimumf>, %select_n3A_236, %reduce_min3A_237 [1] : vector<256x2048xf32> to vector<256xf32>
    %broadcast_in_dim3A_239 = vector.shape_cast %reduce_min3A_238 : vector<256xf32> to vector<256x1xf32>
    %eq3A_240 = vector.broadcast %broadcast_in_dim3A_239 : vector<256x1xf32> to vector<256x2048xf32>
    %eq3A_241 = arith.cmpf oeq, %select_n3A_236, %eq3A_240 : vector<256x2048xf32>
    %jit3A_242 = arith.constant 1073741824 : i32
    %broadcast_in_dim3A_243 = vector.broadcast %jit3A_242 : i32 to vector<256x2048xi32>
    %select_n3A_244 = arith.select %eq3A_241, %concatenate3A, %broadcast_in_dim3A_243 : vector<256x2048xi1>, vector<256x2048xi32>
    %reduce_min3A_245 = arith.constant dense<2147483647> : vector<256xi32>
    %reduce_min3A_246 = vector.multi_reduction <minsi>, %select_n3A_244, %reduce_min3A_245 [1] : vector<256x2048xi32> to vector<256xi32>
    %broadcast_in_dim3A_247 = vector.shape_cast %reduce_min3A_246 : vector<256xi32> to vector<256x1xi32>
    %eq3A_248 = vector.broadcast %broadcast_in_dim3A_247 : vector<256x1xi32> to vector<256x2048xi32>
    %eq3A_249 = arith.cmpi eq, %concatenate3A, %eq3A_248 : vector<256x2048xi32>
    %jit3A_250 = arith.constant 0x7F800000 : f32
    %broadcast_in_dim3A_251 = vector.broadcast %jit3A_250 : f32 to vector<256x2048xf32>
    %select_n3A_252 = arith.select %eq3A_249, %broadcast_in_dim3A_251, %select_n3A_236 : vector<256x2048xi1>, vector<256x2048xf32>
    %reduce_min3A_253 = arith.constant dense<0x7F800000> : vector<256xf32>
    %reduce_min3A_254 = vector.multi_reduction <minimumf>, %select_n3A_252, %reduce_min3A_253 [1] : vector<256x2048xf32> to vector<256xf32>
    %broadcast_in_dim3A_255 = vector.shape_cast %reduce_min3A_254 : vector<256xf32> to vector<256x1xf32>
    %eq3A_256 = vector.broadcast %broadcast_in_dim3A_255 : vector<256x1xf32> to vector<256x2048xf32>
    %eq3A_257 = arith.cmpf oeq, %select_n3A_252, %eq3A_256 : vector<256x2048xf32>
    %jit3A_258 = arith.constant 1073741824 : i32
    %broadcast_in_dim3A_259 = vector.broadcast %jit3A_258 : i32 to vector<256x2048xi32>
    %select_n3A_260 = arith.select %eq3A_257, %concatenate3A, %broadcast_in_dim3A_259 : vector<256x2048xi1>, vector<256x2048xi32>
    %reduce_min3A_261 = arith.constant dense<2147483647> : vector<256xi32>
    %reduce_min3A_262 = vector.multi_reduction <minsi>, %select_n3A_260, %reduce_min3A_261 [1] : vector<256x2048xi32> to vector<256xi32>
    %broadcast_in_dim3A_263 = vector.shape_cast %reduce_min3A_262 : vector<256xi32> to vector<256x1xi32>
    %eq3A_264 = vector.broadcast %broadcast_in_dim3A_263 : vector<256x1xi32> to vector<256x2048xi32>
    %eq3A_265 = arith.cmpi eq, %concatenate3A, %eq3A_264 : vector<256x2048xi32>
    %jit3A_266 = arith.constant 0x7F800000 : f32
    %broadcast_in_dim3A_267 = vector.broadcast %jit3A_266 : f32 to vector<256x2048xf32>
    %select_n3A_268 = arith.select %eq3A_265, %broadcast_in_dim3A_267, %select_n3A_252 : vector<256x2048xi1>, vector<256x2048xf32>
    %reduce_min3A_269 = arith.constant dense<0x7F800000> : vector<256xf32>
    %reduce_min3A_270 = vector.multi_reduction <minimumf>, %select_n3A_268, %reduce_min3A_269 [1] : vector<256x2048xf32> to vector<256xf32>
    %broadcast_in_dim3A_271 = vector.shape_cast %reduce_min3A_270 : vector<256xf32> to vector<256x1xf32>
    %eq3A_272 = vector.broadcast %broadcast_in_dim3A_271 : vector<256x1xf32> to vector<256x2048xf32>
    %eq3A_273 = arith.cmpf oeq, %select_n3A_268, %eq3A_272 : vector<256x2048xf32>
    %jit3A_274 = arith.constant 1073741824 : i32
    %broadcast_in_dim3A_275 = vector.broadcast %jit3A_274 : i32 to vector<256x2048xi32>
    %select_n3A_276 = arith.select %eq3A_273, %concatenate3A, %broadcast_in_dim3A_275 : vector<256x2048xi1>, vector<256x2048xi32>
    %reduce_min3A_277 = arith.constant dense<2147483647> : vector<256xi32>
    %reduce_min3A_278 = vector.multi_reduction <minsi>, %select_n3A_276, %reduce_min3A_277 [1] : vector<256x2048xi32> to vector<256xi32>
    %broadcast_in_dim3A_279 = vector.shape_cast %reduce_min3A_278 : vector<256xi32> to vector<256x1xi32>
    %eq3A_280 = vector.broadcast %broadcast_in_dim3A_279 : vector<256x1xi32> to vector<256x2048xi32>
    %eq3A_281 = arith.cmpi eq, %concatenate3A, %eq3A_280 : vector<256x2048xi32>
    %jit3A_282 = arith.constant 0x7F800000 : f32
    %broadcast_in_dim3A_283 = vector.broadcast %jit3A_282 : f32 to vector<256x2048xf32>
    %select_n3A_284 = arith.select %eq3A_281, %broadcast_in_dim3A_283, %select_n3A_268 : vector<256x2048xi1>, vector<256x2048xf32>
    %reduce_min3A_285 = arith.constant dense<0x7F800000> : vector<256xf32>
    %reduce_min3A_286 = vector.multi_reduction <minimumf>, %select_n3A_284, %reduce_min3A_285 [1] : vector<256x2048xf32> to vector<256xf32>
    %broadcast_in_dim3A_287 = vector.shape_cast %reduce_min3A_286 : vector<256xf32> to vector<256x1xf32>
    %eq3A_288 = vector.broadcast %broadcast_in_dim3A_287 : vector<256x1xf32> to vector<256x2048xf32>
    %eq3A_289 = arith.cmpf oeq, %select_n3A_284, %eq3A_288 : vector<256x2048xf32>
    %jit3A_290 = arith.constant 1073741824 : i32
    %broadcast_in_dim3A_291 = vector.broadcast %jit3A_290 : i32 to vector<256x2048xi32>
    %select_n3A_292 = arith.select %eq3A_289, %concatenate3A, %broadcast_in_dim3A_291 : vector<256x2048xi1>, vector<256x2048xi32>
    %reduce_min3A_293 = arith.constant dense<2147483647> : vector<256xi32>
    %reduce_min3A_294 = vector.multi_reduction <minsi>, %select_n3A_292, %reduce_min3A_293 [1] : vector<256x2048xi32> to vector<256xi32>
    %broadcast_in_dim3A_295 = vector.shape_cast %reduce_min3A_294 : vector<256xi32> to vector<256x1xi32>
    %eq3A_296 = vector.broadcast %broadcast_in_dim3A_295 : vector<256x1xi32> to vector<256x2048xi32>
    %eq3A_297 = arith.cmpi eq, %concatenate3A, %eq3A_296 : vector<256x2048xi32>
    %jit3A_298 = arith.constant 0x7F800000 : f32
    %broadcast_in_dim3A_299 = vector.broadcast %jit3A_298 : f32 to vector<256x2048xf32>
    %select_n3A_300 = arith.select %eq3A_297, %broadcast_in_dim3A_299, %select_n3A_284 : vector<256x2048xi1>, vector<256x2048xf32>
    %reduce_min3A_301 = arith.constant dense<0x7F800000> : vector<256xf32>
    %reduce_min3A_302 = vector.multi_reduction <minimumf>, %select_n3A_300, %reduce_min3A_301 [1] : vector<256x2048xf32> to vector<256xf32>
    %broadcast_in_dim3A_303 = vector.shape_cast %reduce_min3A_302 : vector<256xf32> to vector<256x1xf32>
    %eq3A_304 = vector.broadcast %broadcast_in_dim3A_303 : vector<256x1xf32> to vector<256x2048xf32>
    %eq3A_305 = arith.cmpf oeq, %select_n3A_300, %eq3A_304 : vector<256x2048xf32>
    %jit3A_306 = arith.constant 1073741824 : i32
    %broadcast_in_dim3A_307 = vector.broadcast %jit3A_306 : i32 to vector<256x2048xi32>
    %select_n3A_308 = arith.select %eq3A_305, %concatenate3A, %broadcast_in_dim3A_307 : vector<256x2048xi1>, vector<256x2048xi32>
    %reduce_min3A_309 = arith.constant dense<2147483647> : vector<256xi32>
    %reduce_min3A_310 = vector.multi_reduction <minsi>, %select_n3A_308, %reduce_min3A_309 [1] : vector<256x2048xi32> to vector<256xi32>
    %broadcast_in_dim3A_311 = vector.shape_cast %reduce_min3A_310 : vector<256xi32> to vector<256x1xi32>
    %eq3A_312 = vector.broadcast %broadcast_in_dim3A_311 : vector<256x1xi32> to vector<256x2048xi32>
    %eq3A_313 = arith.cmpi eq, %concatenate3A, %eq3A_312 : vector<256x2048xi32>
    %jit3A_314 = arith.constant 0x7F800000 : f32
    %broadcast_in_dim3A_315 = vector.broadcast %jit3A_314 : f32 to vector<256x2048xf32>
    %select_n3A_316 = arith.select %eq3A_313, %broadcast_in_dim3A_315, %select_n3A_300 : vector<256x2048xi1>, vector<256x2048xf32>
    %reduce_min3A_317 = arith.constant dense<0x7F800000> : vector<256xf32>
    %reduce_min3A_318 = vector.multi_reduction <minimumf>, %select_n3A_316, %reduce_min3A_317 [1] : vector<256x2048xf32> to vector<256xf32>
    %broadcast_in_dim3A_319 = vector.shape_cast %reduce_min3A_318 : vector<256xf32> to vector<256x1xf32>
    %eq3A_320 = vector.broadcast %broadcast_in_dim3A_319 : vector<256x1xf32> to vector<256x2048xf32>
    %eq3A_321 = arith.cmpf oeq, %select_n3A_316, %eq3A_320 : vector<256x2048xf32>
    %jit3A_322 = arith.constant 1073741824 : i32
    %broadcast_in_dim3A_323 = vector.broadcast %jit3A_322 : i32 to vector<256x2048xi32>
    %select_n3A_324 = arith.select %eq3A_321, %concatenate3A, %broadcast_in_dim3A_323 : vector<256x2048xi1>, vector<256x2048xi32>
    %reduce_min3A_325 = arith.constant dense<2147483647> : vector<256xi32>
    %reduce_min3A_326 = vector.multi_reduction <minsi>, %select_n3A_324, %reduce_min3A_325 [1] : vector<256x2048xi32> to vector<256xi32>
    %broadcast_in_dim3A_327 = vector.shape_cast %reduce_min3A_326 : vector<256xi32> to vector<256x1xi32>
    %eq3A_328 = vector.broadcast %broadcast_in_dim3A_327 : vector<256x1xi32> to vector<256x2048xi32>
    %eq3A_329 = arith.cmpi eq, %concatenate3A, %eq3A_328 : vector<256x2048xi32>
    %jit3A_330 = arith.constant 0x7F800000 : f32
    %broadcast_in_dim3A_331 = vector.broadcast %jit3A_330 : f32 to vector<256x2048xf32>
    %select_n3A_332 = arith.select %eq3A_329, %broadcast_in_dim3A_331, %select_n3A_316 : vector<256x2048xi1>, vector<256x2048xf32>
    %reduce_min3A_333 = arith.constant dense<0x7F800000> : vector<256xf32>
    %reduce_min3A_334 = vector.multi_reduction <minimumf>, %select_n3A_332, %reduce_min3A_333 [1] : vector<256x2048xf32> to vector<256xf32>
    %broadcast_in_dim3A_335 = vector.shape_cast %reduce_min3A_334 : vector<256xf32> to vector<256x1xf32>
    %eq3A_336 = vector.broadcast %broadcast_in_dim3A_335 : vector<256x1xf32> to vector<256x2048xf32>
    %eq3A_337 = arith.cmpf oeq, %select_n3A_332, %eq3A_336 : vector<256x2048xf32>
    %jit3A_338 = arith.constant 1073741824 : i32
    %broadcast_in_dim3A_339 = vector.broadcast %jit3A_338 : i32 to vector<256x2048xi32>
    %select_n3A_340 = arith.select %eq3A_337, %concatenate3A, %broadcast_in_dim3A_339 : vector<256x2048xi1>, vector<256x2048xi32>
    %reduce_min3A_341 = arith.constant dense<2147483647> : vector<256xi32>
    %reduce_min3A_342 = vector.multi_reduction <minsi>, %select_n3A_340, %reduce_min3A_341 [1] : vector<256x2048xi32> to vector<256xi32>
    %broadcast_in_dim3A_343 = vector.shape_cast %reduce_min3A_342 : vector<256xi32> to vector<256x1xi32>
    %concatenate3A_344 = tpu.concatenate %broadcast_in_dim3A, %broadcast_in_dim3A_111, %broadcast_in_dim3A_127, %broadcast_in_dim3A_143, %broadcast_in_dim3A_159, %broadcast_in_dim3A_175, %broadcast_in_dim3A_191, %broadcast_in_dim3A_207, %broadcast_in_dim3A_223, %broadcast_in_dim3A_239, %broadcast_in_dim3A_255, %broadcast_in_dim3A_271, %broadcast_in_dim3A_287, %broadcast_in_dim3A_303, %broadcast_in_dim3A_319, %broadcast_in_dim3A_335 in 1 : vector<256x1xf32>, vector<256x1xf32>, vector<256x1xf32>, vector<256x1xf32>, vector<256x1xf32>, vector<256x1xf32>, vector<256x1xf32>, vector<256x1xf32>, vector<256x1xf32>, vector<256x1xf32>, vector<256x1xf32>, vector<256x1xf32>, vector<256x1xf32>, vector<256x1xf32>, vector<256x1xf32>, vector<256x1xf32> -> vector<256x16xf32>
    %swap3A = arith.constant 0 : index
    %swap3A_345 = arith.constant 0 : index
    %swap3A_346 = vector.load %arg3[%swap3A, %swap3A_345] : memref<256x16xf32, #tpu.memory_space<vmem>>, vector<256x16xf32>
    tpu.vector_store %arg3[%swap3A, %swap3A_345], %concatenate3A_344 {strides = array<i32>} : memref<256x16xf32, #tpu.memory_space<vmem>>, vector<256x16xf32>,
    %concatenate3A_347 = tpu.concatenate %broadcast_in_dim3A_103, %broadcast_in_dim3A_119, %broadcast_in_dim3A_135, %broadcast_in_dim3A_151, %broadcast_in_dim3A_167, %broadcast_in_dim3A_183, %broadcast_in_dim3A_199, %broadcast_in_dim3A_215, %broadcast_in_dim3A_231, %broadcast_in_dim3A_247, %broadcast_in_dim3A_263, %broadcast_in_dim3A_279, %broadcast_in_dim3A_295, %broadcast_in_dim3A_311, %broadcast_in_dim3A_327, %broadcast_in_dim3A_343 in 1 : vector<256x1xi32>, vector<256x1xi32>, vector<256x1xi32>, vector<256x1xi32>, vector<256x1xi32>, vector<256x1xi32>, vector<256x1xi32>, vector<256x1xi32>, vector<256x1xi32>, vector<256x1xi32>, vector<256x1xi32>, vector<256x1xi32>, vector<256x1xi32>, vector<256x1xi32>, vector<256x1xi32>, vector<256x1xi32> -> vector<256x16xi32>
    %swap3A_348 = arith.constant 0 : index
    %swap3A_349 = arith.constant 0 : index
    %swap3A_350 = vector.load %arg4[%swap3A_348, %swap3A_349] : memref<256x16xi32, #tpu.memory_space<vmem>>, vector<256x16xi32>
    tpu.vector_store %arg4[%swap3A_348, %swap3A_349], %concatenate3A_347 {strides = array<i32>} : memref<256x16xi32, #tpu.memory_space<vmem>>, vector<256x16xi32>,
    return
  }
  func.func @transform_0(%arg0: i32) -> (i32, i32) {
    %c0_i32 = arith.constant 0 : i32
    %c0_i32_0 = arith.constant 0 : i32
    return %arg0, %c0_i32 : i32, i32
  }
  func.func @transform_1(%arg0: i32) -> (i32, i32) {
    %c0_i32 = arith.constant 0 : i32
    %c0_i32_0 = arith.constant 0 : i32
    return %arg0, %c0_i32 : i32, i32
  }
  func.func @transform_2(%arg0: i32) -> (i32, i32) {
    %c0_i32 = arith.constant 0 : i32
    %c0_i32_0 = arith.constant 0 : i32
    return %arg0, %c0_i32 : i32, i32
  }
  func.func @transform_3(%arg0: i32) -> (i32, i32) {
    %c0_i32 = arith.constant 0 : i32
    %c0_i32_0 = arith.constant 0 : i32
    return %arg0, %c0_i32 : i32, i32
  }
}

</mosaic_0001>

<sc_bundles>
// kernel: kernel.6.cloned.1.call-start
scs
__scs_entry_jumppad:
0x0: {  	(pc) =	sbr.rel $0x88, $3  }
0x1: {  	(tag) =	ssettag $0x0;
	lr =	simm.s32 $0x1  }
0x2: {  	[smem:$0x3F9E] =	sst lr;
	_ =	strace $0xD0000000  }
0x3: {  	_ = 	snop  }
0x4: {  	_ = 	snop  }
0x5: {  	_ = 	snop  }
0x6: {  	_ = 	snop  }
0x7: {  	_ = 	snop  }
__scs_overlays_trampoline_lowered:
0x8: {  	[smem:$0x3FAD] =	sst s0  }
0x9: {  	[smem:$0x3FAE] =	sst s1  }
0xa: {  	[smem:$0x3FAF] =	sst s2  }
0xb: {  	[smem:$0x3FB0] =	sst s3  }
0xc: {  	[smem:$0x3FB1] =	sst s4  }
0xd: {  	[smem:$0x3FB2] =	sst s5  }
0xe: {  	[smem:$0x3FB3] =	sst s6  }
0xf: {  	[smem:$0x3FB4] =	sst s7  }
0x10: {  	[smem:$0x3FB5] =	sst s8  }
0x11: {  	[smem:$0x3FB6] =	sst s9;
	s0 =	simm.s32 @!p0 $0x0  }
0x12: {  	s1 =	sld [smem:$0x3F9C];
	s0 =	simm.s32 @p0 $0x1  }
0x13: {  	[smem:$0x3FB7] =	sst s0;
	s0 =	simm.s32 @!p1 $0x0  }
0x14: {  	s2 =	sld [smem:$0x3F9B];
	s0 =	simm.s32 @p1 $0x1  }
0x15: {  	[smem:$0x3FB8] =	sst s0;
	s0 =	simm.s32 @!p2 $0x0  }
0x16: {  	s3 =	sld [smem:$0x3FDB];
	s0 =	simm.s32 @p2 $0x1  }
0x17: {  	s4 =	simm.s32 $0x1BF5;
	[smem:$0x3FBA] =	sst s0  }
0x18: {  	s0 =	sld [smem:$0x3F9D];
	_ =	swait.ge [sflag:s4], $0x0  }
0x19: {  	s7 =	sld [smem:$0x3F9E]  }
0x1a: {  	s8 =	sadd.s32 $0xFFFFE003, lr  }
0x1b: {  	s9 =	sadd.s32 $0xFFFFFEF7, lr;
	s5 =	simm.s32 $0xFFFFFFFF;
	p2 =	slt.u32 s8, $0xFFFFF086  }
0x1c: {  	p1 =	slt.u32 s9, $0xF7A;
	s5 =	simm.s32 @!p2 $0x0  }
0x1d: {  	s5 =	simm.s32 @p1 $0x1;
	p0 =	seq.s32 s7, s2  }
0x1e: {  	s7 =	smul.u32 @!p0 $0xF7A, s2;
	p2 =	seq.s32 @!p0 s5, $0x0  }
0x1f: {  	s9 =	smul.u32 $0xF7A, s1;
	s8 =	simm.s32 @!p0 $0x1BF5;
	p2 =	por !p2, p0  }
0x20: {  	[sflag:s8] =	ssyncset.s32 @!p0 $0xFFFFF086;
	s6 =	sadd.s32 @!p0 s3, s7;
	s7 =	simm.s32 @!p0 $0x108  }
0x21: {  	s3 =	sadd.s32 s3, s9;
	s6 =	sadd.s32 @!p0 $0x88, s6;
	s7 =	simm.s32 @p2 $0x1082  }
0x22: {  	[simem:s7], [sflag:s8] =	dma.local @!p0 [hbm:s6], $0xF7A  }
0x23: {  	s9 =	sor.u32 $0xD0000000, s2;
	s6 =	simm.s32 $0x108;
	_ =	swait.ge @!p0 [sflag:s8], $0x0  }
0x24: {  	s3 =	sadd.s32 $0x88, s3;
	s6 =	simm.s32 @!p1 $0x1082;
	[sflag:s4] =	ssyncset.s32 $0xFFFFF086  }
0x25: {  	[simem:s6], [sflag:s4] =	dma.local [hbm:s3], $0xF7A  }
0x26: {  	[smem:$0x3F9E] =	sst s1;
	(tag) =	ssettag s2;
	_ =	strace s9  }
0x27: {  	s1 =	sld [smem:$0x3FAE]  }
0x28: {  	s2 =	sld [smem:$0x3FAF]  }
0x29: {  	s4 =	sld [smem:$0x3FB1]  }
0x2a: {  	p0 =	seq.s32 s5, $0x0;
	s5 =	sld [smem:$0x3FB2]  }
0x2b: {  	s6 =	sld [smem:$0x3FB3]  }
0x2c: {  	s7 =	sld [smem:$0x3FB4]  }
0x2d: {  	s3 =	simm.s32 $0x108;
	s8 =	sld [smem:$0x3FB5]  }
0x2e: {  	s3 =	simm.s32 @!p0 $0x1082;
	s9 =	sld [smem:$0x3FB6]  }
0x2f: {  	lr =	sadd.s32 s0, s3;
	s0 =	sld [smem:$0x3FAD]  }
0x30: {  	s3 =	sld [smem:$0x3FB0]  }
0x31: {  	[smem:$0x3FB9] =	sst s10  }
0x32: {  	s10 =	sld [smem:$0x3FB7];
	_ =	sdelay $0x3  }
0x33: {  	p0 =	seq.s32 s10, $0x1;
	s10 =	sld [smem:$0x3FB9];
	_ =	sdelay $0x3  }
0x34: {  	[smem:$0x3FB9] =	sst s10  }
0x35: {  	s10 =	sld [smem:$0x3FB8];
	_ =	sdelay $0x3  }
0x36: {  	p1 =	seq.s32 s10, $0x1;
	s10 =	sld [smem:$0x3FB9];
	_ =	sdelay $0x3  }
0x37: {  	[smem:$0x3FB9] =	sst s10  }
0x38: {  	s10 =	sld [smem:$0x3FBA]  }
0x39: {  	_ = 	snop;
	(pc) =	sbr.ind lr, $3  }
0x3a: {  	_ = 	snop  }
0x3b: {  	_ = 	snop  }
0x3c: {  	p2 =	seq.s32 s10, $0x1;
	s10 =	sld [smem:$0x3FB9]  }
0x3d: {  	_ =	shalt  }
0x3e: {  	_ =	shalt  }
0x3f: {  	_ =	shalt  }
0x40: {  	_ =	shalt  }
0x41: {  	_ =	shalt  }
0x42: {  	_ =	shalt  }
0x43: {  	_ =	shalt  }
0x44: {  	_ =	shalt  }
0x45: {  	_ =	shalt  }
0x46: {  	_ =	shalt  }
0x47: {  	_ =	shalt  }
0x48: {  	_ =	shalt  }
0x49: {  	_ =	shalt  }
0x4a: {  	_ =	shalt  }
0x4b: {  	_ =	shalt  }
0x4c: {  	_ =	shalt  }
0x4d: {  	_ =	shalt  }
0x4e: {  	_ =	shalt  }
0x4f: {  	_ =	shalt  }
0x50: {  	_ =	shalt  }
0x51: {  	_ =	shalt  }
0x52: {  	_ =	shalt  }
0x53: {  	_ =	shalt  }
0x54: {  	_ =	shalt  }
0x55: {  	_ =	shalt  }
0x56: {  	_ =	shalt  }
0x57: {  	_ =	shalt  }
0x58: {  	_ =	shalt  }
0x59: {  	_ =	shalt  }
0x5a: {  	_ =	shalt  }
0x5b: {  	_ =	shalt  }
0x5c: {  	_ =	shalt  }
0x5d: {  	_ =	shalt  }
0x5e: {  	_ =	shalt  }
0x5f: {  	_ =	shalt  }
0x60: {  	_ =	shalt  }
0x61: {  	_ =	shalt  }
0x62: {  	_ =	shalt  }
0x63: {  	_ =	shalt  }
0x64: {  	_ =	shalt  }
0x65: {  	_ =	shalt  }
0x66: {  	_ =	shalt  }
0x67: {  	_ =	shalt  }
0x68: {  	_ =	shalt  }
0x69: {  	_ =	shalt  }
0x6a: {  	_ =	shalt  }
0x6b: {  	_ =	shalt  }
0x6c: {  	_ =	shalt  }
0x6d: {  	_ =	shalt  }
0x6e: {  	_ =	shalt  }
0x6f: {  	_ =	shalt  }
0x70: {  	_ =	shalt  }
0x71: {  	_ =	shalt  }
0x72: {  	_ =	shalt  }
0x73: {  	_ =	shalt  }
0x74: {  	_ =	shalt  }
0x75: {  	_ =	shalt  }
0x76: {  	_ =	shalt  }
0x77: {  	_ =	shalt  }
0x78: {  	_ =	shalt  }
0x79: {  	_ =	shalt  }
0x7a: {  	_ =	shalt  }
0x7b: {  	_ =	shalt  }
0x7c: {  	_ =	shalt  }
0x7d: {  	_ =	shalt  }
0x7e: {  	_ =	shalt  }
0x7f: {  	_ =	shalt  }
0x80: {  	_ =	shalt  }
0x81: {  	_ =	shalt  }
0x82: {  	_ =	shalt  }
0x83: {  	_ =	shalt  }
0x84: {  	_ =	shalt  }
0x85: {  	_ =	shalt  }
0x86: {  	_ =	shalt  }
0x87: {  	_ =	shalt  }
.Lfunc_end0:
.L_simem_size_0:
called_computation_lowered:
.L_overlay_start_0:
0x88: {  	s2 =	sld [smem:$0x3FD9]  }
0x89: {  	s3 =	sld [smem:$0x3FFE];
	_ =	sdelay $0x1  }
0x8a: {  	s1 =	srdreg.scid  }
0x8b: {  	s0 =	sand.u32 $0x1, s1  }
0x8c: {  	s14 =	sshll.u32 s0, $0xA;
	s2 =	sadd.s32 s3, s2  }
0x8d: {  	s2 =	sadd.s32 s2, s14  }
0x8e: {  	[smem:$0x3FC5] =	sst s2  }
0x8f: {  	_ = 	snop  }
0x90: {  	s2 =	sld [smem:$0x3FD0];
	_ =	sdelay $0x2  }
0x91: {  	s15 =	simm.s32 $0xA;
	s4 =	simm.s32 $0x10  }
0x92: {  	[smem:s4], [sflag:s15] =	dma.local [hbm:s2], $0x1  }
0x93: {  	_ =	swait.eq [sflag:s15], $0x1  }
0x94: {  	[sflag:s15] =	ssyncset.done $0x0  }
0x95: {  	[sflag:s15] =	ssyncadd.s32 $0xFFFFFFFF  }
0x96: {  	s16 =	sld [smem:$0x11];
	(tm) =	ssettm $0x1  }
0x97: {  	s17 =	sld [smem:$0x3FFB];
	_ =	sdelay $0x3  }
0x98: {  	_ =	strace s17  }
0x99: {  	s3 =	sld [smem:$0x3FFC];
	_ =	sdelay $0x3  }
0x9a: {  	_ =	strace s3  }
0x9b: {  	s3 =	sld [smem:$0x3FFD];
	_ =	sdelay $0x3  }
0x9c: {  	_ =	strace s3  }
0x9d: {  	_ =	strace $0x8FFFFFFF  }
0x9e: {  	s18 =	sld [smem:$0x3FDB];
	_ =	sdelay $0x1  }
0x9f: {  	s19 =	simm.s32 $_scs_section_size  }
0xa0: {  	s5 =	simm.s32 $_size__tile_overlayer_lowered;
	s6 =	simm.s32 $_tile_overlayer_lowered  }
0xa1: {  	s22 =	simm.s32 $0x1BFF;
	s21 =	sshll.u32 s6, $0x1;
	s3 =	sadd.s32 s19, s18  }
0xa2: {  	s7 =	simm.s32 $0x0;
	s20 =	sshll.u32 s5, $0x1;
	s5 =	sadd.s32 s21, s3  }
0xa3: {  	[timem:s7], [sflag:s22] =	dma.local [hbm:s5], s20  }
0xa4: {  	_ =	swait.ge [sflag:s22], s20  }
0xa5: {  	s4 =	ssub.s32 $0x0, s20;
	[sflag:s22] =	ssyncset.done $0x0  }
0xa6: {  	[sflag:s22] =	ssyncadd.s32 s4;
	_ =	sdelay $0x1  }
0xa7: {  	s23 =	simm.s32 $0x1B8B  }
0xa8: {  	_ =	swait.ge [sflag:s23], $0x1  }
0xa9: {  	[sflag:s23] =	ssyncset.done $0x0  }
0xaa: {  	s25 =	simm.s32 $0x1B8E;
	s24 =	sld [smem:$0x3FFE];
	[sflag:s23] =	ssyncadd.s32 $0xFFFFFFFF  }
0xab: {  	s26 =	simm.s32 $execute0_lowered;
	[smem:$0x3FD2] =	sst s25  }
0xac: {  	s5 =	sshll.u32 s26, $0x1;
	_ =	strace $0x80000046;
	[dreg:$0x1] =	wrdreg $0xFFFFFFFF  }
0xad: {  	s28 =	simm.s32 $_size_execute0_lowered;
	s3 =	sadd.s32 s3, s5;
	[dreg:$0x0] =	wrdreg $0x0  }
0xae: {  	s5 =	sshll.u32 s28, $0x1;
	[dreg:$0x2] =	wrdreg s3  }
0xaf: {  	[dreg:$0x3] =	wrdreg s5  }
0xb0: {  	[dreg:$0x4] =	wrdreg $0xC0  }
0xb1: {  	_ =	task [dreg:s7], $0x5FFFF  }
0xb2: {  	[dreg:$0x1] =	wrdreg $0xFFFFFFFF  }
0xb3: {  	[dreg:$0x0] =	wrdreg $0x60  }
0xb4: {  	[dreg:$0x2] =	wrdreg s24  }
0xb5: {  	[dreg:$0x3] =	wrdreg s16  }
0xb6: {  	[dreg:$0x4] =	wrdreg $0x9  }
0xb7: {  	_ =	task.clear_ibuf [dreg:s7], $0x5FFFF;
	_ =	strace $0x90000046  }
0xb8: {  	s29 =	simm.s32 $0x9;
	_ =	strace $0x80000048  }
0xb9: {  	_ =	swait.ge [sflag:s29], $0x1  }
0xba: {  	[sflag:s29] =	ssyncadd.s32 $0xFFFFFFFF  }
0xbb: {  	_ =	strace $0x90000048  }
0xbc: {  	_ =	sfence  }
0xbd: {  	s30 =	sld [smem:$0x0];
	_ =	sdelay $0x2  }
0xbe: {  	s31 =	sshll.u32 s1, $0xD;
	s1 =	sshrl.u32 s1, $0x2  }
0xbf: {  	s3 =	sand.u32 $0x4000, s31;
	s1 =	sadd.s32 s1, s30  }
0xc0: {  	s0 =	sor.u32 s3, s0;
	s1 =	sshll.u32 s1, $0x11  }
0xc1: {  	s0 =	sor.u32 s1, s0  }
0xc2: {  	s0 =	sadd.s32 $0x8F2B, s0  }
0xc3: {  	[sflag:s0] =	ssyncadd.remote.s32 $0x1  }
0xc4: {  	_ =	sfence.sel $0xFFFF  }
0xc5: {  	[dreg:$0x0] =	wrdreg $0xFFFFFFFF;
	(pc) =	sbr.abs _section_cstart, $3  }
0xc6: {  	[dreg:$0x1] =	wrdreg $0xFFFFFFFF  }
0xc7: {  	_ =	task.clear_ibuf [dreg:s7], $0x2FFFF;
	_ =	strace $0x9FFFFFFF  }
0xc8: {  	(tm) =	ssettm $0x7FFFFFFF  }
0xc9: {  	_ =	shalt  }
tec
execute0_lowered:
.L_overlay_start_1:
0x0: {  	(tag) =	ssettag $0x1  }
0x1: {  	s1 =	srdreg.scid  }
0x2: {  	s0 =	stileid.u32;
	s30 =	sand.u32 $0x1, s1  }
0x3: {  	s14 =	rddreg [dreg:$0x0];
	s4 =	sshll.u32 s0, $0x5;
	s5 =	sshll.u32 s30, $0x4  }
0x4: {  	s3 =	rddreg [dreg:$0x1];
	s2 =	simm.s32 $0x0;
	s15 =	sor.u32 s5, s4  }
0x5: {  	[smem:$0x7FF] =	sst s2;
	s4 =	sshll.u32 s15, $0x4  }
0x6: {  	_ =	strace $0x80000047;
	s4 =	sadd.s32 s3, s4;
	s3 =	simm.s32 $0x2  }
0x7: {  	[tilespmem:s2], [sflag:$0x2] =	stream.linear.gather [hbm4b:s4+s2], $0x800, $0x38;
	[tilespmem:$0x10800] =	vst v63  }
0x8: {  	_ =	swait.ge [sflag:s3], $0x800  }
0x9: {  	s6 =	simm.s32 $0x80;
	[sflag:s3] =	ssyncset.done $0x0  }
0xa: {  	s7 =	simm.s32 $0x800;
	s5 =	sadd.s32 $0x1200, s14;
	[sflag:s3] =	ssyncadd.s32 $0xFFFFF800  }
0xb: {  	[tilespmem:s7], [sflag:$0x1] =	stream.indirect.gather [hbm4b:s5+s6], $0x80, s2, s6, $0xb8;
	[tilespmem:$0x10800] =	vst v63  }
0xc: {  	s8 =	simm.s32 $0x4800  }
0xd: {  	[tilespmem:s8], [sflag:$0x1] =	stream.indirect.gather [hbm4b:s5+s6], $0x80, s6, s6, $0xb8;
	[tilespmem:$0x10800] =	vst v63  }
0xe: {  	s9 =	simm.s32 $0x100;
	s10 =	simm.s32 $0x8800  }
0xf: {  	[tilespmem:s10], [sflag:$0x1] =	stream.indirect.gather [hbm4b:s5+s6], $0x80, s9, s6, $0xb8;
	[tilespmem:$0x10800] =	vst v63  }
0x10: {  	s11 =	simm.s32 $0x180;
	s12 =	simm.s32 $0xC800;
	s13 =	simm.s32 $0x1  }
0x11: {  	[tilespmem:s12], [sflag:$0x1] =	stream.indirect.gather [hbm4b:s5+s6], $0x80, s11, s6, $0xb8;
	[tilespmem:$0x10800] =	vst v63  }
0x12: {  	_ =	swait.ge [sflag:s13], $0x4000  }
0x13: {  	[sflag:s13] =	ssyncset.done $0x0  }
0x14: {  	[sflag:s13] =	ssyncadd.s32 $0xFFFFC000  }
0x15: {  	_ =	swait.ge [sflag:s13], $0x4000  }
0x16: {  	[sflag:s13] =	ssyncset.done $0x0  }
0x17: {  	[sflag:s13] =	ssyncadd.s32 $0xFFFFC000  }
0x18: {  	_ =	swait.ge [sflag:s13], $0x4000  }
0x19: {  	[sflag:s13] =	ssyncset.done $0x0  }
0x1a: {  	[sflag:s13] =	ssyncadd.s32 $0xFFFFC000  }
0x1b: {  	s15 =	sshll.u32 s15, $0xB;
	_ =	swait.ge [sflag:s13], $0x4000  }
0x1c: {  	s31 =	sadd.s32 s15, s14;
	[sflag:s13] =	ssyncset.done $0x0  }
0x1d: {  	s14 =	sadd.s32 $0x811200, s31;
	[sflag:s13] =	ssyncadd.s32 $0xFFFFC000  }
0x1e: {  	[hbm4b:s14+s2] =	stream.linear.scatter [tilespmem:s7], [sflag:$0x2], $0x10000, $0x38;
	[tilespmem:$0x10800] =	vst v63  }
0x1f: {  	_ =	swait.ge [sflag:s3], $0x10000  }
0x20: {  	[sflag:s3] =	ssyncset.done $0x0  }
0x21: {  	s15 =	simm.s32 $0x200;
	[sflag:s3] =	ssyncadd.s32 $0xFFFF0000  }
0x22: {  	[tilespmem:s7], [sflag:$0x1] =	stream.indirect.gather [hbm4b:s5+s6], $0x80, s15, s6, $0xb8;
	[tilespmem:$0x10800] =	vst v63  }
0x23: {  	s16 =	simm.s32 $0x280  }
0x24: {  	[tilespmem:s8], [sflag:$0x1] =	stream.indirect.gather [hbm4b:s5+s6], $0x80, s16, s6, $0xb8;
	[tilespmem:$0x10800] =	vst v63  }
0x25: {  	s17 =	simm.s32 $0x300  }
0x26: {  	[tilespmem:s10], [sflag:$0x1] =	stream.indirect.gather [hbm4b:s5+s6], $0x80, s17, s6, $0xb8;
	[tilespmem:$0x10800] =	vst v63  }
0x27: {  	s18 =	simm.s32 $0x380  }
0x28: {  	[tilespmem:s12], [sflag:$0x1] =	stream.indirect.gather [hbm4b:s5+s6], $0x80, s18, s6, $0xb8;
	[tilespmem:$0x10800] =	vst v63  }
0x29: {  	_ =	swait.ge [sflag:s13], $0x4000  }
0x2a: {  	[sflag:s13] =	ssyncset.done $0x0  }
0x2b: {  	[sflag:s13] =	ssyncadd.s32 $0xFFFFC000  }
0x2c: {  	_ =	swait.ge [sflag:s13], $0x4000  }
0x2d: {  	[sflag:s13] =	ssyncset.done $0x0  }
0x2e: {  	[sflag:s13] =	ssyncadd.s32 $0xFFFFC000  }
0x2f: {  	_ =	swait.ge [sflag:s13], $0x4000  }
0x30: {  	[sflag:s13] =	ssyncset.done $0x0  }
0x31: {  	[sflag:s13] =	ssyncadd.s32 $0xFFFFC000  }
0x32: {  	_ =	swait.ge [sflag:s13], $0x4000  }
0x33: {  	[sflag:s13] =	ssyncset.done $0x0  }
0x34: {  	s19 =	sadd.s32 $0x813200, s31;
	[sflag:s13] =	ssyncadd.s32 $0xFFFFC000  }
0x35: {  	[hbm4b:s19+s2] =	stream.linear.scatter [tilespmem:s7], [sflag:$0x2], $0x10000, $0x38;
	[tilespmem:$0x10800] =	vst v63  }
0x36: {  	_ =	swait.ge [sflag:s3], $0x10000  }
0x37: {  	[sflag:s3] =	ssyncset.done $0x0  }
0x38: {  	s20 =	simm.s32 $0x400;
	[sflag:s3] =	ssyncadd.s32 $0xFFFF0000  }
0x39: {  	[tilespmem:s7], [sflag:$0x1] =	stream.indirect.gather [hbm4b:s5+s6], $0x80, s20, s6, $0xb8;
	[tilespmem:$0x10800] =	vst v63  }
0x3a: {  	s21 =	simm.s32 $0x480  }
0x3b: {  	[tilespmem:s8], [sflag:$0x1] =	stream.indirect.gather [hbm4b:s5+s6], $0x80, s21, s6, $0xb8;
	[tilespmem:$0x10800] =	vst v63  }
0x3c: {  	s22 =	simm.s32 $0x500  }
0x3d: {  	[tilespmem:s10], [sflag:$0x1] =	stream.indirect.gather [hbm4b:s5+s6], $0x80, s22, s6, $0xb8;
	[tilespmem:$0x10800] =	vst v63  }
0x3e: {  	s23 =	simm.s32 $0x580  }
0x3f: {  	[tilespmem:s12], [sflag:$0x1] =	stream.indirect.gather [hbm4b:s5+s6], $0x80, s23, s6, $0xb8;
	[tilespmem:$0x10800] =	vst v63  }
0x40: {  	_ =	swait.ge [sflag:s13], $0x4000  }
0x41: {  	[sflag:s13] =	ssyncset.done $0x0  }
0x42: {  	[sflag:s13] =	ssyncadd.s32 $0xFFFFC000  }
0x43: {  	_ =	swait.ge [sflag:s13], $0x4000  }
0x44: {  	[sflag:s13] =	ssyncset.done $0x0  }
0x45: {  	[sflag:s13] =	ssyncadd.s32 $0xFFFFC000  }
0x46: {  	_ =	swait.ge [sflag:s13], $0x4000  }
0x47: {  	[sflag:s13] =	ssyncset.done $0x0  }
0x48: {  	[sflag:s13] =	ssyncadd.s32 $0xFFFFC000  }
0x49: {  	_ =	swait.ge [sflag:s13], $0x4000  }
0x4a: {  	[sflag:s13] =	ssyncset.done $0x0  }
0x4b: {  	s24 =	sadd.s32 $0x815200, s31;
	[sflag:s13] =	ssyncadd.s32 $0xFFFFC000  }
0x4c: {  	[hbm4b:s24+s2] =	stream.linear.scatter [tilespmem:s7], [sflag:$0x2], $0x10000, $0x38;
	[tilespmem:$0x10800] =	vst v63  }
0x4d: {  	_ =	swait.ge [sflag:s3], $0x10000  }
0x4e: {  	[sflag:s3] =	ssyncset.done $0x0  }
0x4f: {  	s25 =	simm.s32 $0x600;
	[sflag:s3] =	ssyncadd.s32 $0xFFFF0000  }
0x50: {  	[tilespmem:s7], [sflag:$0x1] =	stream.indirect.gather [hbm4b:s5+s6], $0x80, s25, s6, $0xb8;
	[tilespmem:$0x10800] =	vst v63  }
0x51: {  	s26 =	simm.s32 $0x680  }
0x52: {  	[tilespmem:s8], [sflag:$0x1] =	stream.indirect.gather [hbm4b:s5+s6], $0x80, s26, s6, $0xb8;
	[tilespmem:$0x10800] =	vst v63  }
0x53: {  	s28 =	simm.s32 $0x700  }
0x54: {  	[tilespmem:s10], [sflag:$0x1] =	stream.indirect.gather [hbm4b:s5+s6], $0x80, s28, s6, $0xb8;
	[tilespmem:$0x10800] =	vst v63  }
0x55: {  	s29 =	simm.s32 $0x780  }
0x56: {  	[tilespmem:s12], [sflag:$0x1] =	stream.indirect.gather [hbm4b:s5+s6], $0x80, s29, s6, $0xb8;
	[tilespmem:$0x10800] =	vst v63  }
0x57: {  	_ =	swait.ge [sflag:s13], $0x4000  }
0x58: {  	[sflag:s13] =	ssyncset.done $0x0  }
0x59: {  	[sflag:s13] =	ssyncadd.s32 $0xFFFFC000  }
0x5a: {  	_ =	swait.ge [sflag:s13], $0x4000  }
0x5b: {  	[sflag:s13] =	ssyncset.done $0x0  }
0x5c: {  	s30 =	ssub.s32 $0x2, s30;
	[sflag:s13] =	ssyncadd.s32 $0xFFFFC000  }
0x5d: {  	s1 =	sshrl.u32 s30, $0x1;
	_ =	swait.ge [sflag:s13], $0x4000  }
0x5e: {  	s1 =	ssub.s32 s30, s1;
	[sflag:s13] =	ssyncset.done $0x0  }
0x5f: {  	s1 =	smax.u32 s1, $0x1;
	[sflag:s13] =	ssyncadd.s32 $0xFFFFC000  }
0x60: {  	p0 =	sne.s32 s1, $0x1;
	_ =	swait.ge [sflag:s13], $0x4000  }
.Ltmp0:
0x61: {  	[sflag:s13] =	ssyncset.done $0x0;
	(pc) =	sbr.rel @!p0 .LBB2_2-.Ltmp0, $4  }
0x62: {  	s30 =	sadd.s32 $0x817200, s31;
	[sflag:s13] =	ssyncadd.s32 $0xFFFFC000  }
0x63: {  	[hbm4b:s30+s2] =	stream.linear.scatter [tilespmem:s7], [sflag:$0x2], $0x10000, $0x38;
	[tilespmem:$0x10800] =	vst v63  }
0x64: {  	_ =	swait.ge [sflag:s3], $0x10000  }
0x65: {  	s31 =	sadd.s32 $0xFFFFFFFF, s1;
	[sflag:s3] =	ssyncset.done $0x0  }
.LBB2_1:
0x66: {  	p0 =	sne.s32 s31, $0x1;
	s31 =	sadd.s32 $0xFFFFFFFF, s31;
	[sflag:s3] =	ssyncadd.s32 $0xFFFF0000  }
0x67: {  	[tilespmem:s2], [sflag:$0x2] =	stream.linear.gather [hbm4b:s4+s2], $0x800, $0x38;
	[tilespmem:$0x10800] =	vst v63  }
0x68: {  	_ =	swait.ge [sflag:s3], $0x800  }
0x69: {  	[sflag:s3] =	ssyncset.done $0x0  }
0x6a: {  	[sflag:s3] =	ssyncadd.s32 $0xFFFFF800  }
0x6b: {  	[tilespmem:s7], [sflag:$0x1] =	stream.indirect.gather [hbm4b:s5+s6], $0x80, s2, s6, $0xb8;
	[tilespmem:$0x10800] =	vst v63  }
0x6c: {  	_ = 	snop  }
0x6d: {  	[tilespmem:s8], [sflag:$0x1] =	stream.indirect.gather [hbm4b:s5+s6], $0x80, s6, s6, $0xb8;
	[tilespmem:$0x10800] =	vst v63  }
0x6e: {  	_ = 	snop  }
0x6f: {  	[tilespmem:s10], [sflag:$0x1] =	stream.indirect.gather [hbm4b:s5+s6], $0x80, s9, s6, $0xb8;
	[tilespmem:$0x10800] =	vst v63  }
0x70: {  	_ = 	snop  }
0x71: {  	[tilespmem:s12], [sflag:$0x1] =	stream.indirect.gather [hbm4b:s5+s6], $0x80, s11, s6, $0xb8;
	[tilespmem:$0x10800] =	vst v63  }
0x72: {  	_ =	swait.ge [sflag:s13], $0x4000  }
0x73: {  	[sflag:s13] =	ssyncset.done $0x0  }
0x74: {  	[sflag:s13] =	ssyncadd.s32 $0xFFFFC000  }
0x75: {  	_ =	swait.ge [sflag:s13], $0x4000  }
0x76: {  	[sflag:s13] =	ssyncset.done $0x0  }
0x77: {  	[sflag:s13] =	ssyncadd.s32 $0xFFFFC000  }
0x78: {  	_ =	swait.ge [sflag:s13], $0x4000  }
0x79: {  	[sflag:s13] =	ssyncset.done $0x0  }
0x7a: {  	[sflag:s13] =	ssyncadd.s32 $0xFFFFC000  }
0x7b: {  	_ =	swait.ge [sflag:s13], $0x4000  }
0x7c: {  	[sflag:s13] =	ssyncset.done $0x0  }
0x7d: {  	[sflag:s13] =	ssyncadd.s32 $0xFFFFC000  }
0x7e: {  	[hbm4b:s14+s2] =	stream.linear.scatter [tilespmem:s7], [sflag:$0x2], $0x10000, $0x38;
	[tilespmem:$0x10800] =	vst v63  }
0x7f: {  	_ =	swait.ge [sflag:s3], $0x10000  }
0x80: {  	[sflag:s3] =	ssyncset.done $0x0  }
0x81: {  	[sflag:s3] =	ssyncadd.s32 $0xFFFF0000  }
0x82: {  	[tilespmem:s7], [sflag:$0x1] =	stream.indirect.gather [hbm4b:s5+s6], $0x80, s15, s6, $0xb8;
	[tilespmem:$0x10800] =	vst v63  }
0x83: {  	_ = 	snop  }
0x84: {  	[tilespmem:s8], [sflag:$0x1] =	stream.indirect.gather [hbm4b:s5+s6], $0x80, s16, s6, $0xb8;
	[tilespmem:$0x10800] =	vst v63  }
0x85: {  	_ = 	snop  }
0x86: {  	[tilespmem:s10], [sflag:$0x1] =	stream.indirect.gather [hbm4b:s5+s6], $0x80, s17, s6, $0xb8;
	[tilespmem:$0x10800] =	vst v63  }
0x87: {  	_ = 	snop  }
0x88: {  	[tilespmem:s12], [sflag:$0x1] =	stream.indirect.gather [hbm4b:s5+s6], $0x80, s18, s6, $0xb8;
	[tilespmem:$0x10800] =	vst v63  }
0x89: {  	_ =	swait.ge [sflag:s13], $0x4000  }
0x8a: {  	[sflag:s13] =	ssyncset.done $0x0  }
0x8b: {  	[sflag:s13] =	ssyncadd.s32 $0xFFFFC000  }
0x8c: {  	_ =	swait.ge [sflag:s13], $0x4000  }
0x8d: {  	[sflag:s13] =	ssyncset.done $0x0  }
0x8e: {  	[sflag:s13] =	ssyncadd.s32 $0xFFFFC000  }
0x8f: {  	_ =	swait.ge [sflag:s13], $0x4000  }
0x90: {  	[sflag:s13] =	ssyncset.done $0x0  }
0x91: {  	[sflag:s13] =	ssyncadd.s32 $0xFFFFC000  }
0x92: {  	_ =	swait.ge [sflag:s13], $0x4000  }
0x93: {  	[sflag:s13] =	ssyncset.done $0x0  }
0x94: {  	[sflag:s13] =	ssyncadd.s32 $0xFFFFC000  }
0x95: {  	[hbm4b:s19+s2] =	stream.linear.scatter [tilespmem:s7], [sflag:$0x2], $0x10000, $0x38;
	[tilespmem:$0x10800] =	vst v63  }
0x96: {  	_ =	swait.ge [sflag:s3], $0x10000  }
0x97: {  	[sflag:s3] =	ssyncset.done $0x0  }
0x98: {  	[sflag:s3] =	ssyncadd.s32 $0xFFFF0000  }
0x99: {  	[tilespmem:s7], [sflag:$0x1] =	stream.indirect.gather [hbm4b:s5+s6], $0x80, s20, s6, $0xb8;
	[tilespmem:$0x10800] =	vst v63  }
0x9a: {  	_ = 	snop  }
0x9b: {  	[tilespmem:s8], [sflag:$0x1] =	stream.indirect.gather [hbm4b:s5+s6], $0x80, s21, s6, $0xb8;
	[tilespmem:$0x10800] =	vst v63  }
0x9c: {  	_ = 	snop  }
0x9d: {  	[tilespmem:s10], [sflag:$0x1] =	stream.indirect.gather [hbm4b:s5+s6], $0x80, s22, s6, $0xb8;
	[tilespmem:$0x10800] =	vst v63  }
0x9e: {  	_ = 	snop  }
0x9f: {  	[tilespmem:s12], [sflag:$0x1] =	stream.indirect.gather [hbm4b:s5+s6], $0x80, s23, s6, $0xb8;
	[tilespmem:$0x10800] =	vst v63  }
0xa0: {  	_ =	swait.ge [sflag:s13], $0x4000  }
0xa1: {  	[sflag:s13] =	ssyncset.done $0x0  }
0xa2: {  	[sflag:s13] =	ssyncadd.s32 $0xFFFFC000  }
0xa3: {  	_ =	swait.ge [sflag:s13], $0x4000  }
0xa4: {  	[sflag:s13] =	ssyncset.done $0x0  }
0xa5: {  	[sflag:s13] =	ssyncadd.s32 $0xFFFFC000  }
0xa6: {  	_ =	swait.ge [sflag:s13], $0x4000  }
0xa7: {  	[sflag:s13] =	ssyncset.done $0x0  }
0xa8: {  	[sflag:s13] =	ssyncadd.s32 $0xFFFFC000  }
0xa9: {  	_ =	swait.ge [sflag:s13], $0x4000  }
0xaa: {  	[sflag:s13] =	ssyncset.done $0x0  }
0xab: {  	[sflag:s13] =	ssyncadd.s32 $0xFFFFC000  }
0xac: {  	[hbm4b:s24+s2] =	stream.linear.scatter [tilespmem:s7], [sflag:$0x2], $0x10000, $0x38;
	[tilespmem:$0x10800] =	vst v63  }
0xad: {  	_ =	swait.ge [sflag:s3], $0x10000  }
0xae: {  	[sflag:s3] =	ssyncset.done $0x0  }
0xaf: {  	[sflag:s3] =	ssyncadd.s32 $0xFFFF0000  }
0xb0: {  	[tilespmem:s7], [sflag:$0x1] =	stream.indirect.gather [hbm4b:s5+s6], $0x80, s25, s6, $0xb8;
	[tilespmem:$0x10800] =	vst v63  }
0xb1: {  	_ = 	snop  }
0xb2: {  	[tilespmem:s8], [sflag:$0x1] =	stream.indirect.gather [hbm4b:s5+s6], $0x80, s26, s6, $0xb8;
	[tilespmem:$0x10800] =	vst v63  }
0xb3: {  	_ = 	snop  }
0xb4: {  	[tilespmem:s10], [sflag:$0x1] =	stream.indirect.gather [hbm4b:s5+s6], $0x80, s28, s6, $0xb8;
	[tilespmem:$0x10800] =	vst v63  }
0xb5: {  	_ = 	snop  }
0xb6: {  	[tilespmem:s12], [sflag:$0x1] =	stream.indirect.gather [hbm4b:s5+s6], $0x80, s29, s6, $0xb8;
	[tilespmem:$0x10800] =	vst v63  }
0xb7: {  	_ =	swait.ge [sflag:s13], $0x4000  }
0xb8: {  	[sflag:s13] =	ssyncset.done $0x0  }
0xb9: {  	[sflag:s13] =	ssyncadd.s32 $0xFFFFC000  }
0xba: {  	_ =	swait.ge [sflag:s13], $0x4000  }
0xbb: {  	[sflag:s13] =	ssyncset.done $0x0  }
0xbc: {  	[sflag:s13] =	ssyncadd.s32 $0xFFFFC000  }
0xbd: {  	_ =	swait.ge [sflag:s13], $0x4000  }
0xbe: {  	[sflag:s13] =	ssyncset.done $0x0  }
0xbf: {  	[sflag:s13] =	ssyncadd.s32 $0xFFFFC000  }
0xc0: {  	_ =	swait.ge [sflag:s13], $0x4000  }
.Ltmp1:
0xc1: {  	[sflag:s13] =	ssyncset.done $0x0;
	(pc) =	sbr.rel @p0 .LBB2_1-.Ltmp1, $4  }
0xc2: {  	[sflag:s13] =	ssyncadd.s32 $0xFFFFC000  }
0xc3: {  	[hbm4b:s30+s2] =	stream.linear.scatter [tilespmem:s7], [sflag:$0x2], $0x10000, $0x38;
	[tilespmem:$0x10800] =	vst v63  }
0xc4: {  	_ =	swait.ge [sflag:s3], $0x10000  }
0xc5: {  	[sflag:s3] =	ssyncset.done $0x0  }
.LBB2_2:
0xc6: {  	[sflag:s3] =	ssyncadd.s32 $0xFFFF0000  }
0xc7: {  	_ =	sfence.sel $0x180000  }
0xc8: {  	[bflag:$0x0] =	sbarrier.arrive $0xFFFF  }
0xc9: {  	_ =	strace $0x90000047  }
0xca: {  	[bflag:$0x2] =	sbarrier.arrive $0xFFFF  }
0xcb: {  	p0 =	sne.s32 s0, $0x0;
	s0 =	rddreg [dreg:$0x2]  }
0xcc: {  	s0 =	sadd.s32 @!p0 $0x100000, s0  }
0xcd: {  	[sflag:s0] =	ssyncadd.tile.s32 @!p0 $0x1;
	_ =	shalt  }
.Lfunc_end2:
_tile_overlayer_lowered:
.L_overlay_start_2:
0xce: {  	(tag) =	ssettag $0x2  }
0xcf: {  	s0 =	rddreg [dreg:$0x0];
	s2 =	stileid.u32  }
0xd0: {  	s1 =	rddreg [dreg:$0x1];
	p0 =	sne.s32 s2, $0x0  }
0xd1: {  	s3 =	rddreg [dreg:$0x2];
	[bflag:$0x3] =	sbarrier.arrive $0xFFFF;
	s2 =	simm.s32 @!p0 $0x1C02  }
0xd2: {  	[timem:s3], [sflag:s2] =	dma.local @!p0 [hbm:s0], s1  }
0xd3: {  	s0 =	simm.s32 @!p0 $0x2  }
0xd4: {  	_ =	swait.ge @!p0 [sflag:s0], s1  }
0xd5: {  	s1 =	ssub.s32 @!p0 $0x0, s1;
	[sflag:s0] =	ssyncset.done @!p0 $0x0  }
0xd6: {  	[sflag:s0] =	ssyncadd.s32 @!p0 s1  }
0xd7: {  	[bflag:$0x3] =	sbarrier.arrive $0xFFFF  }
0xd8: {  	_ =	shalt  }

</sc_bundles>
